<compile_context>
chip_gen: v7x
topology: tpu7x:2x2x1
jax: 0.10.2.dev20260603
libtpu: 0.0.44.dev20260713+nightly
codegen_flags: <defaults>
</compile_context>

<pallas_src>
import functools
import math

import jax
import jax.numpy as jnp
from jax import lax
from jax.experimental import pallas as pl
from jax.experimental.pallas import tpu as pltpu
from jax.experimental.pallas import tpu_sc as plsc

_NB = 8
_K = _NB + 1
_ALPHA = 0.5
_REG = 0.1
_N_OUTER = 3
_N_SINK = 5
_LOG_EPS = math.log(1e-30)

_BB = 128
_NPAD = 10240
_SC_NC = 2
_SC_NS = 16
_SC_CHUNK = 120


def _sc_mesh():
    return plsc.VectorSubcoreMesh(
        core_axis_name="c", subcore_axis_name="s",
        num_cores=_SC_NC, num_subcores=_SC_NS)


def _rank_in_vec(v):
    io = lax.iota(jnp.int32, 16)
    one = jnp.ones((16,), jnp.int32)
    zero = jnp.zeros((16,), jnp.int32)
    rank = zero
    nlater = zero
    for j in range(16):
        eq = jnp.where(v == v[j], one, zero)
        rank = rank + jnp.where(io > j, eq, zero)
        nlater = nlater + jnp.where(io < j, eq, zero)
    return rank, nlater


def _count_edges(src_pad, n_slots):
    ne_pad = src_pad.shape[0]
    nw = _SC_NC * _SC_NS
    chunk = ne_pad // nw

    @functools.partial(
        pl.kernel,
        out_type=jax.ShapeDtypeStruct((nw, n_slots // 128, 128), jnp.int32),
        mesh=_sc_mesh(),
        compiler_params=pltpu.CompilerParams(needs_layout_passes=False),
        scratch_types=[
            pltpu.VMEM((chunk,), jnp.int32),
            pltpu.VMEM((n_slots // 128, 128), jnp.int32),
        ],
    )
    def count_kernel(src_hbm, out_hbm, srcbuf, cnt):
        wid = lax.axis_index("s") * _SC_NC + lax.axis_index("c")
        zeros16 = jnp.zeros((16,), jnp.int32)

        def z_body(i, _):
            for j in range(8):
                cnt[i, pl.ds(j * 16, 16)] = zeros16
            return _

        lax.fori_loop(0, n_slots // 128, z_body, 0)
        pltpu.sync_copy(src_hbm.at[pl.ds(wid * chunk, chunk)], srcbuf)

        def c_body(i, _):
            v = srcbuf[pl.ds(i * 16, 16)]
            rank, nlater = _rank_in_vec(v)
            vh = v >> 7
            vl = v & 127
            c = plsc.load_gather(cnt, [vh, vl])
            plsc.store_scatter(cnt, [vh, vl], c + rank + nlater + 1,
                               mask=nlater == 0)
            return _

        lax.fori_loop(0, chunk // 16, c_body, 0)
        pltpu.sync_copy(cnt, out_hbm.at[wid])

    return count_kernel(src_pad)


def _assign_slots(src_pad, dst_pad, offs, n_slots):
    ne_pad = src_pad.shape[0]
    nw = _SC_NC * _SC_NS
    chunk = ne_pad // nw
    tbl_w = (_NB + 1) * n_slots

    @functools.partial(
        pl.kernel,
        out_type=jax.ShapeDtypeStruct((nw, tbl_w // 128, 128), jnp.int32),
        mesh=_sc_mesh(),
        compiler_params=pltpu.CompilerParams(needs_layout_passes=False),
        scratch_types=[
            pltpu.VMEM((chunk,), jnp.int32),
            pltpu.VMEM((chunk,), jnp.int32),
            pltpu.VMEM((n_slots // 128, 128), jnp.int32),
            pltpu.VMEM((tbl_w // 128, 128), jnp.int32),
        ],
    )
    def assign_kernel(src_hbm, dst_hbm, offs_hbm, out_hbm,
                      srcbuf, dstbuf, cnt, tbl):
        wid = lax.axis_index("s") * _SC_NC + lax.axis_index("c")
        zeros16 = jnp.zeros((16,), jnp.int32)

        def z_body(i, _):
            for j in range(8):
                tbl[i, pl.ds(j * 16, 16)] = zeros16
            return _

        lax.fori_loop(0, tbl_w // 128, z_body, 0)
        pltpu.sync_copy(src_hbm.at[pl.ds(wid * chunk, chunk)], srcbuf)
        pltpu.sync_copy(dst_hbm.at[pl.ds(wid * chunk, chunk)], dstbuf)
        pltpu.sync_copy(offs_hbm.at[wid], cnt)

        def a_body(i, _):
            v = srcbuf[pl.ds(i * 16, 16)]
            d = dstbuf[pl.ds(i * 16, 16)]
            rank, nlater = _rank_in_vec(v)
            vh = v >> 7
            vl = v & 127
            c = plsc.load_gather(cnt, [vh, vl])
            slot = c + rank
            r = jnp.minimum(slot, _NB)
            addr = r * n_slots + v
            plsc.store_scatter(tbl, [addr >> 7, addr & 127], d + 1)
            plsc.store_scatter(cnt, [vh, vl], slot + nlater + 1,
                               mask=nlater == 0)
            return _

        lax.fori_loop(0, chunk // 16, a_body, 0)
        pltpu.sync_copy(tbl, out_hbm.at[wid])

    return assign_kernel(src_pad, dst_pad, offs)


def _gather_rows(table, idx_flat):
    n_idx = idx_flat.shape[0]
    d = table.shape[1]
    nw = _SC_NC * _SC_NS
    per_w = n_idx // nw
    n_chunks = per_w // _SC_CHUNK
    assert per_w * nw == n_idx and n_chunks * _SC_CHUNK == per_w

    idx3 = idx_flat.reshape(nw, n_chunks, _SC_CHUNK)
    mesh = plsc.VectorSubcoreMesh(
        core_axis_name="c", subcore_axis_name="s",
        num_cores=_SC_NC, num_subcores=_SC_NS)

    @functools.partial(
        pl.kernel,
        out_type=jax.ShapeDtypeStruct((n_idx, d), jnp.float32),
        mesh=mesh,
        scratch_types=[
            pltpu.VMEM((n_chunks, _SC_CHUNK), jnp.int32),
            pltpu.VMEM((_SC_CHUNK, d), jnp.float32),
            pltpu.VMEM((_SC_CHUNK, d), jnp.float32),
            pltpu.SemaphoreType.DMA,
            pltpu.SemaphoreType.DMA,
        ],
    )
    def gather_kernel(table_hbm, idx_hbm, out_hbm, idx_v, rows0, rows1,
                      sem0, sem1):
        wid = lax.axis_index("s") * _SC_NC + lax.axis_index("c")
        base = wid * per_w
        pltpu.sync_copy(idx_hbm.at[wid], idx_v)
        cp0 = pltpu.async_copy(table_hbm.at[idx_v.at[0]], rows0, sem0)

        def body(i, _):
            i1 = jnp.minimum(2 * i + 1, n_chunks - 1)
            pltpu.async_copy(table_hbm.at[idx_v.at[i1]], rows1, sem1)
            pltpu.make_async_copy(table_hbm.at[idx_v.at[0]], rows0,
                                  sem0).wait()
            pltpu.sync_copy(rows0, out_hbm.at[pl.ds(base + 2 * i * _SC_CHUNK,
                                                    _SC_CHUNK)])
            i2 = jnp.minimum(2 * i + 2, n_chunks - 1)
            pltpu.async_copy(table_hbm.at[idx_v.at[i2]], rows0, sem0)
            pltpu.make_async_copy(table_hbm.at[idx_v.at[0]], rows1,
                                  sem1).wait()
            pltpu.sync_copy(rows1,
                            out_hbm.at[pl.ds(base + (2 * i + 1) * _SC_CHUNK,
                                             _SC_CHUNK)])
            return _

        lax.fori_loop(0, n_chunks // 2, body, 0)
        pltpu.make_async_copy(table_hbm.at[idx_v.at[0]], rows0, sem0).wait()

    return gather_kernel(table, idx3)


def _solve_body(zg_ref, mk_ref, wm_ref, cqb_ref, c2b_ref, out_ref):
    k_ = zg_ref.shape[0]
    bb = zg_ref.shape[1]
    t_ = cqb_ref.shape[0]
    s_ = cqb_ref.shape[1]
    wm = wm_ref[...]
    cqb = cqb_ref[...]
    c2b = c2b_ref[...]

    ones8 = jnp.ones((bb, 8), jnp.float32)
    mh_ks = []
    for k in range(k_):
        f = zg_ref[k]
        fl = jnp.concatenate([f, f * f, ones8], axis=1)
        mt = jnp.dot(fl, wm, preferred_element_type=jnp.float32)
        mh_ks.append(mt.T.reshape(t_, 16, bb)[:, :s_, :])
    mh = jnp.stack(mh_ks, axis=0)

    mask = mk_ref[...]
    dm = jnp.sum(mask[1:], axis=0)
    deg = 1.0 + dm
    invdeg = 1.0 / deg
    logdeg = jnp.log(deg)
    logp = jnp.where(mask > 0.0, -logdeg[None, :], _LOG_EPS)
    logp4 = logp[:, None, None, :]
    logq = -math.log(float(s_))

    cp = jnp.concatenate([(dm * invdeg)[None], mask[1:] * invdeg[None, :]],
                         axis=0)
    cc = cp[:, None, None, :] + cqb[None]

    mask4 = mask[:, None, None, :]

    def tens_of(tp):
        a0 = jnp.sum(tp[1:] * mask4[1:], axis=0)
        ak = mask4[1:] * tp[0]
        a = jnp.concatenate([a0[None], ak], axis=0)
        ttm = jnp.zeros(a.shape, jnp.float32)
        for s in range(s_):
            ttm = ttm + a[:, :, s:s + 1, :] * c2b[None, :, s, :, :]
        return cc - 2.0 * ttm

    tp = jnp.broadcast_to((mask * (invdeg[None, :] / float(s_)))[:, None, None, :],
                          (k_, t_, s_, bb))

    for it in range(_N_OUTER):
        grad = mh + tens_of(tp)
        lk = grad * (-1.0 / _REG)
        ft = jnp.zeros((k_, t_, 1, bb), jnp.float32)
        gt = jnp.zeros((t_, s_, bb), jnp.float32)
        for _ in range(_N_SINK):
            xkg = lk + gt[None]
            mx = jnp.max(xkg, axis=2, keepdims=True)
            sm = jnp.sum(jnp.exp(xkg - mx), axis=2, keepdims=True)
            ft = logp4 - mx - jnp.log(sm)
            ykf = lk + ft
            mx2 = jnp.max(ykf, axis=0)
            sm2 = jnp.sum(jnp.exp(ykf - mx2[None]), axis=0)
            gt = logq - mx2 - jnp.log(sm2)
        gp = jnp.exp(lk + ft + gt[None])
        step = 2.0 / (it + 2.0)
        tp = (1.0 - step) * tp + step * gp

    val = (mh + 0.5 * tens_of(tp)) * tp
    out_ref[...] = jnp.sum(val, axis=(0, 2))


def _solve_call(zg, maskt, wm, cqb, c2b):
    k_, npad, d = zg.shape
    t_, s_ = cqb.shape[0], cqb.shape[1]
    grid = (npad // _BB,)
    return pl.pallas_call(
        _solve_body,
        grid=grid,
        in_specs=[
            pl.BlockSpec((k_, _BB, d), lambda i: (0, i, 0)),
            pl.BlockSpec((k_, _BB), lambda i: (0, i)),
            pl.BlockSpec(wm.shape, lambda i: (0, 0)),
            pl.BlockSpec(cqb.shape, lambda i: (0, 0, 0)),
            pl.BlockSpec(c2b.shape, lambda i: (0, 0, 0, 0)),
        ],
        out_specs=pl.BlockSpec((t_, _BB), lambda i: (0, i)),
        out_shape=jax.ShapeDtypeStruct((t_, npad), jnp.float32),
    )(zg, maskt, wm, cqb, c2b)


def kernel(x, edge_index, latent_template, templates_features):
    n, d = x.shape
    t_, s_, _ = latent_template.shape
    nb = _NB

    ne = edge_index.shape[1]
    nw = _SC_NC * _SC_NS
    ne_pad = ((ne + 16 * nw - 1) // (16 * nw)) * (16 * nw)
    src_pad = jnp.concatenate(
        [edge_index[0].astype(jnp.int32),
         jnp.full((ne_pad - ne,), _NPAD - 1, jnp.int32)])
    dst_pad = jnp.concatenate(
        [edge_index[1].astype(jnp.int32),
         jnp.zeros((ne_pad - ne,), jnp.int32)])
    cnts = _count_edges(src_pad, _NPAD).reshape(nw, _NPAD)
    offs = jnp.cumsum(cnts, axis=0) - cnts
    deg = jnp.sum(cnts, axis=0)
    tbls = _assign_slots(src_pad, dst_pad, offs.reshape(nw, _NPAD // 128, 128),
                         _NPAD)
    tbl = jnp.sum(tbls.reshape(nw, _K, _NPAD)[:, :nb, :], axis=0)
    self_row = jnp.arange(_NPAD, dtype=jnp.int32)
    nbf_t = jnp.where(tbl > 0, tbl - 1, self_row[None, :])
    idx_flat = jnp.concatenate([self_row[None, :], nbf_t], axis=0).reshape(-1)
    jj = jnp.arange(nb, dtype=jnp.int32)[:, None]
    maskt = jnp.concatenate(
        [(self_row < n)[None, :].astype(jnp.float32),
         (jj < deg[None, :]).astype(jnp.float32)], axis=0)

    c2 = 0.5 * (latent_template + jnp.transpose(latent_template, (0, 2, 1)))
    tf = templates_features
    y2 = jnp.sum(tf * tf, axis=-1)

    wtop = jnp.zeros((d, t_, 16), jnp.float32).at[:, :, :s_].set(
        -jnp.transpose(tf, (2, 0, 1)))
    wmid = jnp.zeros((d, t_, 16), jnp.float32).at[:, :, :s_].set(0.5)
    wbias = jnp.zeros((1, t_, 16), jnp.float32).at[0, :, :s_].set(0.5 * y2)
    wm = jnp.concatenate(
        [wtop.reshape(d, -1), wmid.reshape(d, -1), wbias.reshape(1, -1),
         jnp.zeros((7, t_ * 16), jnp.float32)], axis=0)

    cq = jnp.sum(c2 * c2, axis=2) / float(s_)
    cqb = jnp.broadcast_to(cq[:, :, None], (t_, s_, _BB)).astype(jnp.float32)
    c2b = jnp.broadcast_to(c2[:, :, :, None], (t_, s_, s_, _BB)).astype(jnp.float32)

    zg = _gather_rows(x, idx_flat).reshape(_K, _NPAD, d)

    out = _solve_call(zg, maskt, wm, cqb, c2b)
    return out[:, :n].T

# --- scband reference (transcript-rebuilt; emitter-appended) ---
"""Pipeline reference for scband-ltfwg-420906795786 (READ-ONLY COPY).

The authoritative reference and input builder live on the scoring server;
editing this copy changes nothing except your own understanding.
"""

import jax, jax.numpy as jnp
import numpy as np
from jax.scipy.special import logsumexp

N_NODES = 10000
N_EDGES = 160000
D_FEAT = 128
N_TPL = 10
S_TPL = 10
NB = 8
ALPHA = 0.5
REG = 0.1
N_OUTER = 3
N_SINK = 5


def setup_inputs(seed: int = 0):
    key = jax.random.key(seed)
    k1, k2, k3, k4 = jax.random.split(key, 4)
    x = jax.random.normal(k1, (N_NODES, D_FEAT), dtype=jnp.float32)
    edge_index = jax.random.randint(k2, (2, N_EDGES), 0, N_NODES, dtype=jnp.int32)
    lt = jax.random.normal(k3, (N_TPL, S_TPL, S_TPL), dtype=jnp.float32)
    lt = lt / jnp.linalg.norm(lt, axis=2, keepdims=True)
    tf = jax.random.normal(k4, (N_TPL, S_TPL, D_FEAT), dtype=jnp.float32)
    tf = tf / jnp.linalg.norm(tf, axis=2, keepdims=True)
    return {"x": x, "edge_index": edge_index, "latent_template": lt, "templates_features": tf}


def _build_neighbors(edge_index, n_nodes, nb):
    # fixed-slot neighbor table: up to nb neighbors per node, padded with self
    src = edge_index[0]
    dst = edge_index[1]
    order = jnp.argsort(src)
    src_s = src[order]
    dst_s = dst[order]
    starts = jnp.searchsorted(src_s, jnp.arange(n_nodes))
    slot = jnp.arange(src_s.shape[0]) - starts[src_s]
    slot_c = jnp.minimum(slot, nb)  # overflow edges land in dump column nb (dropped)
    nb_idx = jnp.tile(jnp.arange(n_nodes, dtype=src_s.dtype)[:, None], (1, nb + 1))
    nb_idx = nb_idx.at[src_s, slot_c].set(dst_s)
    mask = jnp.zeros((n_nodes, nb + 1), dtype=jnp.float32).at[src_s, slot_c].set(1.0)
    return nb_idx[:, :nb], mask[:, :nb]


def _distance_to_template(x, edge_index, templates_features, template):
    # per-node local subgraph (ego star graph) -> fused Gromov-Wasserstein distance to each template,
    # solved by conditional gradient with an entropic (Sinkhorn) inner OT solver, fixed iterations.
    n = x.shape[0]
    ntpl, s, _ = template.shape
    nb_idx, nb_mask = _build_neighbors(edge_index, n, NB)
    k = NB + 1
    f_loc = jnp.concatenate([x[:, None, :], x[nb_idx]], axis=1)  # [N,K,d]
    valid = jnp.concatenate([jnp.ones((n, 1), dtype=jnp.float32), nb_mask], axis=1)  # [N,K]
    c1 = jnp.zeros((n, k, k), dtype=jnp.float32)
    c1 = c1.at[:, 0, 1:].set(nb_mask)
    c1 = c1.at[:, 1:, 0].set(nb_mask)
    p = valid / jnp.sum(valid, axis=1, keepdims=True)  # [N,K]
    q = jnp.full((ntpl, s), 1.0 / s, dtype=jnp.float32)  # [T,S]
    # feature (Wasserstein) cost M = ||f_i - f_t||^2 : [N,T,K,S]
    x2 = jnp.sum(f_loc ** 2, axis=-1)
    y2 = jnp.sum(templates_features ** 2, axis=-1)
    xy = jnp.einsum('nkd,tsd->ntks', f_loc, templates_features)
    m = x2[:, None, :, None] + y2[None, :, None, :] - 2.0 * xy
    c2 = template
    const_c = (jnp.einsum('nkl,nl->nk', c1 ** 2, p)[:, None, :, None]
               + jnp.einsum('tsr,tr->ts', c2 ** 2, q)[None, :, None, :])
    t_plan = p[:, None, :, None] * q[None, :, None, :]  # [N,T,K,S]
    logp = jnp.log(p + 1e-30)[:, None, :]
    logq = jnp.log(q + 1e-30)[None, :, :]
    for it in range(N_OUTER):
        tens = const_c - 2.0 * jnp.einsum('nkl,ntls,tsr->ntkr', c1, t_plan, c2)
        grad = (1.0 - ALPHA) * m + 2.0 * ALPHA * tens
        log_kmat = -grad / REG
        f = jnp.zeros((n, ntpl, k), dtype=jnp.float32)
        g = jnp.zeros((n, ntpl, s), dtype=jnp.float32)
        for _ in range(N_SINK):
            f = logp - logsumexp(log_kmat + g[:, :, None, :], axis=3)
            g = logq - logsumexp(log_kmat + f[:, :, :, None], axis=2)
        g_plan = jnp.exp(log_kmat + f[:, :, :, None] + g[:, :, None, :])
        step = 2.0 / (it + 2.0)
        t_plan = (1.0 - step) * t_plan + step * g_plan
    tens = const_c - 2.0 * jnp.einsum('nkl,ntls,tsr->ntkr', c1, t_plan, c2)
    fgw = ((1.0 - ALPHA) * jnp.sum(m * t_plan, axis=(2, 3))
           + ALPHA * jnp.sum(tens * t_plan, axis=(2, 3)))
    return fgw  # [N, N_templates]


def reference(x, edge_index, latent_template, templates_features):
    template = 0.5 * (latent_template + jnp.transpose(latent_template, (0, 2, 1)))
    return _distance_to_template(x, edge_index, templates_features, template)

if __name__ == "__main__":
    import jax
    _d = setup_inputs()
    print(jax.jit(kernel)(*tuple(_d.values())))

</pallas_src>

<mosaic_0001>
#map = affine_map<(d0, d1) -> (0)>
#map1 = affine_map<(d0, d1) -> (0, 0, 0)>
module attributes {stable_mosaic.version = 14 : i64} {
  func.func @count_kernel(%arg0: i32, %arg1: i32, %arg2: memref<160256xi32, #tpu.memory_space<hbm>>, %arg3: memref<32x80x128xi32, #tpu.memory_space<hbm>>, %arg4: memref<5008xi32, #tpu.memory_space<vmem>>, %arg5: memref<80x128xi32, #tpu.memory_space<vmem>>) attributes {dimension_semantics = [#tpu.dimension_semantics<core_parallel>, #tpu.dimension_semantics<subcore_parallel>], iteration_bounds = array<i64: 2, 16>, scalar_prefetch = 0 : i64, scratch_operands = 2 : i64, tpu.core_type = #tpu.core_type<sc_vector_subcore>, window_params = [{transform_indices = #map}, {transform_indices = #map1}]} {
    %mul3A = arith.constant 2 : i32
    %mul3A_0 = arith.muli %arg1, %mul3A : i32
    %add3A = arith.addi %mul3A_0, %arg0 : i32
    %broadcast_in_dim3A = arith.constant 0 : i32
    %broadcast_in_dim3A_1 = vector.broadcast %broadcast_in_dim3A : i32 to vector<16xi32>
    %scan3A = arith.constant 0 : i32
    %scan3A_2 = arith.constant 0 : i32
    %scan3A_3 = arith.constant 80 : i32
    %scan3A_4 = arith.addi %scan3A_2, %scan3A_3 : i32
    %scan3A_5 = arith.constant 1 : i32
    scf.for %scan3A_15 = %scan3A_2 to %scan3A_4 step %scan3A_5  : i32 {
      %swap3A = arith.index_cast %scan3A_15 : i32 to index
      %swap3A_16 = arith.constant 0 : index
      %swap3A_17 = tpu.vector_load %arg5[%swap3A, %swap3A_16] {strides = array<i32>} : memref<80x128xi32, #tpu.memory_space<vmem>>, vector<16xi32>,
      tpu.vector_store %arg5[%swap3A, %swap3A_16], %broadcast_in_dim3A_1 {strides = array<i32>} : memref<80x128xi32, #tpu.memory_space<vmem>>, vector<16xi32>,
      %swap3A_18 = arith.index_cast %scan3A_15 : i32 to index
      %swap3A_19 = arith.constant 16 : index
      %swap3A_20 = tpu.vector_load %arg5[%swap3A_18, %swap3A_19] {strides = array<i32>} : memref<80x128xi32, #tpu.memory_space<vmem>>, vector<16xi32>,
      tpu.vector_store %arg5[%swap3A_18, %swap3A_19], %broadcast_in_dim3A_1 {strides = array<i32>} : memref<80x128xi32, #tpu.memory_space<vmem>>, vector<16xi32>,
      %swap3A_21 = arith.index_cast %scan3A_15 : i32 to index
      %swap3A_22 = arith.constant 32 : index
      %swap3A_23 = tpu.vector_load %arg5[%swap3A_21, %swap3A_22] {strides = array<i32>} : memref<80x128xi32, #tpu.memory_space<vmem>>, vector<16xi32>,
      tpu.vector_store %arg5[%swap3A_21, %swap3A_22], %broadcast_in_dim3A_1 {strides = array<i32>} : memref<80x128xi32, #tpu.memory_space<vmem>>, vector<16xi32>,
      %swap3A_24 = arith.index_cast %scan3A_15 : i32 to index
      %swap3A_25 = arith.constant 48 : index
      %swap3A_26 = tpu.vector_load %arg5[%swap3A_24, %swap3A_25] {strides = array<i32>} : memref<80x128xi32, #tpu.memory_space<vmem>>, vector<16xi32>,
      tpu.vector_store %arg5[%swap3A_24, %swap3A_25], %broadcast_in_dim3A_1 {strides = array<i32>} : memref<80x128xi32, #tpu.memory_space<vmem>>, vector<16xi32>,
      %swap3A_27 = arith.index_cast %scan3A_15 : i32 to index
      %swap3A_28 = arith.constant 64 : index
      %swap3A_29 = tpu.vector_load %arg5[%swap3A_27, %swap3A_28] {strides = array<i32>} : memref<80x128xi32, #tpu.memory_space<vmem>>, vector<16xi32>,
      tpu.vector_store %arg5[%swap3A_27, %swap3A_28], %broadcast_in_dim3A_1 {strides = array<i32>} : memref<80x128xi32, #tpu.memory_space<vmem>>, vector<16xi32>,
      %swap3A_30 = arith.index_cast %scan3A_15 : i32 to index
      %swap3A_31 = arith.constant 80 : index
      %swap3A_32 = tpu.vector_load %arg5[%swap3A_30, %swap3A_31] {strides = array<i32>} : memref<80x128xi32, #tpu.memory_space<vmem>>, vector<16xi32>,
      tpu.vector_store %arg5[%swap3A_30, %swap3A_31], %broadcast_in_dim3A_1 {strides = array<i32>} : memref<80x128xi32, #tpu.memory_space<vmem>>, vector<16xi32>,
      %swap3A_33 = arith.index_cast %scan3A_15 : i32 to index
      %swap3A_34 = arith.constant 96 : index
      %swap3A_35 = tpu.vector_load %arg5[%swap3A_33, %swap3A_34] {strides = array<i32>} : memref<80x128xi32, #tpu.memory_space<vmem>>, vector<16xi32>,
      tpu.vector_store %arg5[%swap3A_33, %swap3A_34], %broadcast_in_dim3A_1 {strides = array<i32>} : memref<80x128xi32, #tpu.memory_space<vmem>>, vector<16xi32>,
      %swap3A_36 = arith.index_cast %scan3A_15 : i32 to index
      %swap3A_37 = arith.constant 112 : index
      %swap3A_38 = tpu.vector_load %arg5[%swap3A_36, %swap3A_37] {strides = array<i32>} : memref<80x128xi32, #tpu.memory_space<vmem>>, vector<16xi32>,
      tpu.vector_store %arg5[%swap3A_36, %swap3A_37], %broadcast_in_dim3A_1 {strides = array<i32>} : memref<80x128xi32, #tpu.memory_space<vmem>>, vector<16xi32>,
    }
    %scan3A_6 = arith.constant 80 : i32
    %mul3A_7 = arith.constant 5008 : i32
    %mul3A_8 = arith.muli %add3A, %mul3A_7 : i32
    "tpu.region"() ({
      %run_scoped3A = tpu.sem_alloc : memref<!tpu.dma_semaphore, #tpu.memory_space<semaphore_mem>>
      %dma_start3A = tpu.memref_slice %arg2[%mul3A_8] : memref<160256xi32, #tpu.memory_space<hbm>> -> memref<5008xi32, #tpu.memory_space<hbm>>
      %dma_start3A_15 = tpu.memref_slice %arg2[%mul3A_8] : memref<160256xi32, #tpu.memory_space<hbm>> -> memref<5008xi32, #tpu.memory_space<hbm>>
      tpu.enqueue_dma source(%dma_start3A_15 : memref<5008xi32, #tpu.memory_space<hbm>>) target(%arg4 : memref<5008xi32, #tpu.memory_space<vmem>>) target_semaphore(%run_scoped3A : memref<!tpu.dma_semaphore, #tpu.memory_space<semaphore_mem>>)
      %dma_wait3A = tpu.memref_slice %arg2[%mul3A_8] : memref<160256xi32, #tpu.memory_space<hbm>> -> memref<5008xi32, #tpu.memory_space<hbm>>
      %dma_wait3A_16 = tpu.memref_slice %arg2[%mul3A_8] : memref<160256xi32, #tpu.memory_space<hbm>> -> memref<5008xi32, #tpu.memory_space<hbm>>
      tpu.wait_dma2 semaphore(%run_scoped3A : memref<!tpu.dma_semaphore, #tpu.memory_space<semaphore_mem>>) src(%dma_wait3A_16 : memref<5008xi32, #tpu.memory_space<hbm>>) dst(%arg4 : memref<5008xi32, #tpu.memory_space<vmem>>)
      tpu.yield
    }) : () -> ()
    %scan3A_9 = arith.constant 0 : i32
    %scan3A_10 = arith.constant 0 : i32
    %scan3A_11 = arith.constant 313 : i32
    %scan3A_12 = arith.addi %scan3A_10, %scan3A_11 : i32
    %scan3A_13 = arith.constant 1 : i32
    scf.for %scan3A_15 = %scan3A_10 to %scan3A_12 step %scan3A_13  : i32 {
      %mul3A_16 = arith.constant 16 : i32
      %mul3A_17 = arith.muli %scan3A_15, %mul3A_16 : i32
      %get3A = arith.index_cast %mul3A_17 : i32 to index
      %get3A_18 = tpu.vector_load %arg4[%get3A] {strides = array<i32>} : memref<5008xi32, #tpu.memory_space<vmem>>, vector<16xi32>,
      %iota3A = tpu.iota {dimensions = array<i32: 0>} : vector<16xi32>
      %broadcast_in_dim3A_19 = arith.constant 1 : i32
      %broadcast_in_dim3A_20 = vector.broadcast %broadcast_in_dim3A_19 : i32 to vector<16xi32>
      %broadcast_in_dim3A_21 = arith.constant 0 : i32
      %broadcast_in_dim3A_22 = vector.broadcast %broadcast_in_dim3A_21 : i32 to vector<16xi32>
      %slice3A = vector.extract_strided_slice %get3A_18 {offsets = [0], sizes = [1], strides = [1]} : vector<16xi32> to vector<1xi32>
      %squeeze3A = vector.extract %slice3A[0] : i32 from vector<1xi32>
      %eq3A = vector.broadcast %squeeze3A : i32 to vector<16xi32>
      %eq3A_23 = arith.cmpi eq, %get3A_18, %eq3A : vector<16xi32>
      %select_n3A = arith.select %eq3A_23, %broadcast_in_dim3A_20, %broadcast_in_dim3A_22 : vector<16xi1>, vector<16xi32>
      %gt3A = arith.constant 0 : i32
      %gt3A_24 = vector.broadcast %gt3A : i32 to vector<16xi32>
      %gt3A_25 = arith.cmpi sgt, %iota3A, %gt3A_24 : vector<16xi32>
      %select_n3A_26 = arith.select %gt3A_25, %select_n3A, %broadcast_in_dim3A_22 : vector<16xi1>, vector<16xi32>
      %add3A_27 = arith.addi %broadcast_in_dim3A_22, %select_n3A_26 : vector<16xi32>
      %lt3A = arith.constant 0 : i32
      %lt3A_28 = vector.broadcast %lt3A : i32 to vector<16xi32>
      %lt3A_29 = arith.cmpi slt, %iota3A, %lt3A_28 : vector<16xi32>
      %select_n3A_30 = arith.select %lt3A_29, %select_n3A, %broadcast_in_dim3A_22 : vector<16xi1>, vector<16xi32>
      %add3A_31 = arith.addi %broadcast_in_dim3A_22, %select_n3A_30 : vector<16xi32>
      %slice3A_32 = vector.extract_strided_slice %get3A_18 {offsets = [1], sizes = [1], strides = [1]} : vector<16xi32> to vector<1xi32>
      %squeeze3A_33 = vector.extract %slice3A_32[0] : i32 from vector<1xi32>
      %eq3A_34 = vector.broadcast %squeeze3A_33 : i32 to vector<16xi32>
      %eq3A_35 = arith.cmpi eq, %get3A_18, %eq3A_34 : vector<16xi32>
      %select_n3A_36 = arith.select %eq3A_35, %broadcast_in_dim3A_20, %broadcast_in_dim3A_22 : vector<16xi1>, vector<16xi32>
      %gt3A_37 = arith.constant 1 : i32
      %gt3A_38 = vector.broadcast %gt3A_37 : i32 to vector<16xi32>
      %gt3A_39 = arith.cmpi sgt, %iota3A, %gt3A_38 : vector<16xi32>
      %select_n3A_40 = arith.select %gt3A_39, %select_n3A_36, %broadcast_in_dim3A_22 : vector<16xi1>, vector<16xi32>
      %add3A_41 = arith.addi %add3A_27, %select_n3A_40 : vector<16xi32>
      %lt3A_42 = arith.constant 1 : i32
      %lt3A_43 = vector.broadcast %lt3A_42 : i32 to vector<16xi32>
      %lt3A_44 = arith.cmpi slt, %iota3A, %lt3A_43 : vector<16xi32>
      %select_n3A_45 = arith.select %lt3A_44, %select_n3A_36, %broadcast_in_dim3A_22 : vector<16xi1>, vector<16xi32>
      %add3A_46 = arith.addi %add3A_31, %select_n3A_45 : vector<16xi32>
      %slice3A_47 = vector.extract_strided_slice %get3A_18 {offsets = [2], sizes = [1], strides = [1]} : vector<16xi32> to vector<1xi32>
      %squeeze3A_48 = vector.extract %slice3A_47[0] : i32 from vector<1xi32>
      %eq3A_49 = vector.broadcast %squeeze3A_48 : i32 to vector<16xi32>
      %eq3A_50 = arith.cmpi eq, %get3A_18, %eq3A_49 : vector<16xi32>
      %select_n3A_51 = arith.select %eq3A_50, %broadcast_in_dim3A_20, %broadcast_in_dim3A_22 : vector<16xi1>, vector<16xi32>
      %gt3A_52 = arith.constant 2 : i32
      %gt3A_53 = vector.broadcast %gt3A_52 : i32 to vector<16xi32>
      %gt3A_54 = arith.cmpi sgt, %iota3A, %gt3A_53 : vector<16xi32>
      %select_n3A_55 = arith.select %gt3A_54, %select_n3A_51, %broadcast_in_dim3A_22 : vector<16xi1>, vector<16xi32>
      %add3A_56 = arith.addi %add3A_41, %select_n3A_55 : vector<16xi32>
      %lt3A_57 = arith.constant 2 : i32
      %lt3A_58 = vector.broadcast %lt3A_57 : i32 to vector<16xi32>
      %lt3A_59 = arith.cmpi slt, %iota3A, %lt3A_58 : vector<16xi32>
      %select_n3A_60 = arith.select %lt3A_59, %select_n3A_51, %broadcast_in_dim3A_22 : vector<16xi1>, vector<16xi32>
      %add3A_61 = arith.addi %add3A_46, %select_n3A_60 : vector<16xi32>
      %slice3A_62 = vector.extract_strided_slice %get3A_18 {offsets = [3], sizes = [1], strides = [1]} : vector<16xi32> to vector<1xi32>
      %squeeze3A_63 = vector.extract %slice3A_62[0] : i32 from vector<1xi32>
      %eq3A_64 = vector.broadcast %squeeze3A_63 : i32 to vector<16xi32>
      %eq3A_65 = arith.cmpi eq, %get3A_18, %eq3A_64 : vector<16xi32>
      %select_n3A_66 = arith.select %eq3A_65, %broadcast_in_dim3A_20, %broadcast_in_dim3A_22 : vector<16xi1>, vector<16xi32>
      %gt3A_67 = arith.constant 3 : i32
      %gt3A_68 = vector.broadcast %gt3A_67 : i32 to vector<16xi32>
      %gt3A_69 = arith.cmpi sgt, %iota3A, %gt3A_68 : vector<16xi32>
      %select_n3A_70 = arith.select %gt3A_69, %select_n3A_66, %broadcast_in_dim3A_22 : vector<16xi1>, vector<16xi32>
      %add3A_71 = arith.addi %add3A_56, %select_n3A_70 : vector<16xi32>
      %lt3A_72 = arith.constant 3 : i32
      %lt3A_73 = vector.broadcast %lt3A_72 : i32 to vector<16xi32>
      %lt3A_74 = arith.cmpi slt, %iota3A, %lt3A_73 : vector<16xi32>
      %select_n3A_75 = arith.select %lt3A_74, %select_n3A_66, %broadcast_in_dim3A_22 : vector<16xi1>, vector<16xi32>
      %add3A_76 = arith.addi %add3A_61, %select_n3A_75 : vector<16xi32>
      %slice3A_77 = vector.extract_strided_slice %get3A_18 {offsets = [4], sizes = [1], strides = [1]} : vector<16xi32> to vector<1xi32>
      %squeeze3A_78 = vector.extract %slice3A_77[0] : i32 from vector<1xi32>
      %eq3A_79 = vector.broadcast %squeeze3A_78 : i32 to vector<16xi32>
      %eq3A_80 = arith.cmpi eq, %get3A_18, %eq3A_79 : vector<16xi32>
      %select_n3A_81 = arith.select %eq3A_80, %broadcast_in_dim3A_20, %broadcast_in_dim3A_22 : vector<16xi1>, vector<16xi32>
      %gt3A_82 = arith.constant 4 : i32
      %gt3A_83 = vector.broadcast %gt3A_82 : i32 to vector<16xi32>
      %gt3A_84 = arith.cmpi sgt, %iota3A, %gt3A_83 : vector<16xi32>
      %select_n3A_85 = arith.select %gt3A_84, %select_n3A_81, %broadcast_in_dim3A_22 : vector<16xi1>, vector<16xi32>
      %add3A_86 = arith.addi %add3A_71, %select_n3A_85 : vector<16xi32>
      %lt3A_87 = arith.constant 4 : i32
      %lt3A_88 = vector.broadcast %lt3A_87 : i32 to vector<16xi32>
      %lt3A_89 = arith.cmpi slt, %iota3A, %lt3A_88 : vector<16xi32>
      %select_n3A_90 = arith.select %lt3A_89, %select_n3A_81, %broadcast_in_dim3A_22 : vector<16xi1>, vector<16xi32>
      %add3A_91 = arith.addi %add3A_76, %select_n3A_90 : vector<16xi32>
      %slice3A_92 = vector.extract_strided_slice %get3A_18 {offsets = [5], sizes = [1], strides = [1]} : vector<16xi32> to vector<1xi32>
      %squeeze3A_93 = vector.extract %slice3A_92[0] : i32 from vector<1xi32>
      %eq3A_94 = vector.broadcast %squeeze3A_93 : i32 to vector<16xi32>
      %eq3A_95 = arith.cmpi eq, %get3A_18, %eq3A_94 : vector<16xi32>
      %select_n3A_96 = arith.select %eq3A_95, %broadcast_in_dim3A_20, %broadcast_in_dim3A_22 : vector<16xi1>, vector<16xi32>
      %gt3A_97 = arith.constant 5 : i32
      %gt3A_98 = vector.broadcast %gt3A_97 : i32 to vector<16xi32>
      %gt3A_99 = arith.cmpi sgt, %iota3A, %gt3A_98 : vector<16xi32>
      %select_n3A_100 = arith.select %gt3A_99, %select_n3A_96, %broadcast_in_dim3A_22 : vector<16xi1>, vector<16xi32>
      %add3A_101 = arith.addi %add3A_86, %select_n3A_100 : vector<16xi32>
      %lt3A_102 = arith.constant 5 : i32
      %lt3A_103 = vector.broadcast %lt3A_102 : i32 to vector<16xi32>
      %lt3A_104 = arith.cmpi slt, %iota3A, %lt3A_103 : vector<16xi32>
      %select_n3A_105 = arith.select %lt3A_104, %select_n3A_96, %broadcast_in_dim3A_22 : vector<16xi1>, vector<16xi32>
      %add3A_106 = arith.addi %add3A_91, %select_n3A_105 : vector<16xi32>
      %slice3A_107 = vector.extract_strided_slice %get3A_18 {offsets = [6], sizes = [1], strides = [1]} : vector<16xi32> to vector<1xi32>
      %squeeze3A_108 = vector.extract %slice3A_107[0] : i32 from vector<1xi32>
      %eq3A_109 = vector.broadcast %squeeze3A_108 : i32 to vector<16xi32>
      %eq3A_110 = arith.cmpi eq, %get3A_18, %eq3A_109 : vector<16xi32>
      %select_n3A_111 = arith.select %eq3A_110, %broadcast_in_dim3A_20, %broadcast_in_dim3A_22 : vector<16xi1>, vector<16xi32>
      %gt3A_112 = arith.constant 6 : i32
      %gt3A_113 = vector.broadcast %gt3A_112 : i32 to vector<16xi32>
      %gt3A_114 = arith.cmpi sgt, %iota3A, %gt3A_113 : vector<16xi32>
      %select_n3A_115 = arith.select %gt3A_114, %select_n3A_111, %broadcast_in_dim3A_22 : vector<16xi1>, vector<16xi32>
      %add3A_116 = arith.addi %add3A_101, %select_n3A_115 : vector<16xi32>
      %lt3A_117 = arith.constant 6 : i32
      %lt3A_118 = vector.broadcast %lt3A_117 : i32 to vector<16xi32>
      %lt3A_119 = arith.cmpi slt, %iota3A, %lt3A_118 : vector<16xi32>
      %select_n3A_120 = arith.select %lt3A_119, %select_n3A_111, %broadcast_in_dim3A_22 : vector<16xi1>, vector<16xi32>
      %add3A_121 = arith.addi %add3A_106, %select_n3A_120 : vector<16xi32>
      %slice3A_122 = vector.extract_strided_slice %get3A_18 {offsets = [7], sizes = [1], strides = [1]} : vector<16xi32> to vector<1xi32>
      %squeeze3A_123 = vector.extract %slice3A_122[0] : i32 from vector<1xi32>
      %eq3A_124 = vector.broadcast %squeeze3A_123 : i32 to vector<16xi32>
      %eq3A_125 = arith.cmpi eq, %get3A_18, %eq3A_124 : vector<16xi32>
      %select_n3A_126 = arith.select %eq3A_125, %broadcast_in_dim3A_20, %broadcast_in_dim3A_22 : vector<16xi1>, vector<16xi32>
      %gt3A_127 = arith.constant 7 : i32
      %gt3A_128 = vector.broadcast %gt3A_127 : i32 to vector<16xi32>
      %gt3A_129 = arith.cmpi sgt, %iota3A, %gt3A_128 : vector<16xi32>
      %select_n3A_130 = arith.select %gt3A_129, %select_n3A_126, %broadcast_in_dim3A_22 : vector<16xi1>, vector<16xi32>
      %add3A_131 = arith.addi %add3A_116, %select_n3A_130 : vector<16xi32>
      %lt3A_132 = arith.constant 7 : i32
      %lt3A_133 = vector.broadcast %lt3A_132 : i32 to vector<16xi32>
      %lt3A_134 = arith.cmpi slt, %iota3A, %lt3A_133 : vector<16xi32>
      %select_n3A_135 = arith.select %lt3A_134, %select_n3A_126, %broadcast_in_dim3A_22 : vector<16xi1>, vector<16xi32>
      %add3A_136 = arith.addi %add3A_121, %select_n3A_135 : vector<16xi32>
      %slice3A_137 = vector.extract_strided_slice %get3A_18 {offsets = [8], sizes = [1], strides = [1]} : vector<16xi32> to vector<1xi32>
      %squeeze3A_138 = vector.extract %slice3A_137[0] : i32 from vector<1xi32>
      %eq3A_139 = vector.broadcast %squeeze3A_138 : i32 to vector<16xi32>
      %eq3A_140 = arith.cmpi eq, %get3A_18, %eq3A_139 : vector<16xi32>
      %select_n3A_141 = arith.select %eq3A_140, %broadcast_in_dim3A_20, %broadcast_in_dim3A_22 : vector<16xi1>, vector<16xi32>
      %gt3A_142 = arith.constant 8 : i32
      %gt3A_143 = vector.broadcast %gt3A_142 : i32 to vector<16xi32>
      %gt3A_144 = arith.cmpi sgt, %iota3A, %gt3A_143 : vector<16xi32>
      %select_n3A_145 = arith.select %gt3A_144, %select_n3A_141, %broadcast_in_dim3A_22 : vector<16xi1>, vector<16xi32>
      %add3A_146 = arith.addi %add3A_131, %select_n3A_145 : vector<16xi32>
      %lt3A_147 = arith.constant 8 : i32
      %lt3A_148 = vector.broadcast %lt3A_147 : i32 to vector<16xi32>
      %lt3A_149 = arith.cmpi slt, %iota3A, %lt3A_148 : vector<16xi32>
      %select_n3A_150 = arith.select %lt3A_149, %select_n3A_141, %broadcast_in_dim3A_22 : vector<16xi1>, vector<16xi32>
      %add3A_151 = arith.addi %add3A_136, %select_n3A_150 : vector<16xi32>
      %slice3A_152 = vector.extract_strided_slice %get3A_18 {offsets = [9], sizes = [1], strides = [1]} : vector<16xi32> to vector<1xi32>
      %squeeze3A_153 = vector.extract %slice3A_152[0] : i32 from vector<1xi32>
      %eq3A_154 = vector.broadcast %squeeze3A_153 : i32 to vector<16xi32>
      %eq3A_155 = arith.cmpi eq, %get3A_18, %eq3A_154 : vector<16xi32>
      %select_n3A_156 = arith.select %eq3A_155, %broadcast_in_dim3A_20, %broadcast_in_dim3A_22 : vector<16xi1>, vector<16xi32>
      %gt3A_157 = arith.constant 9 : i32
      %gt3A_158 = vector.broadcast %gt3A_157 : i32 to vector<16xi32>
      %gt3A_159 = arith.cmpi sgt, %iota3A, %gt3A_158 : vector<16xi32>
      %select_n3A_160 = arith.select %gt3A_159, %select_n3A_156, %broadcast_in_dim3A_22 : vector<16xi1>, vector<16xi32>
      %add3A_161 = arith.addi %add3A_146, %select_n3A_160 : vector<16xi32>
      %lt3A_162 = arith.constant 9 : i32
      %lt3A_163 = vector.broadcast %lt3A_162 : i32 to vector<16xi32>
      %lt3A_164 = arith.cmpi slt, %iota3A, %lt3A_163 : vector<16xi32>
      %select_n3A_165 = arith.select %lt3A_164, %select_n3A_156, %broadcast_in_dim3A_22 : vector<16xi1>, vector<16xi32>
      %add3A_166 = arith.addi %add3A_151, %select_n3A_165 : vector<16xi32>
      %slice3A_167 = vector.extract_strided_slice %get3A_18 {offsets = [10], sizes = [1], strides = [1]} : vector<16xi32> to vector<1xi32>
      %squeeze3A_168 = vector.extract %slice3A_167[0] : i32 from vector<1xi32>
      %eq3A_169 = vector.broadcast %squeeze3A_168 : i32 to vector<16xi32>
      %eq3A_170 = arith.cmpi eq, %get3A_18, %eq3A_169 : vector<16xi32>
      %select_n3A_171 = arith.select %eq3A_170, %broadcast_in_dim3A_20, %broadcast_in_dim3A_22 : vector<16xi1>, vector<16xi32>
      %gt3A_172 = arith.constant 10 : i32
      %gt3A_173 = vector.broadcast %gt3A_172 : i32 to vector<16xi32>
      %gt3A_174 = arith.cmpi sgt, %iota3A, %gt3A_173 : vector<16xi32>
      %select_n3A_175 = arith.select %gt3A_174, %select_n3A_171, %broadcast_in_dim3A_22 : vector<16xi1>, vector<16xi32>
      %add3A_176 = arith.addi %add3A_161, %select_n3A_175 : vector<16xi32>
      %lt3A_177 = arith.constant 10 : i32
      %lt3A_178 = vector.broadcast %lt3A_177 : i32 to vector<16xi32>
      %lt3A_179 = arith.cmpi slt, %iota3A, %lt3A_178 : vector<16xi32>
      %select_n3A_180 = arith.select %lt3A_179, %select_n3A_171, %broadcast_in_dim3A_22 : vector<16xi1>, vector<16xi32>
      %add3A_181 = arith.addi %add3A_166, %select_n3A_180 : vector<16xi32>
      %slice3A_182 = vector.extract_strided_slice %get3A_18 {offsets = [11], sizes = [1], strides = [1]} : vector<16xi32> to vector<1xi32>
      %squeeze3A_183 = vector.extract %slice3A_182[0] : i32 from vector<1xi32>
      %eq3A_184 = vector.broadcast %squeeze3A_183 : i32 to vector<16xi32>
      %eq3A_185 = arith.cmpi eq, %get3A_18, %eq3A_184 : vector<16xi32>
      %select_n3A_186 = arith.select %eq3A_185, %broadcast_in_dim3A_20, %broadcast_in_dim3A_22 : vector<16xi1>, vector<16xi32>
      %gt3A_187 = arith.constant 11 : i32
      %gt3A_188 = vector.broadcast %gt3A_187 : i32 to vector<16xi32>
      %gt3A_189 = arith.cmpi sgt, %iota3A, %gt3A_188 : vector<16xi32>
      %select_n3A_190 = arith.select %gt3A_189, %select_n3A_186, %broadcast_in_dim3A_22 : vector<16xi1>, vector<16xi32>
      %add3A_191 = arith.addi %add3A_176, %select_n3A_190 : vector<16xi32>
      %lt3A_192 = arith.constant 11 : i32
      %lt3A_193 = vector.broadcast %lt3A_192 : i32 to vector<16xi32>
      %lt3A_194 = arith.cmpi slt, %iota3A, %lt3A_193 : vector<16xi32>
      %select_n3A_195 = arith.select %lt3A_194, %select_n3A_186, %broadcast_in_dim3A_22 : vector<16xi1>, vector<16xi32>
      %add3A_196 = arith.addi %add3A_181, %select_n3A_195 : vector<16xi32>
      %slice3A_197 = vector.extract_strided_slice %get3A_18 {offsets = [12], sizes = [1], strides = [1]} : vector<16xi32> to vector<1xi32>
      %squeeze3A_198 = vector.extract %slice3A_197[0] : i32 from vector<1xi32>
      %eq3A_199 = vector.broadcast %squeeze3A_198 : i32 to vector<16xi32>
      %eq3A_200 = arith.cmpi eq, %get3A_18, %eq3A_199 : vector<16xi32>
      %select_n3A_201 = arith.select %eq3A_200, %broadcast_in_dim3A_20, %broadcast_in_dim3A_22 : vector<16xi1>, vector<16xi32>
      %gt3A_202 = arith.constant 12 : i32
      %gt3A_203 = vector.broadcast %gt3A_202 : i32 to vector<16xi32>
      %gt3A_204 = arith.cmpi sgt, %iota3A, %gt3A_203 : vector<16xi32>
      %select_n3A_205 = arith.select %gt3A_204, %select_n3A_201, %broadcast_in_dim3A_22 : vector<16xi1>, vector<16xi32>
      %add3A_206 = arith.addi %add3A_191, %select_n3A_205 : vector<16xi32>
      %lt3A_207 = arith.constant 12 : i32
      %lt3A_208 = vector.broadcast %lt3A_207 : i32 to vector<16xi32>
      %lt3A_209 = arith.cmpi slt, %iota3A, %lt3A_208 : vector<16xi32>
      %select_n3A_210 = arith.select %lt3A_209, %select_n3A_201, %broadcast_in_dim3A_22 : vector<16xi1>, vector<16xi32>
      %add3A_211 = arith.addi %add3A_196, %select_n3A_210 : vector<16xi32>
      %slice3A_212 = vector.extract_strided_slice %get3A_18 {offsets = [13], sizes = [1], strides = [1]} : vector<16xi32> to vector<1xi32>
      %squeeze3A_213 = vector.extract %slice3A_212[0] : i32 from vector<1xi32>
      %eq3A_214 = vector.broadcast %squeeze3A_213 : i32 to vector<16xi32>
      %eq3A_215 = arith.cmpi eq, %get3A_18, %eq3A_214 : vector<16xi32>
      %select_n3A_216 = arith.select %eq3A_215, %broadcast_in_dim3A_20, %broadcast_in_dim3A_22 : vector<16xi1>, vector<16xi32>
      %gt3A_217 = arith.constant 13 : i32
      %gt3A_218 = vector.broadcast %gt3A_217 : i32 to vector<16xi32>
      %gt3A_219 = arith.cmpi sgt, %iota3A, %gt3A_218 : vector<16xi32>
      %select_n3A_220 = arith.select %gt3A_219, %select_n3A_216, %broadcast_in_dim3A_22 : vector<16xi1>, vector<16xi32>
      %add3A_221 = arith.addi %add3A_206, %select_n3A_220 : vector<16xi32>
      %lt3A_222 = arith.constant 13 : i32
      %lt3A_223 = vector.broadcast %lt3A_222 : i32 to vector<16xi32>
      %lt3A_224 = arith.cmpi slt, %iota3A, %lt3A_223 : vector<16xi32>
      %select_n3A_225 = arith.select %lt3A_224, %select_n3A_216, %broadcast_in_dim3A_22 : vector<16xi1>, vector<16xi32>
      %add3A_226 = arith.addi %add3A_211, %select_n3A_225 : vector<16xi32>
      %slice3A_227 = vector.extract_strided_slice %get3A_18 {offsets = [14], sizes = [1], strides = [1]} : vector<16xi32> to vector<1xi32>
      %squeeze3A_228 = vector.extract %slice3A_227[0] : i32 from vector<1xi32>
      %eq3A_229 = vector.broadcast %squeeze3A_228 : i32 to vector<16xi32>
      %eq3A_230 = arith.cmpi eq, %get3A_18, %eq3A_229 : vector<16xi32>
      %select_n3A_231 = arith.select %eq3A_230, %broadcast_in_dim3A_20, %broadcast_in_dim3A_22 : vector<16xi1>, vector<16xi32>
      %gt3A_232 = arith.constant 14 : i32
      %gt3A_233 = vector.broadcast %gt3A_232 : i32 to vector<16xi32>
      %gt3A_234 = arith.cmpi sgt, %iota3A, %gt3A_233 : vector<16xi32>
      %select_n3A_235 = arith.select %gt3A_234, %select_n3A_231, %broadcast_in_dim3A_22 : vector<16xi1>, vector<16xi32>
      %add3A_236 = arith.addi %add3A_221, %select_n3A_235 : vector<16xi32>
      %lt3A_237 = arith.constant 14 : i32
      %lt3A_238 = vector.broadcast %lt3A_237 : i32 to vector<16xi32>
      %lt3A_239 = arith.cmpi slt, %iota3A, %lt3A_238 : vector<16xi32>
      %select_n3A_240 = arith.select %lt3A_239, %select_n3A_231, %broadcast_in_dim3A_22 : vector<16xi1>, vector<16xi32>
      %add3A_241 = arith.addi %add3A_226, %select_n3A_240 : vector<16xi32>
      %slice3A_242 = vector.extract_strided_slice %get3A_18 {offsets = [15], sizes = [1], strides = [1]} : vector<16xi32> to vector<1xi32>
      %squeeze3A_243 = vector.extract %slice3A_242[0] : i32 from vector<1xi32>
      %eq3A_244 = vector.broadcast %squeeze3A_243 : i32 to vector<16xi32>
      %eq3A_245 = arith.cmpi eq, %get3A_18, %eq3A_244 : vector<16xi32>
      %select_n3A_246 = arith.select %eq3A_245, %broadcast_in_dim3A_20, %broadcast_in_dim3A_22 : vector<16xi1>, vector<16xi32>
      %gt3A_247 = arith.constant 15 : i32
      %gt3A_248 = vector.broadcast %gt3A_247 : i32 to vector<16xi32>
      %gt3A_249 = arith.cmpi sgt, %iota3A, %gt3A_248 : vector<16xi32>
      %select_n3A_250 = arith.select %gt3A_249, %select_n3A_246, %broadcast_in_dim3A_22 : vector<16xi1>, vector<16xi32>
      %add3A_251 = arith.addi %add3A_236, %select_n3A_250 : vector<16xi32>
      %lt3A_252 = arith.constant 15 : i32
      %lt3A_253 = vector.broadcast %lt3A_252 : i32 to vector<16xi32>
      %lt3A_254 = arith.cmpi slt, %iota3A, %lt3A_253 : vector<16xi32>
      %select_n3A_255 = arith.select %lt3A_254, %select_n3A_246, %broadcast_in_dim3A_22 : vector<16xi1>, vector<16xi32>
      %add3A_256 = arith.addi %add3A_241, %select_n3A_255 : vector<16xi32>
      %shift_right_arithmetic3A = arith.constant 7 : i32
      %shift_right_arithmetic3A_257 = vector.broadcast %shift_right_arithmetic3A : i32 to vector<16xi32>
      %shift_right_arithmetic3A_258 = arith.shrsi %get3A_18, %shift_right_arithmetic3A_257 : vector<16xi32>
      %and3A = arith.constant 127 : i32
      %and3A_259 = vector.broadcast %and3A : i32 to vector<16xi32>
      %and3A_260 = arith.andi %get3A_18, %and3A_259 : vector<16xi32>
      %gather3A = tpu.vector_load_idx %arg5[%shift_right_arithmetic3A_258, %and3A_260] : memref<80x128xi32, #tpu.memory_space<vmem>>[vector<16xi32>, vector<16xi32>], vector<16xi32>,
      %add3A_261 = arith.addi %gather3A, %add3A_251 : vector<16xi32>
      %add3A_262 = arith.addi %add3A_261, %add3A_256 : vector<16xi32>
      %add3A_263 = arith.constant 1 : i32
      %add3A_264 = vector.broadcast %add3A_263 : i32 to vector<16xi32>
      %add3A_265 = arith.addi %add3A_262, %add3A_264 : vector<16xi32>
      %eq3A_266 = arith.constant 0 : i32
      %eq3A_267 = vector.broadcast %eq3A_266 : i32 to vector<16xi32>
      %eq3A_268 = arith.cmpi eq, %add3A_256, %eq3A_267 : vector<16xi32>
      tpu.vector_store_idx %arg5[%shift_right_arithmetic3A_258, %and3A_260], %add3A_265 masked %eq3A_268 : memref<80x128xi32, #tpu.memory_space<vmem>>[vector<16xi32>, vector<16xi32>], vector<16xi32>, vector<16xi1>
    }
    %scan3A_14 = arith.constant 313 : i32
    "tpu.region"() ({
      %run_scoped3A = tpu.sem_alloc : memref<!tpu.dma_semaphore, #tpu.memory_space<semaphore_mem>>
      %dma_start3A = arith.constant 0 : i32
      %dma_start3A_15 = arith.constant 0 : i32
      %dma_start3A_16 = tpu.memref_slice %arg3[%add3A, %dma_start3A, %dma_start3A_15] : memref<32x80x128xi32, #tpu.memory_space<hbm>> -> memref<1x80x128xi32, #tpu.memory_space<hbm>>
      %dma_start3A_17 = tpu.memref_squeeze %dma_start3A_16 : memref<1x80x128xi32, #tpu.memory_space<hbm>> -> memref<80x128xi32, #tpu.memory_space<hbm>>
      %dma_start3A_18 = arith.constant 0 : i32
      %dma_start3A_19 = arith.constant 0 : i32
      %dma_start3A_20 = tpu.memref_slice %arg3[%add3A, %dma_start3A_18, %dma_start3A_19] : memref<32x80x128xi32, #tpu.memory_space<hbm>> -> memref<1x80x128xi32, #tpu.memory_space<hbm>>
      %dma_start3A_21 = tpu.memref_squeeze %dma_start3A_20 : memref<1x80x128xi32, #tpu.memory_space<hbm>> -> memref<80x128xi32, #tpu.memory_space<hbm>>
      tpu.enqueue_dma source(%arg5 : memref<80x128xi32, #tpu.memory_space<vmem>>) target(%dma_start3A_21 : memref<80x128xi32, #tpu.memory_space<hbm>>) target_semaphore(%run_scoped3A : memref<!tpu.dma_semaphore, #tpu.memory_space<semaphore_mem>>)
      %dma_wait3A = arith.constant 0 : i32
      %dma_wait3A_22 = arith.constant 0 : i32
      %dma_wait3A_23 = tpu.memref_slice %arg3[%add3A, %dma_wait3A, %dma_wait3A_22] : memref<32x80x128xi32, #tpu.memory_space<hbm>> -> memref<1x80x128xi32, #tpu.memory_space<hbm>>
      %dma_wait3A_24 = tpu.memref_squeeze %dma_wait3A_23 : memref<1x80x128xi32, #tpu.memory_space<hbm>> -> memref<80x128xi32, #tpu.memory_space<hbm>>
      %dma_wait3A_25 = arith.constant 0 : i32
      %dma_wait3A_26 = arith.constant 0 : i32
      %dma_wait3A_27 = tpu.memref_slice %arg3[%add3A, %dma_wait3A_25, %dma_wait3A_26] : memref<32x80x128xi32, #tpu.memory_space<hbm>> -> memref<1x80x128xi32, #tpu.memory_space<hbm>>
      %dma_wait3A_28 = tpu.memref_squeeze %dma_wait3A_27 : memref<1x80x128xi32, #tpu.memory_space<hbm>> -> memref<80x128xi32, #tpu.memory_space<hbm>>
      tpu.wait_dma2 semaphore(%run_scoped3A : memref<!tpu.dma_semaphore, #tpu.memory_space<semaphore_mem>>) src(%arg5 : memref<80x128xi32, #tpu.memory_space<vmem>>) dst(%dma_wait3A_28 : memref<80x128xi32, #tpu.memory_space<hbm>>)
      tpu.yield
    }) : () -> ()
    return
  }
}

#map = affine_map<(d0, d1) -> (0, 0)>
#map1 = affine_map<(d0, d1) -> (0, 0, 0)>
module attributes {stable_mosaic.version = 14 : i64} {
  func.func @gather_kernel(%arg0: i32, %arg1: i32, %arg2: memref<10000x128xf32, #tpu.memory_space<hbm>>, %arg3: memref<32x24x120xi32, #tpu.memory_space<hbm>>, %arg4: memref<92160x128xf32, #tpu.memory_space<hbm>>, %arg5: memref<24x120xi32, #tpu.memory_space<vmem>>, %arg6: memref<120x128xf32, #tpu.memory_space<vmem>>, %arg7: memref<120x128xf32, #tpu.memory_space<vmem>>, %arg8: memref<!tpu.dma_semaphore, #tpu.memory_space<semaphore_mem>>, %arg9: memref<!tpu.dma_semaphore, #tpu.memory_space<semaphore_mem>>) attributes {dimension_semantics = [#tpu.dimension_semantics<core_parallel>, #tpu.dimension_semantics<subcore_parallel>], iteration_bounds = array<i64: 2, 16>, scalar_prefetch = 0 : i64, scratch_operands = 5 : i64, tpu.core_type = #tpu.core_type<sc_vector_subcore>, window_params = [{transform_indices = #map}, {transform_indices = #map1}, {transform_indices = #map}]} {
    %mul3A = arith.constant 2 : i32
    %mul3A_0 = arith.muli %arg1, %mul3A : i32
    %add3A = arith.addi %mul3A_0, %arg0 : i32
    %mul3A_1 = arith.constant 2880 : i32
    %mul3A_2 = arith.muli %add3A, %mul3A_1 : i32
    "tpu.region"() ({
      %run_scoped3A = tpu.sem_alloc : memref<!tpu.dma_semaphore, #tpu.memory_space<semaphore_mem>>
      %dma_start3A_20 = arith.constant 0 : i32
      %dma_start3A_21 = arith.constant 0 : i32
      %dma_start3A_22 = tpu.memref_slice %arg3[%add3A, %dma_start3A_20, %dma_start3A_21] : memref<32x24x120xi32, #tpu.memory_space<hbm>> -> memref<1x24x120xi32, #tpu.memory_space<hbm>>
      %dma_start3A_23 = tpu.memref_squeeze %dma_start3A_22 : memref<1x24x120xi32, #tpu.memory_space<hbm>> -> memref<24x120xi32, #tpu.memory_space<hbm>>
      %dma_start3A_24 = arith.constant 0 : i32
      %dma_start3A_25 = arith.constant 0 : i32
      %dma_start3A_26 = tpu.memref_slice %arg3[%add3A, %dma_start3A_24, %dma_start3A_25] : memref<32x24x120xi32, #tpu.memory_space<hbm>> -> memref<1x24x120xi32, #tpu.memory_space<hbm>>
      %dma_start3A_27 = tpu.memref_squeeze %dma_start3A_26 : memref<1x24x120xi32, #tpu.memory_space<hbm>> -> memref<24x120xi32, #tpu.memory_space<hbm>>
      tpu.enqueue_dma source(%dma_start3A_27 : memref<24x120xi32, #tpu.memory_space<hbm>>) target(%arg5 : memref<24x120xi32, #tpu.memory_space<vmem>>) target_semaphore(%run_scoped3A : memref<!tpu.dma_semaphore, #tpu.memory_space<semaphore_mem>>)
      %dma_wait3A_28 = arith.constant 0 : i32
      %dma_wait3A_29 = arith.constant 0 : i32
      %dma_wait3A_30 = tpu.memref_slice %arg3[%add3A, %dma_wait3A_28, %dma_wait3A_29] : memref<32x24x120xi32, #tpu.memory_space<hbm>> -> memref<1x24x120xi32, #tpu.memory_space<hbm>>
      %dma_wait3A_31 = tpu.memref_squeeze %dma_wait3A_30 : memref<1x24x120xi32, #tpu.memory_space<hbm>> -> memref<24x120xi32, #tpu.memory_space<hbm>>
      %dma_wait3A_32 = arith.constant 0 : i32
      %dma_wait3A_33 = arith.constant 0 : i32
      %dma_wait3A_34 = tpu.memref_slice %arg3[%add3A, %dma_wait3A_32, %dma_wait3A_33] : memref<32x24x120xi32, #tpu.memory_space<hbm>> -> memref<1x24x120xi32, #tpu.memory_space<hbm>>
      %dma_wait3A_35 = tpu.memref_squeeze %dma_wait3A_34 : memref<1x24x120xi32, #tpu.memory_space<hbm>> -> memref<24x120xi32, #tpu.memory_space<hbm>>
      tpu.wait_dma2 semaphore(%run_scoped3A : memref<!tpu.dma_semaphore, #tpu.memory_space<semaphore_mem>>) src(%dma_wait3A_35 : memref<24x120xi32, #tpu.memory_space<hbm>>) dst(%arg5 : memref<24x120xi32, #tpu.memory_space<vmem>>)
      tpu.yield
    }) : () -> ()
    %dma_start3A = arith.constant 0 : i32
    %dma_start3A_3 = arith.constant 0 : i32
    %dma_start3A_4 = tpu.memref_slice %arg5[%dma_start3A, %dma_start3A_3] : memref<24x120xi32, #tpu.memory_space<vmem>> -> memref<1x120xi32, #tpu.memory_space<vmem>>
    %dma_start3A_5 = tpu.memref_squeeze %dma_start3A_4 : memref<1x120xi32, #tpu.memory_space<vmem>> -> memref<120xi32, #tpu.memory_space<vmem>>
    %dma_start3A_6 = arith.constant 0 : i32
    %dma_start3A_7 = arith.constant 0 : i32
    %dma_start3A_8 = tpu.memref_slice %arg2[%dma_start3A_6, %dma_start3A_7] : memref<10000x128xf32, #tpu.memory_space<hbm>> -> memref<10000x128xf32, #tpu.memory_space<hbm>>
    tpu.enqueue_indirect_dma source(%dma_start3A_8 : memref<10000x128xf32, #tpu.memory_space<hbm>>) target(%arg6 : memref<120x128xf32, #tpu.memory_space<vmem>>) offsets(%dma_start3A_5 : memref<120xi32, #tpu.memory_space<vmem>>) semaphore(%arg8 : memref<!tpu.dma_semaphore, #tpu.memory_space<semaphore_mem>>)
    %scan3A = arith.constant 0 : i32
    %scan3A_9 = arith.constant 0 : i32
    %scan3A_10 = arith.constant 12 : i32
    %scan3A_11 = arith.addi %scan3A_9, %scan3A_10 : i32
    %scan3A_12 = arith.constant 1 : i32
    scf.for %scan3A_20 = %scan3A_9 to %scan3A_11 step %scan3A_12  : i32 {
      %mul3A_21 = arith.constant 2 : i32
      %mul3A_22 = arith.muli %mul3A_21, %scan3A_20 : i32
      %add3A_23 = arith.constant 1 : i32
      %add3A_24 = arith.addi %mul3A_22, %add3A_23 : i32
      %min3A = arith.constant 23 : i32
      %min3A_25 = arith.minsi %add3A_24, %min3A : i32
      %dma_start3A_26 = arith.constant 0 : i32
      %dma_start3A_27 = tpu.memref_slice %arg5[%min3A_25, %dma_start3A_26] : memref<24x120xi32, #tpu.memory_space<vmem>> -> memref<1x120xi32, #tpu.memory_space<vmem>>
      %dma_start3A_28 = tpu.memref_squeeze %dma_start3A_27 : memref<1x120xi32, #tpu.memory_space<vmem>> -> memref<120xi32, #tpu.memory_space<vmem>>
      %dma_start3A_29 = arith.constant 0 : i32
      %dma_start3A_30 = arith.constant 0 : i32
      %dma_start3A_31 = tpu.memref_slice %arg2[%dma_start3A_29, %dma_start3A_30] : memref<10000x128xf32, #tpu.memory_space<hbm>> -> memref<10000x128xf32, #tpu.memory_space<hbm>>
      tpu.enqueue_indirect_dma source(%dma_start3A_31 : memref<10000x128xf32, #tpu.memory_space<hbm>>) target(%arg7 : memref<120x128xf32, #tpu.memory_space<vmem>>) offsets(%dma_start3A_28 : memref<120xi32, #tpu.memory_space<vmem>>) semaphore(%arg9 : memref<!tpu.dma_semaphore, #tpu.memory_space<semaphore_mem>>)
      %dma_wait3A_32 = arith.constant 0 : i32
      %dma_wait3A_33 = arith.constant 0 : i32
      %dma_wait3A_34 = tpu.memref_slice %arg5[%dma_wait3A_32, %dma_wait3A_33] : memref<24x120xi32, #tpu.memory_space<vmem>> -> memref<1x120xi32, #tpu.memory_space<vmem>>
      %dma_wait3A_35 = tpu.memref_squeeze %dma_wait3A_34 : memref<1x120xi32, #tpu.memory_space<vmem>> -> memref<120xi32, #tpu.memory_space<vmem>>
      %dma_wait3A_36 = arith.constant 0 : i32
      %dma_wait3A_37 = arith.constant 0 : i32
      %dma_wait3A_38 = tpu.memref_slice %arg2[%dma_wait3A_36, %dma_wait3A_37] : memref<10000x128xf32, #tpu.memory_space<hbm>> -> memref<10000x128xf32, #tpu.memory_space<hbm>>
      tpu.wait_indirect_dma semaphore(%arg8 : memref<!tpu.dma_semaphore, #tpu.memory_space<semaphore_mem>>) src(%dma_wait3A_38 : memref<10000x128xf32, #tpu.memory_space<hbm>>) dst(%arg6 : memref<120x128xf32, #tpu.memory_space<vmem>>)
      %mul3A_39 = arith.constant 2 : i32
      %mul3A_40 = arith.muli %mul3A_39, %scan3A_20 : i32
      %mul3A_41 = arith.constant 120 : i32
      %mul3A_42 = arith.muli %mul3A_40, %mul3A_41 : i32
      %add3A_43 = arith.addi %mul3A_2, %mul3A_42 : i32
      "tpu.region"() ({
        %run_scoped3A = tpu.sem_alloc : memref<!tpu.dma_semaphore, #tpu.memory_space<semaphore_mem>>
        %dma_start3A_70 = arith.constant 0 : i32
        %dma_start3A_71 = tpu.memref_slice %arg4[%add3A_43, %dma_start3A_70] : memref<92160x128xf32, #tpu.memory_space<hbm>> -> memref<120x128xf32, #tpu.memory_space<hbm>>
        %dma_start3A_72 = arith.constant 0 : i32
        %dma_start3A_73 = tpu.memref_slice %arg4[%add3A_43, %dma_start3A_72] : memref<92160x128xf32, #tpu.memory_space<hbm>> -> memref<120x128xf32, #tpu.memory_space<hbm>>
        tpu.enqueue_dma source(%arg6 : memref<120x128xf32, #tpu.memory_space<vmem>>) target(%dma_start3A_73 : memref<120x128xf32, #tpu.memory_space<hbm>>) target_semaphore(%run_scoped3A : memref<!tpu.dma_semaphore, #tpu.memory_space<semaphore_mem>>)
        %dma_wait3A_74 = arith.constant 0 : i32
        %dma_wait3A_75 = tpu.memref_slice %arg4[%add3A_43, %dma_wait3A_74] : memref<92160x128xf32, #tpu.memory_space<hbm>> -> memref<120x128xf32, #tpu.memory_space<hbm>>
        %dma_wait3A_76 = arith.constant 0 : i32
        %dma_wait3A_77 = tpu.memref_slice %arg4[%add3A_43, %dma_wait3A_76] : memref<92160x128xf32, #tpu.memory_space<hbm>> -> memref<120x128xf32, #tpu.memory_space<hbm>>
        tpu.wait_dma2 semaphore(%run_scoped3A : memref<!tpu.dma_semaphore, #tpu.memory_space<semaphore_mem>>) src(%arg6 : memref<120x128xf32, #tpu.memory_space<vmem>>) dst(%dma_wait3A_77 : memref<120x128xf32, #tpu.memory_space<hbm>>)
        tpu.yield
      }) : () -> ()
      %mul3A_44 = arith.constant 2 : i32
      %mul3A_45 = arith.muli %mul3A_44, %scan3A_20 : i32
      %add3A_46 = arith.constant 2 : i32
      %add3A_47 = arith.addi %mul3A_45, %add3A_46 : i32
      %min3A_48 = arith.constant 23 : i32
      %min3A_49 = arith.minsi %add3A_47, %min3A_48 : i32
      %dma_start3A_50 = arith.constant 0 : i32
      %dma_start3A_51 = tpu.memref_slice %arg5[%min3A_49, %dma_start3A_50] : memref<24x120xi32, #tpu.memory_space<vmem>> -> memref<1x120xi32, #tpu.memory_space<vmem>>
      %dma_start3A_52 = tpu.memref_squeeze %dma_start3A_51 : memref<1x120xi32, #tpu.memory_space<vmem>> -> memref<120xi32, #tpu.memory_space<vmem>>
      %dma_start3A_53 = arith.constant 0 : i32
      %dma_start3A_54 = arith.constant 0 : i32
      %dma_start3A_55 = tpu.memref_slice %arg2[%dma_start3A_53, %dma_start3A_54] : memref<10000x128xf32, #tpu.memory_space<hbm>> -> memref<10000x128xf32, #tpu.memory_space<hbm>>
      tpu.enqueue_indirect_dma source(%dma_start3A_55 : memref<10000x128xf32, #tpu.memory_space<hbm>>) target(%arg6 : memref<120x128xf32, #tpu.memory_space<vmem>>) offsets(%dma_start3A_52 : memref<120xi32, #tpu.memory_space<vmem>>) semaphore(%arg8 : memref<!tpu.dma_semaphore, #tpu.memory_space<semaphore_mem>>)
      %dma_wait3A_56 = arith.constant 0 : i32
      %dma_wait3A_57 = arith.constant 0 : i32
      %dma_wait3A_58 = tpu.memref_slice %arg5[%dma_wait3A_56, %dma_wait3A_57] : memref<24x120xi32, #tpu.memory_space<vmem>> -> memref<1x120xi32, #tpu.memory_space<vmem>>
      %dma_wait3A_59 = tpu.memref_squeeze %dma_wait3A_58 : memref<1x120xi32, #tpu.memory_space<vmem>> -> memref<120xi32, #tpu.memory_space<vmem>>
      %dma_wait3A_60 = arith.constant 0 : i32
      %dma_wait3A_61 = arith.constant 0 : i32
      %dma_wait3A_62 = tpu.memref_slice %arg2[%dma_wait3A_60, %dma_wait3A_61] : memref<10000x128xf32, #tpu.memory_space<hbm>> -> memref<10000x128xf32, #tpu.memory_space<hbm>>
      tpu.wait_indirect_dma semaphore(%arg9 : memref<!tpu.dma_semaphore, #tpu.memory_space<semaphore_mem>>) src(%dma_wait3A_62 : memref<10000x128xf32, #tpu.memory_space<hbm>>) dst(%arg7 : memref<120x128xf32, #tpu.memory_space<vmem>>)
      %mul3A_63 = arith.constant 2 : i32
      %mul3A_64 = arith.muli %mul3A_63, %scan3A_20 : i32
      %add3A_65 = arith.constant 1 : i32
      %add3A_66 = arith.addi %mul3A_64, %add3A_65 : i32
      %mul3A_67 = arith.constant 120 : i32
      %mul3A_68 = arith.muli %add3A_66, %mul3A_67 : i32
      %add3A_69 = arith.addi %mul3A_2, %mul3A_68 : i32
      "tpu.region"() ({
        %run_scoped3A = tpu.sem_alloc : memref<!tpu.dma_semaphore, #tpu.memory_space<semaphore_mem>>
        %dma_start3A_70 = arith.constant 0 : i32
        %dma_start3A_71 = tpu.memref_slice %arg4[%add3A_69, %dma_start3A_70] : memref<92160x128xf32, #tpu.memory_space<hbm>> -> memref<120x128xf32, #tpu.memory_space<hbm>>
        %dma_start3A_72 = arith.constant 0 : i32
        %dma_start3A_73 = tpu.memref_slice %arg4[%add3A_69, %dma_start3A_72] : memref<92160x128xf32, #tpu.memory_space<hbm>> -> memref<120x128xf32, #tpu.memory_space<hbm>>
        tpu.enqueue_dma source(%arg7 : memref<120x128xf32, #tpu.memory_space<vmem>>) target(%dma_start3A_73 : memref<120x128xf32, #tpu.memory_space<hbm>>) target_semaphore(%run_scoped3A : memref<!tpu.dma_semaphore, #tpu.memory_space<semaphore_mem>>)
        %dma_wait3A_74 = arith.constant 0 : i32
        %dma_wait3A_75 = tpu.memref_slice %arg4[%add3A_69, %dma_wait3A_74] : memref<92160x128xf32, #tpu.memory_space<hbm>> -> memref<120x128xf32, #tpu.memory_space<hbm>>
        %dma_wait3A_76 = arith.constant 0 : i32
        %dma_wait3A_77 = tpu.memref_slice %arg4[%add3A_69, %dma_wait3A_76] : memref<92160x128xf32, #tpu.memory_space<hbm>> -> memref<120x128xf32, #tpu.memory_space<hbm>>
        tpu.wait_dma2 semaphore(%run_scoped3A : memref<!tpu.dma_semaphore, #tpu.memory_space<semaphore_mem>>) src(%arg7 : memref<120x128xf32, #tpu.memory_space<vmem>>) dst(%dma_wait3A_77 : memref<120x128xf32, #tpu.memory_space<hbm>>)
        tpu.yield
      }) : () -> ()
    }
    %scan3A_13 = arith.constant 12 : i32
    %dma_wait3A = arith.constant 0 : i32
    %dma_wait3A_14 = arith.constant 0 : i32
    %dma_wait3A_15 = tpu.memref_slice %arg5[%dma_wait3A, %dma_wait3A_14] : memref<24x120xi32, #tpu.memory_space<vmem>> -> memref<1x120xi32, #tpu.memory_space<vmem>>
    %dma_wait3A_16 = tpu.memref_squeeze %dma_wait3A_15 : memref<1x120xi32, #tpu.memory_space<vmem>> -> memref<120xi32, #tpu.memory_space<vmem>>
    %dma_wait3A_17 = arith.constant 0 : i32
    %dma_wait3A_18 = arith.constant 0 : i32
    %dma_wait3A_19 = tpu.memref_slice %arg2[%dma_wait3A_17, %dma_wait3A_18] : memref<10000x128xf32, #tpu.memory_space<hbm>> -> memref<10000x128xf32, #tpu.memory_space<hbm>>
    tpu.wait_indirect_dma semaphore(%arg8 : memref<!tpu.dma_semaphore, #tpu.memory_space<semaphore_mem>>) src(%dma_wait3A_19 : memref<10000x128xf32, #tpu.memory_space<hbm>>) dst(%arg6 : memref<120x128xf32, #tpu.memory_space<vmem>>)
    return
  }
}

#map = affine_map<(d0, d1) -> (0)>
#map1 = affine_map<(d0, d1) -> (0, 0, 0)>
module attributes {stable_mosaic.version = 14 : i64} {
  func.func @assign_kernel(%arg0: i32, %arg1: i32, %arg2: memref<160256xi32, #tpu.memory_space<hbm>>, %arg3: memref<160256xi32, #tpu.memory_space<hbm>>, %arg4: memref<32x80x128xi32, #tpu.memory_space<hbm>>, %arg5: memref<32x720x128xi32, #tpu.memory_space<hbm>>, %arg6: memref<5008xi32, #tpu.memory_space<vmem>>, %arg7: memref<5008xi32, #tpu.memory_space<vmem>>, %arg8: memref<80x128xi32, #tpu.memory_space<vmem>>, %arg9: memref<720x128xi32, #tpu.memory_space<vmem>>) attributes {dimension_semantics = [#tpu.dimension_semantics<core_parallel>, #tpu.dimension_semantics<subcore_parallel>], iteration_bounds = array<i64: 2, 16>, scalar_prefetch = 0 : i64, scratch_operands = 4 : i64, tpu.core_type = #tpu.core_type<sc_vector_subcore>, window_params = [{transform_indices = #map}, {transform_indices = #map}, {transform_indices = #map1}, {transform_indices = #map1}]} {
    %mul3A = arith.constant 2 : i32
    %mul3A_0 = arith.muli %arg1, %mul3A : i32
    %add3A = arith.addi %mul3A_0, %arg0 : i32
    %broadcast_in_dim3A = arith.constant 0 : i32
    %broadcast_in_dim3A_1 = vector.broadcast %broadcast_in_dim3A : i32 to vector<16xi32>
    %scan3A = arith.constant 0 : i32
    %scan3A_2 = arith.constant 0 : i32
    %scan3A_3 = arith.constant 720 : i32
    %scan3A_4 = arith.addi %scan3A_2, %scan3A_3 : i32
    %scan3A_5 = arith.constant 1 : i32
    scf.for %scan3A_17 = %scan3A_2 to %scan3A_4 step %scan3A_5  : i32 {
      %swap3A = arith.index_cast %scan3A_17 : i32 to index
      %swap3A_18 = arith.constant 0 : index
      %swap3A_19 = tpu.vector_load %arg9[%swap3A, %swap3A_18] {strides = array<i32>} : memref<720x128xi32, #tpu.memory_space<vmem>>, vector<16xi32>,
      tpu.vector_store %arg9[%swap3A, %swap3A_18], %broadcast_in_dim3A_1 {strides = array<i32>} : memref<720x128xi32, #tpu.memory_space<vmem>>, vector<16xi32>,
      %swap3A_20 = arith.index_cast %scan3A_17 : i32 to index
      %swap3A_21 = arith.constant 16 : index
      %swap3A_22 = tpu.vector_load %arg9[%swap3A_20, %swap3A_21] {strides = array<i32>} : memref<720x128xi32, #tpu.memory_space<vmem>>, vector<16xi32>,
      tpu.vector_store %arg9[%swap3A_20, %swap3A_21], %broadcast_in_dim3A_1 {strides = array<i32>} : memref<720x128xi32, #tpu.memory_space<vmem>>, vector<16xi32>,
      %swap3A_23 = arith.index_cast %scan3A_17 : i32 to index
      %swap3A_24 = arith.constant 32 : index
      %swap3A_25 = tpu.vector_load %arg9[%swap3A_23, %swap3A_24] {strides = array<i32>} : memref<720x128xi32, #tpu.memory_space<vmem>>, vector<16xi32>,
      tpu.vector_store %arg9[%swap3A_23, %swap3A_24], %broadcast_in_dim3A_1 {strides = array<i32>} : memref<720x128xi32, #tpu.memory_space<vmem>>, vector<16xi32>,
      %swap3A_26 = arith.index_cast %scan3A_17 : i32 to index
      %swap3A_27 = arith.constant 48 : index
      %swap3A_28 = tpu.vector_load %arg9[%swap3A_26, %swap3A_27] {strides = array<i32>} : memref<720x128xi32, #tpu.memory_space<vmem>>, vector<16xi32>,
      tpu.vector_store %arg9[%swap3A_26, %swap3A_27], %broadcast_in_dim3A_1 {strides = array<i32>} : memref<720x128xi32, #tpu.memory_space<vmem>>, vector<16xi32>,
      %swap3A_29 = arith.index_cast %scan3A_17 : i32 to index
      %swap3A_30 = arith.constant 64 : index
      %swap3A_31 = tpu.vector_load %arg9[%swap3A_29, %swap3A_30] {strides = array<i32>} : memref<720x128xi32, #tpu.memory_space<vmem>>, vector<16xi32>,
      tpu.vector_store %arg9[%swap3A_29, %swap3A_30], %broadcast_in_dim3A_1 {strides = array<i32>} : memref<720x128xi32, #tpu.memory_space<vmem>>, vector<16xi32>,
      %swap3A_32 = arith.index_cast %scan3A_17 : i32 to index
      %swap3A_33 = arith.constant 80 : index
      %swap3A_34 = tpu.vector_load %arg9[%swap3A_32, %swap3A_33] {strides = array<i32>} : memref<720x128xi32, #tpu.memory_space<vmem>>, vector<16xi32>,
      tpu.vector_store %arg9[%swap3A_32, %swap3A_33], %broadcast_in_dim3A_1 {strides = array<i32>} : memref<720x128xi32, #tpu.memory_space<vmem>>, vector<16xi32>,
      %swap3A_35 = arith.index_cast %scan3A_17 : i32 to index
      %swap3A_36 = arith.constant 96 : index
      %swap3A_37 = tpu.vector_load %arg9[%swap3A_35, %swap3A_36] {strides = array<i32>} : memref<720x128xi32, #tpu.memory_space<vmem>>, vector<16xi32>,
      tpu.vector_store %arg9[%swap3A_35, %swap3A_36], %broadcast_in_dim3A_1 {strides = array<i32>} : memref<720x128xi32, #tpu.memory_space<vmem>>, vector<16xi32>,
      %swap3A_38 = arith.index_cast %scan3A_17 : i32 to index
      %swap3A_39 = arith.constant 112 : index
      %swap3A_40 = tpu.vector_load %arg9[%swap3A_38, %swap3A_39] {strides = array<i32>} : memref<720x128xi32, #tpu.memory_space<vmem>>, vector<16xi32>,
      tpu.vector_store %arg9[%swap3A_38, %swap3A_39], %broadcast_in_dim3A_1 {strides = array<i32>} : memref<720x128xi32, #tpu.memory_space<vmem>>, vector<16xi32>,
    }
    %scan3A_6 = arith.constant 720 : i32
    %mul3A_7 = arith.constant 5008 : i32
    %mul3A_8 = arith.muli %add3A, %mul3A_7 : i32
    "tpu.region"() ({
      %run_scoped3A = tpu.sem_alloc : memref<!tpu.dma_semaphore, #tpu.memory_space<semaphore_mem>>
      %dma_start3A = tpu.memref_slice %arg2[%mul3A_8] : memref<160256xi32, #tpu.memory_space<hbm>> -> memref<5008xi32, #tpu.memory_space<hbm>>
      %dma_start3A_17 = tpu.memref_slice %arg2[%mul3A_8] : memref<160256xi32, #tpu.memory_space<hbm>> -> memref<5008xi32, #tpu.memory_space<hbm>>
      tpu.enqueue_dma source(%dma_start3A_17 : memref<5008xi32, #tpu.memory_space<hbm>>) target(%arg6 : memref<5008xi32, #tpu.memory_space<vmem>>) target_semaphore(%run_scoped3A : memref<!tpu.dma_semaphore, #tpu.memory_space<semaphore_mem>>)
      %dma_wait3A = tpu.memref_slice %arg2[%mul3A_8] : memref<160256xi32, #tpu.memory_space<hbm>> -> memref<5008xi32, #tpu.memory_space<hbm>>
      %dma_wait3A_18 = tpu.memref_slice %arg2[%mul3A_8] : memref<160256xi32, #tpu.memory_space<hbm>> -> memref<5008xi32, #tpu.memory_space<hbm>>
      tpu.wait_dma2 semaphore(%run_scoped3A : memref<!tpu.dma_semaphore, #tpu.memory_space<semaphore_mem>>) src(%dma_wait3A_18 : memref<5008xi32, #tpu.memory_space<hbm>>) dst(%arg6 : memref<5008xi32, #tpu.memory_space<vmem>>)
      tpu.yield
    }) : () -> ()
    %mul3A_9 = arith.constant 5008 : i32
    %mul3A_10 = arith.muli %add3A, %mul3A_9 : i32
    "tpu.region"() ({
      %run_scoped3A = tpu.sem_alloc : memref<!tpu.dma_semaphore, #tpu.memory_space<semaphore_mem>>
      %dma_start3A = tpu.memref_slice %arg3[%mul3A_10] : memref<160256xi32, #tpu.memory_space<hbm>> -> memref<5008xi32, #tpu.memory_space<hbm>>
      %dma_start3A_17 = tpu.memref_slice %arg3[%mul3A_10] : memref<160256xi32, #tpu.memory_space<hbm>> -> memref<5008xi32, #tpu.memory_space<hbm>>
      tpu.enqueue_dma source(%dma_start3A_17 : memref<5008xi32, #tpu.memory_space<hbm>>) target(%arg7 : memref<5008xi32, #tpu.memory_space<vmem>>) target_semaphore(%run_scoped3A : memref<!tpu.dma_semaphore, #tpu.memory_space<semaphore_mem>>)
      %dma_wait3A = tpu.memref_slice %arg3[%mul3A_10] : memref<160256xi32, #tpu.memory_space<hbm>> -> memref<5008xi32, #tpu.memory_space<hbm>>
      %dma_wait3A_18 = tpu.memref_slice %arg3[%mul3A_10] : memref<160256xi32, #tpu.memory_space<hbm>> -> memref<5008xi32, #tpu.memory_space<hbm>>
      tpu.wait_dma2 semaphore(%run_scoped3A : memref<!tpu.dma_semaphore, #tpu.memory_space<semaphore_mem>>) src(%dma_wait3A_18 : memref<5008xi32, #tpu.memory_space<hbm>>) dst(%arg7 : memref<5008xi32, #tpu.memory_space<vmem>>)
      tpu.yield
    }) : () -> ()
    "tpu.region"() ({
      %run_scoped3A = tpu.sem_alloc : memref<!tpu.dma_semaphore, #tpu.memory_space<semaphore_mem>>
      %dma_start3A = arith.constant 0 : i32
      %dma_start3A_17 = arith.constant 0 : i32
      %dma_start3A_18 = tpu.memref_slice %arg4[%add3A, %dma_start3A, %dma_start3A_17] : memref<32x80x128xi32, #tpu.memory_space<hbm>> -> memref<1x80x128xi32, #tpu.memory_space<hbm>>
      %dma_start3A_19 = tpu.memref_squeeze %dma_start3A_18 : memref<1x80x128xi32, #tpu.memory_space<hbm>> -> memref<80x128xi32, #tpu.memory_space<hbm>>
      %dma_start3A_20 = arith.constant 0 : i32
      %dma_start3A_21 = arith.constant 0 : i32
      %dma_start3A_22 = tpu.memref_slice %arg4[%add3A, %dma_start3A_20, %dma_start3A_21] : memref<32x80x128xi32, #tpu.memory_space<hbm>> -> memref<1x80x128xi32, #tpu.memory_space<hbm>>
      %dma_start3A_23 = tpu.memref_squeeze %dma_start3A_22 : memref<1x80x128xi32, #tpu.memory_space<hbm>> -> memref<80x128xi32, #tpu.memory_space<hbm>>
      tpu.enqueue_dma source(%dma_start3A_23 : memref<80x128xi32, #tpu.memory_space<hbm>>) target(%arg8 : memref<80x128xi32, #tpu.memory_space<vmem>>) target_semaphore(%run_scoped3A : memref<!tpu.dma_semaphore, #tpu.memory_space<semaphore_mem>>)
      %dma_wait3A = arith.constant 0 : i32
      %dma_wait3A_24 = arith.constant 0 : i32
      %dma_wait3A_25 = tpu.memref_slice %arg4[%add3A, %dma_wait3A, %dma_wait3A_24] : memref<32x80x128xi32, #tpu.memory_space<hbm>> -> memref<1x80x128xi32, #tpu.memory_space<hbm>>
      %dma_wait3A_26 = tpu.memref_squeeze %dma_wait3A_25 : memref<1x80x128xi32, #tpu.memory_space<hbm>> -> memref<80x128xi32, #tpu.memory_space<hbm>>
      %dma_wait3A_27 = arith.constant 0 : i32
      %dma_wait3A_28 = arith.constant 0 : i32
      %dma_wait3A_29 = tpu.memref_slice %arg4[%add3A, %dma_wait3A_27, %dma_wait3A_28] : memref<32x80x128xi32, #tpu.memory_space<hbm>> -> memref<1x80x128xi32, #tpu.memory_space<hbm>>
      %dma_wait3A_30 = tpu.memref_squeeze %dma_wait3A_29 : memref<1x80x128xi32, #tpu.memory_space<hbm>> -> memref<80x128xi32, #tpu.memory_space<hbm>>
      tpu.wait_dma2 semaphore(%run_scoped3A : memref<!tpu.dma_semaphore, #tpu.memory_space<semaphore_mem>>) src(%dma_wait3A_30 : memref<80x128xi32, #tpu.memory_space<hbm>>) dst(%arg8 : memref<80x128xi32, #tpu.memory_space<vmem>>)
      tpu.yield
    }) : () -> ()
    %scan3A_11 = arith.constant 0 : i32
    %scan3A_12 = arith.constant 0 : i32
    %scan3A_13 = arith.constant 313 : i32
    %scan3A_14 = arith.addi %scan3A_12, %scan3A_13 : i32
    %scan3A_15 = arith.constant 1 : i32
    scf.for %scan3A_17 = %scan3A_12 to %scan3A_14 step %scan3A_15  : i32 {
      %mul3A_18 = arith.constant 16 : i32
      %mul3A_19 = arith.muli %scan3A_17, %mul3A_18 : i32
      %get3A = arith.index_cast %mul3A_19 : i32 to index
      %get3A_20 = tpu.vector_load %arg6[%get3A] {strides = array<i32>} : memref<5008xi32, #tpu.memory_space<vmem>>, vector<16xi32>,
      %mul3A_21 = arith.constant 16 : i32
      %mul3A_22 = arith.muli %scan3A_17, %mul3A_21 : i32
      %get3A_23 = arith.index_cast %mul3A_22 : i32 to index
      %get3A_24 = tpu.vector_load %arg7[%get3A_23] {strides = array<i32>} : memref<5008xi32, #tpu.memory_space<vmem>>, vector<16xi32>,
      %iota3A = tpu.iota {dimensions = array<i32: 0>} : vector<16xi32>
      %broadcast_in_dim3A_25 = arith.constant 1 : i32
      %broadcast_in_dim3A_26 = vector.broadcast %broadcast_in_dim3A_25 : i32 to vector<16xi32>
      %broadcast_in_dim3A_27 = arith.constant 0 : i32
      %broadcast_in_dim3A_28 = vector.broadcast %broadcast_in_dim3A_27 : i32 to vector<16xi32>
      %slice3A = vector.extract_strided_slice %get3A_20 {offsets = [0], sizes = [1], strides = [1]} : vector<16xi32> to vector<1xi32>
      %squeeze3A = vector.extract %slice3A[0] : i32 from vector<1xi32>
      %eq3A = vector.broadcast %squeeze3A : i32 to vector<16xi32>
      %eq3A_29 = arith.cmpi eq, %get3A_20, %eq3A : vector<16xi32>
      %select_n3A = arith.select %eq3A_29, %broadcast_in_dim3A_26, %broadcast_in_dim3A_28 : vector<16xi1>, vector<16xi32>
      %gt3A = arith.constant 0 : i32
      %gt3A_30 = vector.broadcast %gt3A : i32 to vector<16xi32>
      %gt3A_31 = arith.cmpi sgt, %iota3A, %gt3A_30 : vector<16xi32>
      %select_n3A_32 = arith.select %gt3A_31, %select_n3A, %broadcast_in_dim3A_28 : vector<16xi1>, vector<16xi32>
      %add3A_33 = arith.addi %broadcast_in_dim3A_28, %select_n3A_32 : vector<16xi32>
      %lt3A = arith.constant 0 : i32
      %lt3A_34 = vector.broadcast %lt3A : i32 to vector<16xi32>
      %lt3A_35 = arith.cmpi slt, %iota3A, %lt3A_34 : vector<16xi32>
      %select_n3A_36 = arith.select %lt3A_35, %select_n3A, %broadcast_in_dim3A_28 : vector<16xi1>, vector<16xi32>
      %add3A_37 = arith.addi %broadcast_in_dim3A_28, %select_n3A_36 : vector<16xi32>
      %slice3A_38 = vector.extract_strided_slice %get3A_20 {offsets = [1], sizes = [1], strides = [1]} : vector<16xi32> to vector<1xi32>
      %squeeze3A_39 = vector.extract %slice3A_38[0] : i32 from vector<1xi32>
      %eq3A_40 = vector.broadcast %squeeze3A_39 : i32 to vector<16xi32>
      %eq3A_41 = arith.cmpi eq, %get3A_20, %eq3A_40 : vector<16xi32>
      %select_n3A_42 = arith.select %eq3A_41, %broadcast_in_dim3A_26, %broadcast_in_dim3A_28 : vector<16xi1>, vector<16xi32>
      %gt3A_43 = arith.constant 1 : i32
      %gt3A_44 = vector.broadcast %gt3A_43 : i32 to vector<16xi32>
      %gt3A_45 = arith.cmpi sgt, %iota3A, %gt3A_44 : vector<16xi32>
      %select_n3A_46 = arith.select %gt3A_45, %select_n3A_42, %broadcast_in_dim3A_28 : vector<16xi1>, vector<16xi32>
      %add3A_47 = arith.addi %add3A_33, %select_n3A_46 : vector<16xi32>
      %lt3A_48 = arith.constant 1 : i32
      %lt3A_49 = vector.broadcast %lt3A_48 : i32 to vector<16xi32>
      %lt3A_50 = arith.cmpi slt, %iota3A, %lt3A_49 : vector<16xi32>
      %select_n3A_51 = arith.select %lt3A_50, %select_n3A_42, %broadcast_in_dim3A_28 : vector<16xi1>, vector<16xi32>
      %add3A_52 = arith.addi %add3A_37, %select_n3A_51 : vector<16xi32>
      %slice3A_53 = vector.extract_strided_slice %get3A_20 {offsets = [2], sizes = [1], strides = [1]} : vector<16xi32> to vector<1xi32>
      %squeeze3A_54 = vector.extract %slice3A_53[0] : i32 from vector<1xi32>
      %eq3A_55 = vector.broadcast %squeeze3A_54 : i32 to vector<16xi32>
      %eq3A_56 = arith.cmpi eq, %get3A_20, %eq3A_55 : vector<16xi32>
      %select_n3A_57 = arith.select %eq3A_56, %broadcast_in_dim3A_26, %broadcast_in_dim3A_28 : vector<16xi1>, vector<16xi32>
      %gt3A_58 = arith.constant 2 : i32
      %gt3A_59 = vector.broadcast %gt3A_58 : i32 to vector<16xi32>
      %gt3A_60 = arith.cmpi sgt, %iota3A, %gt3A_59 : vector<16xi32>
      %select_n3A_61 = arith.select %gt3A_60, %select_n3A_57, %broadcast_in_dim3A_28 : vector<16xi1>, vector<16xi32>
      %add3A_62 = arith.addi %add3A_47, %select_n3A_61 : vector<16xi32>
      %lt3A_63 = arith.constant 2 : i32
      %lt3A_64 = vector.broadcast %lt3A_63 : i32 to vector<16xi32>
      %lt3A_65 = arith.cmpi slt, %iota3A, %lt3A_64 : vector<16xi32>
      %select_n3A_66 = arith.select %lt3A_65, %select_n3A_57, %broadcast_in_dim3A_28 : vector<16xi1>, vector<16xi32>
      %add3A_67 = arith.addi %add3A_52, %select_n3A_66 : vector<16xi32>
      %slice3A_68 = vector.extract_strided_slice %get3A_20 {offsets = [3], sizes = [1], strides = [1]} : vector<16xi32> to vector<1xi32>
      %squeeze3A_69 = vector.extract %slice3A_68[0] : i32 from vector<1xi32>
      %eq3A_70 = vector.broadcast %squeeze3A_69 : i32 to vector<16xi32>
      %eq3A_71 = arith.cmpi eq, %get3A_20, %eq3A_70 : vector<16xi32>
      %select_n3A_72 = arith.select %eq3A_71, %broadcast_in_dim3A_26, %broadcast_in_dim3A_28 : vector<16xi1>, vector<16xi32>
      %gt3A_73 = arith.constant 3 : i32
      %gt3A_74 = vector.broadcast %gt3A_73 : i32 to vector<16xi32>
      %gt3A_75 = arith.cmpi sgt, %iota3A, %gt3A_74 : vector<16xi32>
      %select_n3A_76 = arith.select %gt3A_75, %select_n3A_72, %broadcast_in_dim3A_28 : vector<16xi1>, vector<16xi32>
      %add3A_77 = arith.addi %add3A_62, %select_n3A_76 : vector<16xi32>
      %lt3A_78 = arith.constant 3 : i32
      %lt3A_79 = vector.broadcast %lt3A_78 : i32 to vector<16xi32>
      %lt3A_80 = arith.cmpi slt, %iota3A, %lt3A_79 : vector<16xi32>
      %select_n3A_81 = arith.select %lt3A_80, %select_n3A_72, %broadcast_in_dim3A_28 : vector<16xi1>, vector<16xi32>
      %add3A_82 = arith.addi %add3A_67, %select_n3A_81 : vector<16xi32>
      %slice3A_83 = vector.extract_strided_slice %get3A_20 {offsets = [4], sizes = [1], strides = [1]} : vector<16xi32> to vector<1xi32>
      %squeeze3A_84 = vector.extract %slice3A_83[0] : i32 from vector<1xi32>
      %eq3A_85 = vector.broadcast %squeeze3A_84 : i32 to vector<16xi32>
      %eq3A_86 = arith.cmpi eq, %get3A_20, %eq3A_85 : vector<16xi32>
      %select_n3A_87 = arith.select %eq3A_86, %broadcast_in_dim3A_26, %broadcast_in_dim3A_28 : vector<16xi1>, vector<16xi32>
      %gt3A_88 = arith.constant 4 : i32
      %gt3A_89 = vector.broadcast %gt3A_88 : i32 to vector<16xi32>
      %gt3A_90 = arith.cmpi sgt, %iota3A, %gt3A_89 : vector<16xi32>
      %select_n3A_91 = arith.select %gt3A_90, %select_n3A_87, %broadcast_in_dim3A_28 : vector<16xi1>, vector<16xi32>
      %add3A_92 = arith.addi %add3A_77, %select_n3A_91 : vector<16xi32>
      %lt3A_93 = arith.constant 4 : i32
      %lt3A_94 = vector.broadcast %lt3A_93 : i32 to vector<16xi32>
      %lt3A_95 = arith.cmpi slt, %iota3A, %lt3A_94 : vector<16xi32>
      %select_n3A_96 = arith.select %lt3A_95, %select_n3A_87, %broadcast_in_dim3A_28 : vector<16xi1>, vector<16xi32>
      %add3A_97 = arith.addi %add3A_82, %select_n3A_96 : vector<16xi32>
      %slice3A_98 = vector.extract_strided_slice %get3A_20 {offsets = [5], sizes = [1], strides = [1]} : vector<16xi32> to vector<1xi32>
      %squeeze3A_99 = vector.extract %slice3A_98[0] : i32 from vector<1xi32>
      %eq3A_100 = vector.broadcast %squeeze3A_99 : i32 to vector<16xi32>
      %eq3A_101 = arith.cmpi eq, %get3A_20, %eq3A_100 : vector<16xi32>
      %select_n3A_102 = arith.select %eq3A_101, %broadcast_in_dim3A_26, %broadcast_in_dim3A_28 : vector<16xi1>, vector<16xi32>
      %gt3A_103 = arith.constant 5 : i32
      %gt3A_104 = vector.broadcast %gt3A_103 : i32 to vector<16xi32>
      %gt3A_105 = arith.cmpi sgt, %iota3A, %gt3A_104 : vector<16xi32>
      %select_n3A_106 = arith.select %gt3A_105, %select_n3A_102, %broadcast_in_dim3A_28 : vector<16xi1>, vector<16xi32>
      %add3A_107 = arith.addi %add3A_92, %select_n3A_106 : vector<16xi32>
      %lt3A_108 = arith.constant 5 : i32
      %lt3A_109 = vector.broadcast %lt3A_108 : i32 to vector<16xi32>
      %lt3A_110 = arith.cmpi slt, %iota3A, %lt3A_109 : vector<16xi32>
      %select_n3A_111 = arith.select %lt3A_110, %select_n3A_102, %broadcast_in_dim3A_28 : vector<16xi1>, vector<16xi32>
      %add3A_112 = arith.addi %add3A_97, %select_n3A_111 : vector<16xi32>
      %slice3A_113 = vector.extract_strided_slice %get3A_20 {offsets = [6], sizes = [1], strides = [1]} : vector<16xi32> to vector<1xi32>
      %squeeze3A_114 = vector.extract %slice3A_113[0] : i32 from vector<1xi32>
      %eq3A_115 = vector.broadcast %squeeze3A_114 : i32 to vector<16xi32>
      %eq3A_116 = arith.cmpi eq, %get3A_20, %eq3A_115 : vector<16xi32>
      %select_n3A_117 = arith.select %eq3A_116, %broadcast_in_dim3A_26, %broadcast_in_dim3A_28 : vector<16xi1>, vector<16xi32>
      %gt3A_118 = arith.constant 6 : i32
      %gt3A_119 = vector.broadcast %gt3A_118 : i32 to vector<16xi32>
      %gt3A_120 = arith.cmpi sgt, %iota3A, %gt3A_119 : vector<16xi32>
      %select_n3A_121 = arith.select %gt3A_120, %select_n3A_117, %broadcast_in_dim3A_28 : vector<16xi1>, vector<16xi32>
      %add3A_122 = arith.addi %add3A_107, %select_n3A_121 : vector<16xi32>
      %lt3A_123 = arith.constant 6 : i32
      %lt3A_124 = vector.broadcast %lt3A_123 : i32 to vector<16xi32>
      %lt3A_125 = arith.cmpi slt, %iota3A, %lt3A_124 : vector<16xi32>
      %select_n3A_126 = arith.select %lt3A_125, %select_n3A_117, %broadcast_in_dim3A_28 : vector<16xi1>, vector<16xi32>
      %add3A_127 = arith.addi %add3A_112, %select_n3A_126 : vector<16xi32>
      %slice3A_128 = vector.extract_strided_slice %get3A_20 {offsets = [7], sizes = [1], strides = [1]} : vector<16xi32> to vector<1xi32>
      %squeeze3A_129 = vector.extract %slice3A_128[0] : i32 from vector<1xi32>
      %eq3A_130 = vector.broadcast %squeeze3A_129 : i32 to vector<16xi32>
      %eq3A_131 = arith.cmpi eq, %get3A_20, %eq3A_130 : vector<16xi32>
      %select_n3A_132 = arith.select %eq3A_131, %broadcast_in_dim3A_26, %broadcast_in_dim3A_28 : vector<16xi1>, vector<16xi32>
      %gt3A_133 = arith.constant 7 : i32
      %gt3A_134 = vector.broadcast %gt3A_133 : i32 to vector<16xi32>
      %gt3A_135 = arith.cmpi sgt, %iota3A, %gt3A_134 : vector<16xi32>
      %select_n3A_136 = arith.select %gt3A_135, %select_n3A_132, %broadcast_in_dim3A_28 : vector<16xi1>, vector<16xi32>
      %add3A_137 = arith.addi %add3A_122, %select_n3A_136 : vector<16xi32>
      %lt3A_138 = arith.constant 7 : i32
      %lt3A_139 = vector.broadcast %lt3A_138 : i32 to vector<16xi32>
      %lt3A_140 = arith.cmpi slt, %iota3A, %lt3A_139 : vector<16xi32>
      %select_n3A_141 = arith.select %lt3A_140, %select_n3A_132, %broadcast_in_dim3A_28 : vector<16xi1>, vector<16xi32>
      %add3A_142 = arith.addi %add3A_127, %select_n3A_141 : vector<16xi32>
      %slice3A_143 = vector.extract_strided_slice %get3A_20 {offsets = [8], sizes = [1], strides = [1]} : vector<16xi32> to vector<1xi32>
      %squeeze3A_144 = vector.extract %slice3A_143[0] : i32 from vector<1xi32>
      %eq3A_145 = vector.broadcast %squeeze3A_144 : i32 to vector<16xi32>
      %eq3A_146 = arith.cmpi eq, %get3A_20, %eq3A_145 : vector<16xi32>
      %select_n3A_147 = arith.select %eq3A_146, %broadcast_in_dim3A_26, %broadcast_in_dim3A_28 : vector<16xi1>, vector<16xi32>
      %gt3A_148 = arith.constant 8 : i32
      %gt3A_149 = vector.broadcast %gt3A_148 : i32 to vector<16xi32>
      %gt3A_150 = arith.cmpi sgt, %iota3A, %gt3A_149 : vector<16xi32>
      %select_n3A_151 = arith.select %gt3A_150, %select_n3A_147, %broadcast_in_dim3A_28 : vector<16xi1>, vector<16xi32>
      %add3A_152 = arith.addi %add3A_137, %select_n3A_151 : vector<16xi32>
      %lt3A_153 = arith.constant 8 : i32
      %lt3A_154 = vector.broadcast %lt3A_153 : i32 to vector<16xi32>
      %lt3A_155 = arith.cmpi slt, %iota3A, %lt3A_154 : vector<16xi32>
      %select_n3A_156 = arith.select %lt3A_155, %select_n3A_147, %broadcast_in_dim3A_28 : vector<16xi1>, vector<16xi32>
      %add3A_157 = arith.addi %add3A_142, %select_n3A_156 : vector<16xi32>
      %slice3A_158 = vector.extract_strided_slice %get3A_20 {offsets = [9], sizes = [1], strides = [1]} : vector<16xi32> to vector<1xi32>
      %squeeze3A_159 = vector.extract %slice3A_158[0] : i32 from vector<1xi32>
      %eq3A_160 = vector.broadcast %squeeze3A_159 : i32 to vector<16xi32>
      %eq3A_161 = arith.cmpi eq, %get3A_20, %eq3A_160 : vector<16xi32>
      %select_n3A_162 = arith.select %eq3A_161, %broadcast_in_dim3A_26, %broadcast_in_dim3A_28 : vector<16xi1>, vector<16xi32>
      %gt3A_163 = arith.constant 9 : i32
      %gt3A_164 = vector.broadcast %gt3A_163 : i32 to vector<16xi32>
      %gt3A_165 = arith.cmpi sgt, %iota3A, %gt3A_164 : vector<16xi32>
      %select_n3A_166 = arith.select %gt3A_165, %select_n3A_162, %broadcast_in_dim3A_28 : vector<16xi1>, vector<16xi32>
      %add3A_167 = arith.addi %add3A_152, %select_n3A_166 : vector<16xi32>
      %lt3A_168 = arith.constant 9 : i32
      %lt3A_169 = vector.broadcast %lt3A_168 : i32 to vector<16xi32>
      %lt3A_170 = arith.cmpi slt, %iota3A, %lt3A_169 : vector<16xi32>
      %select_n3A_171 = arith.select %lt3A_170, %select_n3A_162, %broadcast_in_dim3A_28 : vector<16xi1>, vector<16xi32>
      %add3A_172 = arith.addi %add3A_157, %select_n3A_171 : vector<16xi32>
      %slice3A_173 = vector.extract_strided_slice %get3A_20 {offsets = [10], sizes = [1], strides = [1]} : vector<16xi32> to vector<1xi32>
      %squeeze3A_174 = vector.extract %slice3A_173[0] : i32 from vector<1xi32>
      %eq3A_175 = vector.broadcast %squeeze3A_174 : i32 to vector<16xi32>
      %eq3A_176 = arith.cmpi eq, %get3A_20, %eq3A_175 : vector<16xi32>
      %select_n3A_177 = arith.select %eq3A_176, %broadcast_in_dim3A_26, %broadcast_in_dim3A_28 : vector<16xi1>, vector<16xi32>
      %gt3A_178 = arith.constant 10 : i32
      %gt3A_179 = vector.broadcast %gt3A_178 : i32 to vector<16xi32>
      %gt3A_180 = arith.cmpi sgt, %iota3A, %gt3A_179 : vector<16xi32>
      %select_n3A_181 = arith.select %gt3A_180, %select_n3A_177, %broadcast_in_dim3A_28 : vector<16xi1>, vector<16xi32>
      %add3A_182 = arith.addi %add3A_167, %select_n3A_181 : vector<16xi32>
      %lt3A_183 = arith.constant 10 : i32
      %lt3A_184 = vector.broadcast %lt3A_183 : i32 to vector<16xi32>
      %lt3A_185 = arith.cmpi slt, %iota3A, %lt3A_184 : vector<16xi32>
      %select_n3A_186 = arith.select %lt3A_185, %select_n3A_177, %broadcast_in_dim3A_28 : vector<16xi1>, vector<16xi32>
      %add3A_187 = arith.addi %add3A_172, %select_n3A_186 : vector<16xi32>
      %slice3A_188 = vector.extract_strided_slice %get3A_20 {offsets = [11], sizes = [1], strides = [1]} : vector<16xi32> to vector<1xi32>
      %squeeze3A_189 = vector.extract %slice3A_188[0] : i32 from vector<1xi32>
      %eq3A_190 = vector.broadcast %squeeze3A_189 : i32 to vector<16xi32>
      %eq3A_191 = arith.cmpi eq, %get3A_20, %eq3A_190 : vector<16xi32>
      %select_n3A_192 = arith.select %eq3A_191, %broadcast_in_dim3A_26, %broadcast_in_dim3A_28 : vector<16xi1>, vector<16xi32>
      %gt3A_193 = arith.constant 11 : i32
      %gt3A_194 = vector.broadcast %gt3A_193 : i32 to vector<16xi32>
      %gt3A_195 = arith.cmpi sgt, %iota3A, %gt3A_194 : vector<16xi32>
      %select_n3A_196 = arith.select %gt3A_195, %select_n3A_192, %broadcast_in_dim3A_28 : vector<16xi1>, vector<16xi32>
      %add3A_197 = arith.addi %add3A_182, %select_n3A_196 : vector<16xi32>
      %lt3A_198 = arith.constant 11 : i32
      %lt3A_199 = vector.broadcast %lt3A_198 : i32 to vector<16xi32>
      %lt3A_200 = arith.cmpi slt, %iota3A, %lt3A_199 : vector<16xi32>
      %select_n3A_201 = arith.select %lt3A_200, %select_n3A_192, %broadcast_in_dim3A_28 : vector<16xi1>, vector<16xi32>
      %add3A_202 = arith.addi %add3A_187, %select_n3A_201 : vector<16xi32>
      %slice3A_203 = vector.extract_strided_slice %get3A_20 {offsets = [12], sizes = [1], strides = [1]} : vector<16xi32> to vector<1xi32>
      %squeeze3A_204 = vector.extract %slice3A_203[0] : i32 from vector<1xi32>
      %eq3A_205 = vector.broadcast %squeeze3A_204 : i32 to vector<16xi32>
      %eq3A_206 = arith.cmpi eq, %get3A_20, %eq3A_205 : vector<16xi32>
      %select_n3A_207 = arith.select %eq3A_206, %broadcast_in_dim3A_26, %broadcast_in_dim3A_28 : vector<16xi1>, vector<16xi32>
      %gt3A_208 = arith.constant 12 : i32
      %gt3A_209 = vector.broadcast %gt3A_208 : i32 to vector<16xi32>
      %gt3A_210 = arith.cmpi sgt, %iota3A, %gt3A_209 : vector<16xi32>
      %select_n3A_211 = arith.select %gt3A_210, %select_n3A_207, %broadcast_in_dim3A_28 : vector<16xi1>, vector<16xi32>
      %add3A_212 = arith.addi %add3A_197, %select_n3A_211 : vector<16xi32>
      %lt3A_213 = arith.constant 12 : i32
      %lt3A_214 = vector.broadcast %lt3A_213 : i32 to vector<16xi32>
      %lt3A_215 = arith.cmpi slt, %iota3A, %lt3A_214 : vector<16xi32>
      %select_n3A_216 = arith.select %lt3A_215, %select_n3A_207, %broadcast_in_dim3A_28 : vector<16xi1>, vector<16xi32>
      %add3A_217 = arith.addi %add3A_202, %select_n3A_216 : vector<16xi32>
      %slice3A_218 = vector.extract_strided_slice %get3A_20 {offsets = [13], sizes = [1], strides = [1]} : vector<16xi32> to vector<1xi32>
      %squeeze3A_219 = vector.extract %slice3A_218[0] : i32 from vector<1xi32>
      %eq3A_220 = vector.broadcast %squeeze3A_219 : i32 to vector<16xi32>
      %eq3A_221 = arith.cmpi eq, %get3A_20, %eq3A_220 : vector<16xi32>
      %select_n3A_222 = arith.select %eq3A_221, %broadcast_in_dim3A_26, %broadcast_in_dim3A_28 : vector<16xi1>, vector<16xi32>
      %gt3A_223 = arith.constant 13 : i32
      %gt3A_224 = vector.broadcast %gt3A_223 : i32 to vector<16xi32>
      %gt3A_225 = arith.cmpi sgt, %iota3A, %gt3A_224 : vector<16xi32>
      %select_n3A_226 = arith.select %gt3A_225, %select_n3A_222, %broadcast_in_dim3A_28 : vector<16xi1>, vector<16xi32>
      %add3A_227 = arith.addi %add3A_212, %select_n3A_226 : vector<16xi32>
      %lt3A_228 = arith.constant 13 : i32
      %lt3A_229 = vector.broadcast %lt3A_228 : i32 to vector<16xi32>
      %lt3A_230 = arith.cmpi slt, %iota3A, %lt3A_229 : vector<16xi32>
      %select_n3A_231 = arith.select %lt3A_230, %select_n3A_222, %broadcast_in_dim3A_28 : vector<16xi1>, vector<16xi32>
      %add3A_232 = arith.addi %add3A_217, %select_n3A_231 : vector<16xi32>
      %slice3A_233 = vector.extract_strided_slice %get3A_20 {offsets = [14], sizes = [1], strides = [1]} : vector<16xi32> to vector<1xi32>
      %squeeze3A_234 = vector.extract %slice3A_233[0] : i32 from vector<1xi32>
      %eq3A_235 = vector.broadcast %squeeze3A_234 : i32 to vector<16xi32>
      %eq3A_236 = arith.cmpi eq, %get3A_20, %eq3A_235 : vector<16xi32>
      %select_n3A_237 = arith.select %eq3A_236, %broadcast_in_dim3A_26, %broadcast_in_dim3A_28 : vector<16xi1>, vector<16xi32>
      %gt3A_238 = arith.constant 14 : i32
      %gt3A_239 = vector.broadcast %gt3A_238 : i32 to vector<16xi32>
      %gt3A_240 = arith.cmpi sgt, %iota3A, %gt3A_239 : vector<16xi32>
      %select_n3A_241 = arith.select %gt3A_240, %select_n3A_237, %broadcast_in_dim3A_28 : vector<16xi1>, vector<16xi32>
      %add3A_242 = arith.addi %add3A_227, %select_n3A_241 : vector<16xi32>
      %lt3A_243 = arith.constant 14 : i32
      %lt3A_244 = vector.broadcast %lt3A_243 : i32 to vector<16xi32>
      %lt3A_245 = arith.cmpi slt, %iota3A, %lt3A_244 : vector<16xi32>
      %select_n3A_246 = arith.select %lt3A_245, %select_n3A_237, %broadcast_in_dim3A_28 : vector<16xi1>, vector<16xi32>
      %add3A_247 = arith.addi %add3A_232, %select_n3A_246 : vector<16xi32>
      %slice3A_248 = vector.extract_strided_slice %get3A_20 {offsets = [15], sizes = [1], strides = [1]} : vector<16xi32> to vector<1xi32>
      %squeeze3A_249 = vector.extract %slice3A_248[0] : i32 from vector<1xi32>
      %eq3A_250 = vector.broadcast %squeeze3A_249 : i32 to vector<16xi32>
      %eq3A_251 = arith.cmpi eq, %get3A_20, %eq3A_250 : vector<16xi32>
      %select_n3A_252 = arith.select %eq3A_251, %broadcast_in_dim3A_26, %broadcast_in_dim3A_28 : vector<16xi1>, vector<16xi32>
      %gt3A_253 = arith.constant 15 : i32
      %gt3A_254 = vector.broadcast %gt3A_253 : i32 to vector<16xi32>
      %gt3A_255 = arith.cmpi sgt, %iota3A, %gt3A_254 : vector<16xi32>
      %select_n3A_256 = arith.select %gt3A_255, %select_n3A_252, %broadcast_in_dim3A_28 : vector<16xi1>, vector<16xi32>
      %add3A_257 = arith.addi %add3A_242, %select_n3A_256 : vector<16xi32>
      %lt3A_258 = arith.constant 15 : i32
      %lt3A_259 = vector.broadcast %lt3A_258 : i32 to vector<16xi32>
      %lt3A_260 = arith.cmpi slt, %iota3A, %lt3A_259 : vector<16xi32>
      %select_n3A_261 = arith.select %lt3A_260, %select_n3A_252, %broadcast_in_dim3A_28 : vector<16xi1>, vector<16xi32>
      %add3A_262 = arith.addi %add3A_247, %select_n3A_261 : vector<16xi32>
      %shift_right_arithmetic3A = arith.constant 7 : i32
      %shift_right_arithmetic3A_263 = vector.broadcast %shift_right_arithmetic3A : i32 to vector<16xi32>
      %shift_right_arithmetic3A_264 = arith.shrsi %get3A_20, %shift_right_arithmetic3A_263 : vector<16xi32>
      %and3A = arith.constant 127 : i32
      %and3A_265 = vector.broadcast %and3A : i32 to vector<16xi32>
      %and3A_266 = arith.andi %get3A_20, %and3A_265 : vector<16xi32>
      %gather3A = tpu.vector_load_idx %arg8[%shift_right_arithmetic3A_264, %and3A_266] : memref<80x128xi32, #tpu.memory_space<vmem>>[vector<16xi32>, vector<16xi32>], vector<16xi32>,
      %add3A_267 = arith.addi %gather3A, %add3A_257 : vector<16xi32>
      %min3A = arith.constant 8 : i32
      %min3A_268 = vector.broadcast %min3A : i32 to vector<16xi32>
      %min3A_269 = arith.minsi %add3A_267, %min3A_268 : vector<16xi32>
      %mul3A_270 = arith.constant 10240 : i32
      %mul3A_271 = vector.broadcast %mul3A_270 : i32 to vector<16xi32>
      %mul3A_272 = arith.muli %min3A_269, %mul3A_271 : vector<16xi32>
      %add3A_273 = arith.addi %mul3A_272, %get3A_20 : vector<16xi32>
      %shift_right_arithmetic3A_274 = arith.constant 7 : i32
      %shift_right_arithmetic3A_275 = vector.broadcast %shift_right_arithmetic3A_274 : i32 to vector<16xi32>
      %shift_right_arithmetic3A_276 = arith.shrsi %add3A_273, %shift_right_arithmetic3A_275 : vector<16xi32>
      %and3A_277 = arith.constant 127 : i32
      %and3A_278 = vector.broadcast %and3A_277 : i32 to vector<16xi32>
      %and3A_279 = arith.andi %add3A_273, %and3A_278 : vector<16xi32>
      %add3A_280 = arith.constant 1 : i32
      %add3A_281 = vector.broadcast %add3A_280 : i32 to vector<16xi32>
      %add3A_282 = arith.addi %get3A_24, %add3A_281 : vector<16xi32>
      tpu.vector_store_idx %arg9[%shift_right_arithmetic3A_276, %and3A_279], %add3A_282 : memref<720x128xi32, #tpu.memory_space<vmem>>[vector<16xi32>, vector<16xi32>], vector<16xi32>,
      %add3A_283 = arith.addi %add3A_267, %add3A_262 : vector<16xi32>
      %add3A_284 = arith.constant 1 : i32
      %add3A_285 = vector.broadcast %add3A_284 : i32 to vector<16xi32>
      %add3A_286 = arith.addi %add3A_283, %add3A_285 : vector<16xi32>
      %eq3A_287 = arith.constant 0 : i32
      %eq3A_288 = vector.broadcast %eq3A_287 : i32 to vector<16xi32>
      %eq3A_289 = arith.cmpi eq, %add3A_262, %eq3A_288 : vector<16xi32>
      tpu.vector_store_idx %arg8[%shift_right_arithmetic3A_264, %and3A_266], %add3A_286 masked %eq3A_289 : memref<80x128xi32, #tpu.memory_space<vmem>>[vector<16xi32>, vector<16xi32>], vector<16xi32>, vector<16xi1>
    }
    %scan3A_16 = arith.constant 313 : i32
    "tpu.region"() ({
      %run_scoped3A = tpu.sem_alloc : memref<!tpu.dma_semaphore, #tpu.memory_space<semaphore_mem>>
      %dma_start3A = arith.constant 0 : i32
      %dma_start3A_17 = arith.constant 0 : i32
      %dma_start3A_18 = tpu.memref_slice %arg5[%add3A, %dma_start3A, %dma_start3A_17] : memref<32x720x128xi32, #tpu.memory_space<hbm>> -> memref<1x720x128xi32, #tpu.memory_space<hbm>>
      %dma_start3A_19 = tpu.memref_squeeze %dma_start3A_18 : memref<1x720x128xi32, #tpu.memory_space<hbm>> -> memref<720x128xi32, #tpu.memory_space<hbm>>
      %dma_start3A_20 = arith.constant 0 : i32
      %dma_start3A_21 = arith.constant 0 : i32
      %dma_start3A_22 = tpu.memref_slice %arg5[%add3A, %dma_start3A_20, %dma_start3A_21] : memref<32x720x128xi32, #tpu.memory_space<hbm>> -> memref<1x720x128xi32, #tpu.memory_space<hbm>>
      %dma_start3A_23 = tpu.memref_squeeze %dma_start3A_22 : memref<1x720x128xi32, #tpu.memory_space<hbm>> -> memref<720x128xi32, #tpu.memory_space<hbm>>
      tpu.enqueue_dma source(%arg9 : memref<720x128xi32, #tpu.memory_space<vmem>>) target(%dma_start3A_23 : memref<720x128xi32, #tpu.memory_space<hbm>>) target_semaphore(%run_scoped3A : memref<!tpu.dma_semaphore, #tpu.memory_space<semaphore_mem>>)
      %dma_wait3A = arith.constant 0 : i32
      %dma_wait3A_24 = arith.constant 0 : i32
      %dma_wait3A_25 = tpu.memref_slice %arg5[%add3A, %dma_wait3A, %dma_wait3A_24] : memref<32x720x128xi32, #tpu.memory_space<hbm>> -> memref<1x720x128xi32, #tpu.memory_space<hbm>>
      %dma_wait3A_26 = tpu.memref_squeeze %dma_wait3A_25 : memref<1x720x128xi32, #tpu.memory_space<hbm>> -> memref<720x128xi32, #tpu.memory_space<hbm>>
      %dma_wait3A_27 = arith.constant 0 : i32
      %dma_wait3A_28 = arith.constant 0 : i32
      %dma_wait3A_29 = tpu.memref_slice %arg5[%add3A, %dma_wait3A_27, %dma_wait3A_28] : memref<32x720x128xi32, #tpu.memory_space<hbm>> -> memref<1x720x128xi32, #tpu.memory_space<hbm>>
      %dma_wait3A_30 = tpu.memref_squeeze %dma_wait3A_29 : memref<1x720x128xi32, #tpu.memory_space<hbm>> -> memref<720x128xi32, #tpu.memory_space<hbm>>
      tpu.wait_dma2 semaphore(%run_scoped3A : memref<!tpu.dma_semaphore, #tpu.memory_space<semaphore_mem>>) src(%arg9 : memref<720x128xi32, #tpu.memory_space<vmem>>) dst(%dma_wait3A_30 : memref<720x128xi32, #tpu.memory_space<hbm>>)
      tpu.yield
    }) : () -> ()
    return
  }
}

module attributes {stable_mosaic.version = 14 : i64} {
  func.func @_solve_body(%arg0: i32, %arg1: memref<9x128x128xf32, #tpu.memory_space<vmem>>, %arg2: memref<9x128xf32, #tpu.memory_space<vmem>>, %arg3: memref<264x160xf32, #tpu.memory_space<vmem>>, %arg4: memref<10x10x128xf32, #tpu.memory_space<vmem>>, %arg5: memref<10x10x10x128xf32, #tpu.memory_space<vmem>>, %arg6: memref<10x128xf32, #tpu.memory_space<vmem>>) attributes {dimension_semantics = [#tpu.dimension_semantics<arbitrary>], iteration_bounds = array<i64: 80>, scalar_prefetch = 0 : i64, scratch_operands = 0 : i64, tpu.core_type = #tpu.core_type<tc>, window_params = [{transform_indices = @transform_0, window_bounds = array<i64: 9, 128, 128>}, {transform_indices = @transform_1, window_bounds = array<i64: 9, 128>}, {pipeline_mode = #tpu.pipeline_mode<synchronous>, transform_indices = @transform_2, window_bounds = array<i64: 264, 160>}, {pipeline_mode = #tpu.pipeline_mode<synchronous>, transform_indices = @transform_3, window_bounds = array<i64: 10, 10, 128>}, {pipeline_mode = #tpu.pipeline_mode<synchronous>, transform_indices = @transform_4, window_bounds = array<i64: 10, 10, 10, 128>}, {transform_indices = @transform_5, window_bounds = array<i64: 10, 128>}]} {
    %get3A = arith.constant 0 : index
    %get3A_0 = arith.constant 0 : index
    %get3A_1 = vector.load %arg3[%get3A, %get3A_0] : memref<264x160xf32, #tpu.memory_space<vmem>>, vector<264x160xf32>
    %get3A_2 = arith.constant 0 : index
    %get3A_3 = arith.constant 0 : index
    %get3A_4 = arith.constant 0 : index
    %get3A_5 = vector.load %arg4[%get3A_2, %get3A_3, %get3A_4] : memref<10x10x128xf32, #tpu.memory_space<vmem>>, vector<10x10x128xf32>
    %get3A_6 = arith.constant 0 : index
    %get3A_7 = arith.constant 0 : index
    %get3A_8 = arith.constant 0 : index
    %get3A_9 = arith.constant 0 : index
    %get3A_10 = vector.load %arg5[%get3A_6, %get3A_7, %get3A_8, %get3A_9] : memref<10x10x10x128xf32, #tpu.memory_space<vmem>>, vector<10x10x10x128xf32>
    %broadcast_in_dim3A = arith.constant 1.000000e+00 : f32
    %broadcast_in_dim3A_11 = vector.broadcast %broadcast_in_dim3A : f32 to vector<128x8xf32>
    %get3A_12 = arith.constant 0 : index
    %get3A_13 = arith.constant 0 : index
    %get3A_14 = arith.constant 0 : index
    %get3A_15 = vector.load %arg1[%get3A_12, %get3A_13, %get3A_14] : memref<9x128x128xf32, #tpu.memory_space<vmem>>, vector<1x128x128xf32>
    %get3A_16 = vector.shape_cast %get3A_15 : vector<1x128x128xf32> to vector<128x128xf32>
    %mul3A = arith.mulf %get3A_16, %get3A_16 : vector<128x128xf32>
    %concatenate3A = tpu.concatenate %get3A_16, %mul3A, %broadcast_in_dim3A_11 in 1 : vector<128x128xf32>, vector<128x128xf32>, vector<128x8xf32> -> vector<128x264xf32>
    %dot_general3A = arith.constant dense<0.000000e+00> : vector<128x160xf32>
    %dot_general3A_17 = tpu.matmul %concatenate3A, %get3A_1, %dot_general3A {dimension_numbers = #tpu.dot_dimension_numbers<[1], [0], [0], [1], [0, 0, 1, 1], [], []>, transpose_lhs_hint = false} : vector<128x264xf32>, vector<264x160xf32>, vector<128x160xf32> -> vector<128x160xf32>
    %transpose3A = tpu.transpose %dot_general3A_17, [1, 0] : vector<128x160xf32> -> vector<160x128xf32>
    %reshape3A = vector.shape_cast %transpose3A : vector<160x128xf32> to vector<10x16x128xf32>
    %slice3A = vector.extract_strided_slice %reshape3A {offsets = [0, 0, 0], sizes = [10, 10, 128], strides = [1, 1, 1]} : vector<10x16x128xf32> to vector<10x10x128xf32>
    %get3A_18 = arith.constant 1 : index
    %get3A_19 = arith.constant 0 : index
    %get3A_20 = arith.constant 0 : index
    %get3A_21 = vector.load %arg1[%get3A_18, %get3A_19, %get3A_20] : memref<9x128x128xf32, #tpu.memory_space<vmem>>, vector<1x128x128xf32>
    %get3A_22 = vector.shape_cast %get3A_21 : vector<1x128x128xf32> to vector<128x128xf32>
    %mul3A_23 = arith.mulf %get3A_22, %get3A_22 : vector<128x128xf32>
    %concatenate3A_24 = tpu.concatenate %get3A_22, %mul3A_23, %broadcast_in_dim3A_11 in 1 : vector<128x128xf32>, vector<128x128xf32>, vector<128x8xf32> -> vector<128x264xf32>
    %dot_general3A_25 = arith.constant dense<0.000000e+00> : vector<128x160xf32>
    %dot_general3A_26 = tpu.matmul %concatenate3A_24, %get3A_1, %dot_general3A_25 {dimension_numbers = #tpu.dot_dimension_numbers<[1], [0], [0], [1], [0, 0, 1, 1], [], []>, transpose_lhs_hint = false} : vector<128x264xf32>, vector<264x160xf32>, vector<128x160xf32> -> vector<128x160xf32>
    %transpose3A_27 = tpu.transpose %dot_general3A_26, [1, 0] : vector<128x160xf32> -> vector<160x128xf32>
    %reshape3A_28 = vector.shape_cast %transpose3A_27 : vector<160x128xf32> to vector<10x16x128xf32>
    %slice3A_29 = vector.extract_strided_slice %reshape3A_28 {offsets = [0, 0, 0], sizes = [10, 10, 128], strides = [1, 1, 1]} : vector<10x16x128xf32> to vector<10x10x128xf32>
    %get3A_30 = arith.constant 2 : index
    %get3A_31 = arith.constant 0 : index
    %get3A_32 = arith.constant 0 : index
    %get3A_33 = vector.load %arg1[%get3A_30, %get3A_31, %get3A_32] : memref<9x128x128xf32, #tpu.memory_space<vmem>>, vector<1x128x128xf32>
    %get3A_34 = vector.shape_cast %get3A_33 : vector<1x128x128xf32> to vector<128x128xf32>
    %mul3A_35 = arith.mulf %get3A_34, %get3A_34 : vector<128x128xf32>
    %concatenate3A_36 = tpu.concatenate %get3A_34, %mul3A_35, %broadcast_in_dim3A_11 in 1 : vector<128x128xf32>, vector<128x128xf32>, vector<128x8xf32> -> vector<128x264xf32>
    %dot_general3A_37 = arith.constant dense<0.000000e+00> : vector<128x160xf32>
    %dot_general3A_38 = tpu.matmul %concatenate3A_36, %get3A_1, %dot_general3A_37 {dimension_numbers = #tpu.dot_dimension_numbers<[1], [0], [0], [1], [0, 0, 1, 1], [], []>, transpose_lhs_hint = false} : vector<128x264xf32>, vector<264x160xf32>, vector<128x160xf32> -> vector<128x160xf32>
    %transpose3A_39 = tpu.transpose %dot_general3A_38, [1, 0] : vector<128x160xf32> -> vector<160x128xf32>
    %reshape3A_40 = vector.shape_cast %transpose3A_39 : vector<160x128xf32> to vector<10x16x128xf32>
    %slice3A_41 = vector.extract_strided_slice %reshape3A_40 {offsets = [0, 0, 0], sizes = [10, 10, 128], strides = [1, 1, 1]} : vector<10x16x128xf32> to vector<10x10x128xf32>
    %get3A_42 = arith.constant 3 : index
    %get3A_43 = arith.constant 0 : index
    %get3A_44 = arith.constant 0 : index
    %get3A_45 = vector.load %arg1[%get3A_42, %get3A_43, %get3A_44] : memref<9x128x128xf32, #tpu.memory_space<vmem>>, vector<1x128x128xf32>
    %get3A_46 = vector.shape_cast %get3A_45 : vector<1x128x128xf32> to vector<128x128xf32>
    %mul3A_47 = arith.mulf %get3A_46, %get3A_46 : vector<128x128xf32>
    %concatenate3A_48 = tpu.concatenate %get3A_46, %mul3A_47, %broadcast_in_dim3A_11 in 1 : vector<128x128xf32>, vector<128x128xf32>, vector<128x8xf32> -> vector<128x264xf32>
    %dot_general3A_49 = arith.constant dense<0.000000e+00> : vector<128x160xf32>
    %dot_general3A_50 = tpu.matmul %concatenate3A_48, %get3A_1, %dot_general3A_49 {dimension_numbers = #tpu.dot_dimension_numbers<[1], [0], [0], [1], [0, 0, 1, 1], [], []>, transpose_lhs_hint = false} : vector<128x264xf32>, vector<264x160xf32>, vector<128x160xf32> -> vector<128x160xf32>
    %transpose3A_51 = tpu.transpose %dot_general3A_50, [1, 0] : vector<128x160xf32> -> vector<160x128xf32>
    %reshape3A_52 = vector.shape_cast %transpose3A_51 : vector<160x128xf32> to vector<10x16x128xf32>
    %slice3A_53 = vector.extract_strided_slice %reshape3A_52 {offsets = [0, 0, 0], sizes = [10, 10, 128], strides = [1, 1, 1]} : vector<10x16x128xf32> to vector<10x10x128xf32>
    %get3A_54 = arith.constant 4 : index
    %get3A_55 = arith.constant 0 : index
    %get3A_56 = arith.constant 0 : index
    %get3A_57 = vector.load %arg1[%get3A_54, %get3A_55, %get3A_56] : memref<9x128x128xf32, #tpu.memory_space<vmem>>, vector<1x128x128xf32>
    %get3A_58 = vector.shape_cast %get3A_57 : vector<1x128x128xf32> to vector<128x128xf32>
    %mul3A_59 = arith.mulf %get3A_58, %get3A_58 : vector<128x128xf32>
    %concatenate3A_60 = tpu.concatenate %get3A_58, %mul3A_59, %broadcast_in_dim3A_11 in 1 : vector<128x128xf32>, vector<128x128xf32>, vector<128x8xf32> -> vector<128x264xf32>
    %dot_general3A_61 = arith.constant dense<0.000000e+00> : vector<128x160xf32>
    %dot_general3A_62 = tpu.matmul %concatenate3A_60, %get3A_1, %dot_general3A_61 {dimension_numbers = #tpu.dot_dimension_numbers<[1], [0], [0], [1], [0, 0, 1, 1], [], []>, transpose_lhs_hint = false} : vector<128x264xf32>, vector<264x160xf32>, vector<128x160xf32> -> vector<128x160xf32>
    %transpose3A_63 = tpu.transpose %dot_general3A_62, [1, 0] : vector<128x160xf32> -> vector<160x128xf32>
    %reshape3A_64 = vector.shape_cast %transpose3A_63 : vector<160x128xf32> to vector<10x16x128xf32>
    %slice3A_65 = vector.extract_strided_slice %reshape3A_64 {offsets = [0, 0, 0], sizes = [10, 10, 128], strides = [1, 1, 1]} : vector<10x16x128xf32> to vector<10x10x128xf32>
    %get3A_66 = arith.constant 5 : index
    %get3A_67 = arith.constant 0 : index
    %get3A_68 = arith.constant 0 : index
    %get3A_69 = vector.load %arg1[%get3A_66, %get3A_67, %get3A_68] : memref<9x128x128xf32, #tpu.memory_space<vmem>>, vector<1x128x128xf32>
    %get3A_70 = vector.shape_cast %get3A_69 : vector<1x128x128xf32> to vector<128x128xf32>
    %mul3A_71 = arith.mulf %get3A_70, %get3A_70 : vector<128x128xf32>
    %concatenate3A_72 = tpu.concatenate %get3A_70, %mul3A_71, %broadcast_in_dim3A_11 in 1 : vector<128x128xf32>, vector<128x128xf32>, vector<128x8xf32> -> vector<128x264xf32>
    %dot_general3A_73 = arith.constant dense<0.000000e+00> : vector<128x160xf32>
    %dot_general3A_74 = tpu.matmul %concatenate3A_72, %get3A_1, %dot_general3A_73 {dimension_numbers = #tpu.dot_dimension_numbers<[1], [0], [0], [1], [0, 0, 1, 1], [], []>, transpose_lhs_hint = false} : vector<128x264xf32>, vector<264x160xf32>, vector<128x160xf32> -> vector<128x160xf32>
    %transpose3A_75 = tpu.transpose %dot_general3A_74, [1, 0] : vector<128x160xf32> -> vector<160x128xf32>
    %reshape3A_76 = vector.shape_cast %transpose3A_75 : vector<160x128xf32> to vector<10x16x128xf32>
    %slice3A_77 = vector.extract_strided_slice %reshape3A_76 {offsets = [0, 0, 0], sizes = [10, 10, 128], strides = [1, 1, 1]} : vector<10x16x128xf32> to vector<10x10x128xf32>
    %get3A_78 = arith.constant 6 : index
    %get3A_79 = arith.constant 0 : index
    %get3A_80 = arith.constant 0 : index
    %get3A_81 = vector.load %arg1[%get3A_78, %get3A_79, %get3A_80] : memref<9x128x128xf32, #tpu.memory_space<vmem>>, vector<1x128x128xf32>
    %get3A_82 = vector.shape_cast %get3A_81 : vector<1x128x128xf32> to vector<128x128xf32>
    %mul3A_83 = arith.mulf %get3A_82, %get3A_82 : vector<128x128xf32>
    %concatenate3A_84 = tpu.concatenate %get3A_82, %mul3A_83, %broadcast_in_dim3A_11 in 1 : vector<128x128xf32>, vector<128x128xf32>, vector<128x8xf32> -> vector<128x264xf32>
    %dot_general3A_85 = arith.constant dense<0.000000e+00> : vector<128x160xf32>
    %dot_general3A_86 = tpu.matmul %concatenate3A_84, %get3A_1, %dot_general3A_85 {dimension_numbers = #tpu.dot_dimension_numbers<[1], [0], [0], [1], [0, 0, 1, 1], [], []>, transpose_lhs_hint = false} : vector<128x264xf32>, vector<264x160xf32>, vector<128x160xf32> -> vector<128x160xf32>
    %transpose3A_87 = tpu.transpose %dot_general3A_86, [1, 0] : vector<128x160xf32> -> vector<160x128xf32>
    %reshape3A_88 = vector.shape_cast %transpose3A_87 : vector<160x128xf32> to vector<10x16x128xf32>
    %slice3A_89 = vector.extract_strided_slice %reshape3A_88 {offsets = [0, 0, 0], sizes = [10, 10, 128], strides = [1, 1, 1]} : vector<10x16x128xf32> to vector<10x10x128xf32>
    %get3A_90 = arith.constant 7 : index
    %get3A_91 = arith.constant 0 : index
    %get3A_92 = arith.constant 0 : index
    %get3A_93 = vector.load %arg1[%get3A_90, %get3A_91, %get3A_92] : memref<9x128x128xf32, #tpu.memory_space<vmem>>, vector<1x128x128xf32>
    %get3A_94 = vector.shape_cast %get3A_93 : vector<1x128x128xf32> to vector<128x128xf32>
    %mul3A_95 = arith.mulf %get3A_94, %get3A_94 : vector<128x128xf32>
    %concatenate3A_96 = tpu.concatenate %get3A_94, %mul3A_95, %broadcast_in_dim3A_11 in 1 : vector<128x128xf32>, vector<128x128xf32>, vector<128x8xf32> -> vector<128x264xf32>
    %dot_general3A_97 = arith.constant dense<0.000000e+00> : vector<128x160xf32>
    %dot_general3A_98 = tpu.matmul %concatenate3A_96, %get3A_1, %dot_general3A_97 {dimension_numbers = #tpu.dot_dimension_numbers<[1], [0], [0], [1], [0, 0, 1, 1], [], []>, transpose_lhs_hint = false} : vector<128x264xf32>, vector<264x160xf32>, vector<128x160xf32> -> vector<128x160xf32>
    %transpose3A_99 = tpu.transpose %dot_general3A_98, [1, 0] : vector<128x160xf32> -> vector<160x128xf32>
    %reshape3A_100 = vector.shape_cast %transpose3A_99 : vector<160x128xf32> to vector<10x16x128xf32>
    %slice3A_101 = vector.extract_strided_slice %reshape3A_100 {offsets = [0, 0, 0], sizes = [10, 10, 128], strides = [1, 1, 1]} : vector<10x16x128xf32> to vector<10x10x128xf32>
    %get3A_102 = arith.constant 8 : index
    %get3A_103 = arith.constant 0 : index
    %get3A_104 = arith.constant 0 : index
    %get3A_105 = vector.load %arg1[%get3A_102, %get3A_103, %get3A_104] : memref<9x128x128xf32, #tpu.memory_space<vmem>>, vector<1x128x128xf32>
    %get3A_106 = vector.shape_cast %get3A_105 : vector<1x128x128xf32> to vector<128x128xf32>
    %mul3A_107 = arith.mulf %get3A_106, %get3A_106 : vector<128x128xf32>
    %concatenate3A_108 = tpu.concatenate %get3A_106, %mul3A_107, %broadcast_in_dim3A_11 in 1 : vector<128x128xf32>, vector<128x128xf32>, vector<128x8xf32> -> vector<128x264xf32>
    %dot_general3A_109 = arith.constant dense<0.000000e+00> : vector<128x160xf32>
    %dot_general3A_110 = tpu.matmul %concatenate3A_108, %get3A_1, %dot_general3A_109 {dimension_numbers = #tpu.dot_dimension_numbers<[1], [0], [0], [1], [0, 0, 1, 1], [], []>, transpose_lhs_hint = false} : vector<128x264xf32>, vector<264x160xf32>, vector<128x160xf32> -> vector<128x160xf32>
    %transpose3A_111 = tpu.transpose %dot_general3A_110, [1, 0] : vector<128x160xf32> -> vector<160x128xf32>
    %reshape3A_112 = vector.shape_cast %transpose3A_111 : vector<160x128xf32> to vector<10x16x128xf32>
    %slice3A_113 = vector.extract_strided_slice %reshape3A_112 {offsets = [0, 0, 0], sizes = [10, 10, 128], strides = [1, 1, 1]} : vector<10x16x128xf32> to vector<10x10x128xf32>
    %stack3A = vector.shape_cast %slice3A : vector<10x10x128xf32> to vector<1x10x10x128xf32>
    %stack3A_114 = vector.shape_cast %slice3A_29 : vector<10x10x128xf32> to vector<1x10x10x128xf32>
    %stack3A_115 = vector.shape_cast %slice3A_41 : vector<10x10x128xf32> to vector<1x10x10x128xf32>
    %stack3A_116 = vector.shape_cast %slice3A_53 : vector<10x10x128xf32> to vector<1x10x10x128xf32>
    %stack3A_117 = vector.shape_cast %slice3A_65 : vector<10x10x128xf32> to vector<1x10x10x128xf32>
    %stack3A_118 = vector.shape_cast %slice3A_77 : vector<10x10x128xf32> to vector<1x10x10x128xf32>
    %stack3A_119 = vector.shape_cast %slice3A_89 : vector<10x10x128xf32> to vector<1x10x10x128xf32>
    %stack3A_120 = vector.shape_cast %slice3A_101 : vector<10x10x128xf32> to vector<1x10x10x128xf32>
    %stack3A_121 = vector.shape_cast %slice3A_113 : vector<10x10x128xf32> to vector<1x10x10x128xf32>
    %stack3A_122 = tpu.concatenate %stack3A, %stack3A_114, %stack3A_115, %stack3A_116, %stack3A_117, %stack3A_118, %stack3A_119, %stack3A_120, %stack3A_121 in 0 : vector<1x10x10x128xf32>, vector<1x10x10x128xf32>, vector<1x10x10x128xf32>, vector<1x10x10x128xf32>, vector<1x10x10x128xf32>, vector<1x10x10x128xf32>, vector<1x10x10x128xf32>, vector<1x10x10x128xf32>, vector<1x10x10x128xf32> -> vector<9x10x10x128xf32>
    %get3A_123 = arith.constant 0 : index
    %get3A_124 = arith.constant 0 : index
    %get3A_125 = vector.load %arg2[%get3A_123, %get3A_124] : memref<9x128xf32, #tpu.memory_space<vmem>>, vector<9x128xf32>
    %slice3A_126 = vector.extract_strided_slice %get3A_125 {offsets = [1, 0], sizes = [8, 128], strides = [1, 1]} : vector<9x128xf32> to vector<8x128xf32>
    %reduce_sum3A = arith.constant dense<0.000000e+00> : vector<128xf32>
    %reduce_sum3A_127 = vector.multi_reduction <add>, %slice3A_126, %reduce_sum3A [0] : vector<8x128xf32> to vector<128xf32>
    %add3A = arith.constant 1.000000e+00 : f32
    %add3A_128 = vector.broadcast %add3A : f32 to vector<128xf32>
    %add3A_129 = arith.addf %add3A_128, %reduce_sum3A_127 : vector<128xf32>
    %div3A = arith.constant 1.000000e+00 : f32
    %div3A_130 = vector.broadcast %div3A : f32 to vector<128xf32>
    %div3A_131 = arith.divf %div3A_130, %add3A_129 : vector<128xf32>
    %log3A = math.log %add3A_129 : vector<128xf32>
    %gt3A = arith.constant 0.000000e+00 : f32
    %gt3A_132 = vector.broadcast %gt3A : f32 to vector<9x128xf32>
    %gt3A_133 = arith.cmpf ogt, %get3A_125, %gt3A_132 : vector<9x128xf32>
    %broadcast_in_dim3A_134 = vector.shape_cast %log3A : vector<128xf32> to vector<1x128xf32>
    %neg3A = arith.constant 0.000000e+00 : f32
    %neg3A_135 = vector.broadcast %neg3A : f32 to vector<1x128xf32>
    %neg3A_136 = arith.subf %neg3A_135, %broadcast_in_dim3A_134 : vector<1x128xf32>
    %jit3A = arith.constant -69.0775528 : f32
    %broadcast_in_dim3A_137 = vector.shape_cast %neg3A_136 : vector<1x128xf32> to vector<1x128xf32>
    %broadcast_in_dim3A_138 = vector.broadcast %broadcast_in_dim3A_137 : vector<1x128xf32> to vector<9x128xf32>
    %broadcast_in_dim3A_139 = vector.broadcast %jit3A : f32 to vector<9x128xf32>
    %select_n3A = arith.select %gt3A_133, %broadcast_in_dim3A_138, %broadcast_in_dim3A_139 : vector<9x128xi1>, vector<9x128xf32>
    %broadcast_in_dim3A_140 = vector.shape_cast %select_n3A : vector<9x128xf32> to vector<9x1x1x128xf32>
    %mul3A_141 = arith.mulf %reduce_sum3A_127, %div3A_131 : vector<128xf32>
    %broadcast_in_dim3A_142 = vector.shape_cast %mul3A_141 : vector<128xf32> to vector<1x128xf32>
    %slice3A_143 = vector.extract_strided_slice %get3A_125 {offsets = [1, 0], sizes = [8, 128], strides = [1, 1]} : vector<9x128xf32> to vector<8x128xf32>
    %broadcast_in_dim3A_144 = vector.shape_cast %div3A_131 : vector<128xf32> to vector<1x128xf32>
    %mul3A_145 = vector.broadcast %broadcast_in_dim3A_144 : vector<1x128xf32> to vector<8x128xf32>
    %mul3A_146 = arith.mulf %slice3A_143, %mul3A_145 : vector<8x128xf32>
    %concatenate3A_147 = tpu.concatenate %broadcast_in_dim3A_142, %mul3A_146 in 0 : vector<1x128xf32>, vector<8x128xf32> -> vector<9x128xf32>
    %broadcast_in_dim3A_148 = vector.shape_cast %concatenate3A_147 : vector<9x128xf32> to vector<9x1x1x128xf32>
    %broadcast_in_dim3A_149 = vector.shape_cast %get3A_5 : vector<10x10x128xf32> to vector<1x10x10x128xf32>
    %add3A_150 = vector.broadcast %broadcast_in_dim3A_148 : vector<9x1x1x128xf32> to vector<9x10x10x128xf32>
    %add3A_151 = vector.broadcast %broadcast_in_dim3A_149 : vector<1x10x10x128xf32> to vector<9x10x10x128xf32>
    %add3A_152 = arith.addf %add3A_150, %add3A_151 : vector<9x10x10x128xf32>
    %broadcast_in_dim3A_153 = vector.shape_cast %get3A_125 : vector<9x128xf32> to vector<9x1x1x128xf32>
    %broadcast_in_dim3A_154 = vector.shape_cast %div3A_131 : vector<128xf32> to vector<1x128xf32>
    %div3A_155 = arith.constant 1.000000e+01 : f32
    %div3A_156 = vector.broadcast %div3A_155 : f32 to vector<1x128xf32>
    %div3A_157 = arith.divf %broadcast_in_dim3A_154, %div3A_156 : vector<1x128xf32>
    %mul3A_158 = vector.broadcast %div3A_157 : vector<1x128xf32> to vector<9x128xf32>
    %mul3A_159 = arith.mulf %get3A_125, %mul3A_158 : vector<9x128xf32>
    %broadcast_in_dim3A_160 = vector.shape_cast %mul3A_159 : vector<9x128xf32> to vector<9x1x1x128xf32>
    %broadcast_in_dim3A_161 = vector.shape_cast %broadcast_in_dim3A_160 : vector<9x1x1x128xf32> to vector<9x1x1x128xf32>
    %broadcast_in_dim3A_162 = vector.broadcast %broadcast_in_dim3A_161 : vector<9x1x1x128xf32> to vector<9x10x10x128xf32>
    %slice3A_163 = vector.extract_strided_slice %broadcast_in_dim3A_162 {offsets = [1, 0, 0, 0], sizes = [8, 10, 10, 128], strides = [1, 1, 1, 1]} : vector<9x10x10x128xf32> to vector<8x10x10x128xf32>
    %slice3A_164 = vector.extract_strided_slice %broadcast_in_dim3A_153 {offsets = [1, 0, 0, 0], sizes = [8, 1, 1, 128], strides = [1, 1, 1, 1]} : vector<9x1x1x128xf32> to vector<8x1x1x128xf32>
    %mul3A_165 = vector.broadcast %slice3A_164 : vector<8x1x1x128xf32> to vector<8x10x10x128xf32>
    %mul3A_166 = arith.mulf %slice3A_163, %mul3A_165 : vector<8x10x10x128xf32>
    %reduce_sum3A_167 = arith.constant dense<0.000000e+00> : vector<10x10x128xf32>
    %reduce_sum3A_168 = vector.multi_reduction <add>, %mul3A_166, %reduce_sum3A_167 [0] : vector<8x10x10x128xf32> to vector<10x10x128xf32>
    %slice3A_169 = vector.extract_strided_slice %broadcast_in_dim3A_153 {offsets = [1, 0, 0, 0], sizes = [8, 1, 1, 128], strides = [1, 1, 1, 1]} : vector<9x1x1x128xf32> to vector<8x1x1x128xf32>
    %slice3A_170 = vector.extract_strided_slice %broadcast_in_dim3A_162 {offsets = [0, 0, 0, 0], sizes = [1, 10, 10, 128], strides = [1, 1, 1, 1]} : vector<9x10x10x128xf32> to vector<1x10x10x128xf32>
    %squeeze3A = vector.shape_cast %slice3A_170 : vector<1x10x10x128xf32> to vector<10x10x128xf32>
    %broadcast_in_dim3A_171 = vector.shape_cast %squeeze3A : vector<10x10x128xf32> to vector<1x10x10x128xf32>
    %mul3A_172 = vector.broadcast %slice3A_169 : vector<8x1x1x128xf32> to vector<8x10x10x128xf32>
    %mul3A_173 = vector.broadcast %broadcast_in_dim3A_171 : vector<1x10x10x128xf32> to vector<8x10x10x128xf32>
    %mul3A_174 = arith.mulf %mul3A_172, %mul3A_173 : vector<8x10x10x128xf32>
    %broadcast_in_dim3A_175 = vector.shape_cast %reduce_sum3A_168 : vector<10x10x128xf32> to vector<1x10x10x128xf32>
    %concatenate3A_176 = tpu.concatenate %broadcast_in_dim3A_175, %mul3A_174 in 0 : vector<1x10x10x128xf32>, vector<8x10x10x128xf32> -> vector<9x10x10x128xf32>
    %broadcast_in_dim3A_177 = arith.constant 0.000000e+00 : f32
    %broadcast_in_dim3A_178 = vector.broadcast %broadcast_in_dim3A_177 : f32 to vector<9x10x10x128xf32>
    %slice3A_179 = vector.extract_strided_slice %concatenate3A_176 {offsets = [0, 0, 0, 0], sizes = [9, 10, 1, 128], strides = [1, 1, 1, 1]} : vector<9x10x10x128xf32> to vector<9x10x1x128xf32>
    %slice3A_180 = vector.extract_strided_slice %get3A_10 {offsets = [0, 0, 0, 0], sizes = [10, 1, 10, 128], strides = [1, 1, 1, 1]} : vector<10x10x10x128xf32> to vector<10x1x10x128xf32>
    %squeeze3A_181 = vector.shape_cast %slice3A_180 : vector<10x1x10x128xf32> to vector<10x10x128xf32>
    %broadcast_in_dim3A_182 = vector.shape_cast %squeeze3A_181 : vector<10x10x128xf32> to vector<1x10x10x128xf32>
    %mul3A_183 = vector.broadcast %slice3A_179 : vector<9x10x1x128xf32> to vector<9x10x10x128xf32>
    %mul3A_184 = vector.broadcast %broadcast_in_dim3A_182 : vector<1x10x10x128xf32> to vector<9x10x10x128xf32>
    %mul3A_185 = arith.mulf %mul3A_183, %mul3A_184 : vector<9x10x10x128xf32>
    %add3A_186 = arith.addf %broadcast_in_dim3A_178, %mul3A_185 : vector<9x10x10x128xf32>
    %slice3A_187 = vector.extract_strided_slice %concatenate3A_176 {offsets = [0, 0, 1, 0], sizes = [9, 10, 1, 128], strides = [1, 1, 1, 1]} : vector<9x10x10x128xf32> to vector<9x10x1x128xf32>
    %slice3A_188 = vector.extract_strided_slice %get3A_10 {offsets = [0, 1, 0, 0], sizes = [10, 1, 10, 128], strides = [1, 1, 1, 1]} : vector<10x10x10x128xf32> to vector<10x1x10x128xf32>
    %squeeze3A_189 = vector.shape_cast %slice3A_188 : vector<10x1x10x128xf32> to vector<10x10x128xf32>
    %broadcast_in_dim3A_190 = vector.shape_cast %squeeze3A_189 : vector<10x10x128xf32> to vector<1x10x10x128xf32>
    %mul3A_191 = vector.broadcast %slice3A_187 : vector<9x10x1x128xf32> to vector<9x10x10x128xf32>
    %mul3A_192 = vector.broadcast %broadcast_in_dim3A_190 : vector<1x10x10x128xf32> to vector<9x10x10x128xf32>
    %mul3A_193 = arith.mulf %mul3A_191, %mul3A_192 : vector<9x10x10x128xf32>
    %add3A_194 = arith.addf %add3A_186, %mul3A_193 : vector<9x10x10x128xf32>
    %slice3A_195 = vector.extract_strided_slice %concatenate3A_176 {offsets = [0, 0, 2, 0], sizes = [9, 10, 1, 128], strides = [1, 1, 1, 1]} : vector<9x10x10x128xf32> to vector<9x10x1x128xf32>
    %slice3A_196 = vector.extract_strided_slice %get3A_10 {offsets = [0, 2, 0, 0], sizes = [10, 1, 10, 128], strides = [1, 1, 1, 1]} : vector<10x10x10x128xf32> to vector<10x1x10x128xf32>
    %squeeze3A_197 = vector.shape_cast %slice3A_196 : vector<10x1x10x128xf32> to vector<10x10x128xf32>
    %broadcast_in_dim3A_198 = vector.shape_cast %squeeze3A_197 : vector<10x10x128xf32> to vector<1x10x10x128xf32>
    %mul3A_199 = vector.broadcast %slice3A_195 : vector<9x10x1x128xf32> to vector<9x10x10x128xf32>
    %mul3A_200 = vector.broadcast %broadcast_in_dim3A_198 : vector<1x10x10x128xf32> to vector<9x10x10x128xf32>
    %mul3A_201 = arith.mulf %mul3A_199, %mul3A_200 : vector<9x10x10x128xf32>
    %add3A_202 = arith.addf %add3A_194, %mul3A_201 : vector<9x10x10x128xf32>
    %slice3A_203 = vector.extract_strided_slice %concatenate3A_176 {offsets = [0, 0, 3, 0], sizes = [9, 10, 1, 128], strides = [1, 1, 1, 1]} : vector<9x10x10x128xf32> to vector<9x10x1x128xf32>
    %slice3A_204 = vector.extract_strided_slice %get3A_10 {offsets = [0, 3, 0, 0], sizes = [10, 1, 10, 128], strides = [1, 1, 1, 1]} : vector<10x10x10x128xf32> to vector<10x1x10x128xf32>
    %squeeze3A_205 = vector.shape_cast %slice3A_204 : vector<10x1x10x128xf32> to vector<10x10x128xf32>
    %broadcast_in_dim3A_206 = vector.shape_cast %squeeze3A_205 : vector<10x10x128xf32> to vector<1x10x10x128xf32>
    %mul3A_207 = vector.broadcast %slice3A_203 : vector<9x10x1x128xf32> to vector<9x10x10x128xf32>
    %mul3A_208 = vector.broadcast %broadcast_in_dim3A_206 : vector<1x10x10x128xf32> to vector<9x10x10x128xf32>
    %mul3A_209 = arith.mulf %mul3A_207, %mul3A_208 : vector<9x10x10x128xf32>
    %add3A_210 = arith.addf %add3A_202, %mul3A_209 : vector<9x10x10x128xf32>
    %slice3A_211 = vector.extract_strided_slice %concatenate3A_176 {offsets = [0, 0, 4, 0], sizes = [9, 10, 1, 128], strides = [1, 1, 1, 1]} : vector<9x10x10x128xf32> to vector<9x10x1x128xf32>
    %slice3A_212 = vector.extract_strided_slice %get3A_10 {offsets = [0, 4, 0, 0], sizes = [10, 1, 10, 128], strides = [1, 1, 1, 1]} : vector<10x10x10x128xf32> to vector<10x1x10x128xf32>
    %squeeze3A_213 = vector.shape_cast %slice3A_212 : vector<10x1x10x128xf32> to vector<10x10x128xf32>
    %broadcast_in_dim3A_214 = vector.shape_cast %squeeze3A_213 : vector<10x10x128xf32> to vector<1x10x10x128xf32>
    %mul3A_215 = vector.broadcast %slice3A_211 : vector<9x10x1x128xf32> to vector<9x10x10x128xf32>
    %mul3A_216 = vector.broadcast %broadcast_in_dim3A_214 : vector<1x10x10x128xf32> to vector<9x10x10x128xf32>
    %mul3A_217 = arith.mulf %mul3A_215, %mul3A_216 : vector<9x10x10x128xf32>
    %add3A_218 = arith.addf %add3A_210, %mul3A_217 : vector<9x10x10x128xf32>
    %slice3A_219 = vector.extract_strided_slice %concatenate3A_176 {offsets = [0, 0, 5, 0], sizes = [9, 10, 1, 128], strides = [1, 1, 1, 1]} : vector<9x10x10x128xf32> to vector<9x10x1x128xf32>
    %slice3A_220 = vector.extract_strided_slice %get3A_10 {offsets = [0, 5, 0, 0], sizes = [10, 1, 10, 128], strides = [1, 1, 1, 1]} : vector<10x10x10x128xf32> to vector<10x1x10x128xf32>
    %squeeze3A_221 = vector.shape_cast %slice3A_220 : vector<10x1x10x128xf32> to vector<10x10x128xf32>
    %broadcast_in_dim3A_222 = vector.shape_cast %squeeze3A_221 : vector<10x10x128xf32> to vector<1x10x10x128xf32>
    %mul3A_223 = vector.broadcast %slice3A_219 : vector<9x10x1x128xf32> to vector<9x10x10x128xf32>
    %mul3A_224 = vector.broadcast %broadcast_in_dim3A_222 : vector<1x10x10x128xf32> to vector<9x10x10x128xf32>
    %mul3A_225 = arith.mulf %mul3A_223, %mul3A_224 : vector<9x10x10x128xf32>
    %add3A_226 = arith.addf %add3A_218, %mul3A_225 : vector<9x10x10x128xf32>
    %slice3A_227 = vector.extract_strided_slice %concatenate3A_176 {offsets = [0, 0, 6, 0], sizes = [9, 10, 1, 128], strides = [1, 1, 1, 1]} : vector<9x10x10x128xf32> to vector<9x10x1x128xf32>
    %slice3A_228 = vector.extract_strided_slice %get3A_10 {offsets = [0, 6, 0, 0], sizes = [10, 1, 10, 128], strides = [1, 1, 1, 1]} : vector<10x10x10x128xf32> to vector<10x1x10x128xf32>
    %squeeze3A_229 = vector.shape_cast %slice3A_228 : vector<10x1x10x128xf32> to vector<10x10x128xf32>
    %broadcast_in_dim3A_230 = vector.shape_cast %squeeze3A_229 : vector<10x10x128xf32> to vector<1x10x10x128xf32>
    %mul3A_231 = vector.broadcast %slice3A_227 : vector<9x10x1x128xf32> to vector<9x10x10x128xf32>
    %mul3A_232 = vector.broadcast %broadcast_in_dim3A_230 : vector<1x10x10x128xf32> to vector<9x10x10x128xf32>
    %mul3A_233 = arith.mulf %mul3A_231, %mul3A_232 : vector<9x10x10x128xf32>
    %add3A_234 = arith.addf %add3A_226, %mul3A_233 : vector<9x10x10x128xf32>
    %slice3A_235 = vector.extract_strided_slice %concatenate3A_176 {offsets = [0, 0, 7, 0], sizes = [9, 10, 1, 128], strides = [1, 1, 1, 1]} : vector<9x10x10x128xf32> to vector<9x10x1x128xf32>
    %slice3A_236 = vector.extract_strided_slice %get3A_10 {offsets = [0, 7, 0, 0], sizes = [10, 1, 10, 128], strides = [1, 1, 1, 1]} : vector<10x10x10x128xf32> to vector<10x1x10x128xf32>
    %squeeze3A_237 = vector.shape_cast %slice3A_236 : vector<10x1x10x128xf32> to vector<10x10x128xf32>
    %broadcast_in_dim3A_238 = vector.shape_cast %squeeze3A_237 : vector<10x10x128xf32> to vector<1x10x10x128xf32>
    %mul3A_239 = vector.broadcast %slice3A_235 : vector<9x10x1x128xf32> to vector<9x10x10x128xf32>
    %mul3A_240 = vector.broadcast %broadcast_in_dim3A_238 : vector<1x10x10x128xf32> to vector<9x10x10x128xf32>
    %mul3A_241 = arith.mulf %mul3A_239, %mul3A_240 : vector<9x10x10x128xf32>
    %add3A_242 = arith.addf %add3A_234, %mul3A_241 : vector<9x10x10x128xf32>
    %slice3A_243 = vector.extract_strided_slice %concatenate3A_176 {offsets = [0, 0, 8, 0], sizes = [9, 10, 1, 128], strides = [1, 1, 1, 1]} : vector<9x10x10x128xf32> to vector<9x10x1x128xf32>
    %slice3A_244 = vector.extract_strided_slice %get3A_10 {offsets = [0, 8, 0, 0], sizes = [10, 1, 10, 128], strides = [1, 1, 1, 1]} : vector<10x10x10x128xf32> to vector<10x1x10x128xf32>
    %squeeze3A_245 = vector.shape_cast %slice3A_244 : vector<10x1x10x128xf32> to vector<10x10x128xf32>
    %broadcast_in_dim3A_246 = vector.shape_cast %squeeze3A_245 : vector<10x10x128xf32> to vector<1x10x10x128xf32>
    %mul3A_247 = vector.broadcast %slice3A_243 : vector<9x10x1x128xf32> to vector<9x10x10x128xf32>
    %mul3A_248 = vector.broadcast %broadcast_in_dim3A_246 : vector<1x10x10x128xf32> to vector<9x10x10x128xf32>
    %mul3A_249 = arith.mulf %mul3A_247, %mul3A_248 : vector<9x10x10x128xf32>
    %add3A_250 = arith.addf %add3A_242, %mul3A_249 : vector<9x10x10x128xf32>
    %slice3A_251 = vector.extract_strided_slice %concatenate3A_176 {offsets = [0, 0, 9, 0], sizes = [9, 10, 1, 128], strides = [1, 1, 1, 1]} : vector<9x10x10x128xf32> to vector<9x10x1x128xf32>
    %slice3A_252 = vector.extract_strided_slice %get3A_10 {offsets = [0, 9, 0, 0], sizes = [10, 1, 10, 128], strides = [1, 1, 1, 1]} : vector<10x10x10x128xf32> to vector<10x1x10x128xf32>
    %squeeze3A_253 = vector.shape_cast %slice3A_252 : vector<10x1x10x128xf32> to vector<10x10x128xf32>
    %broadcast_in_dim3A_254 = vector.shape_cast %squeeze3A_253 : vector<10x10x128xf32> to vector<1x10x10x128xf32>
    %mul3A_255 = vector.broadcast %slice3A_251 : vector<9x10x1x128xf32> to vector<9x10x10x128xf32>
    %mul3A_256 = vector.broadcast %broadcast_in_dim3A_254 : vector<1x10x10x128xf32> to vector<9x10x10x128xf32>
    %mul3A_257 = arith.mulf %mul3A_255, %mul3A_256 : vector<9x10x10x128xf32>
    %add3A_258 = arith.addf %add3A_250, %mul3A_257 : vector<9x10x10x128xf32>
    %mul3A_259 = arith.constant 2.000000e+00 : f32
    %mul3A_260 = vector.broadcast %mul3A_259 : f32 to vector<9x10x10x128xf32>
    %mul3A_261 = arith.mulf %mul3A_260, %add3A_258 : vector<9x10x10x128xf32>
    %sub3A = arith.subf %add3A_152, %mul3A_261 : vector<9x10x10x128xf32>
    %add3A_262 = arith.addf %stack3A_122, %sub3A : vector<9x10x10x128xf32>
    %mul3A_263 = arith.constant -1.000000e+01 : f32
    %mul3A_264 = vector.broadcast %mul3A_263 : f32 to vector<9x10x10x128xf32>
    %mul3A_265 = arith.mulf %add3A_262, %mul3A_264 : vector<9x10x10x128xf32>
    %broadcast_in_dim3A_266 = arith.constant 0.000000e+00 : f32
    %broadcast_in_dim3A_267 = vector.broadcast %broadcast_in_dim3A_266 : f32 to vector<10x10x128xf32>
    %broadcast_in_dim3A_268 = vector.shape_cast %broadcast_in_dim3A_267 : vector<10x10x128xf32> to vector<1x10x10x128xf32>
    %add3A_269 = vector.broadcast %broadcast_in_dim3A_268 : vector<1x10x10x128xf32> to vector<9x10x10x128xf32>
    %add3A_270 = arith.addf %mul3A_265, %add3A_269 : vector<9x10x10x128xf32>
    %reduce_max3A = arith.constant dense<0xFF800000> : vector<9x10x128xf32>
    %reduce_max3A_271 = vector.multi_reduction <maximumf>, %add3A_270, %reduce_max3A [2] : vector<9x10x10x128xf32> to vector<9x10x128xf32>
    %broadcast_in_dim3A_272 = vector.shape_cast %reduce_max3A_271 : vector<9x10x128xf32> to vector<9x10x1x128xf32>
    %sub3A_273 = vector.broadcast %broadcast_in_dim3A_272 : vector<9x10x1x128xf32> to vector<9x10x10x128xf32>
    %sub3A_274 = arith.subf %add3A_270, %sub3A_273 : vector<9x10x10x128xf32>
    %exp3A = math.exp %sub3A_274 : vector<9x10x10x128xf32>
    %reduce_sum3A_275 = arith.constant dense<0.000000e+00> : vector<9x10x128xf32>
    %reduce_sum3A_276 = vector.multi_reduction <add>, %exp3A, %reduce_sum3A_275 [2] : vector<9x10x10x128xf32> to vector<9x10x128xf32>
    %broadcast_in_dim3A_277 = vector.shape_cast %reduce_sum3A_276 : vector<9x10x128xf32> to vector<9x10x1x128xf32>
    %sub3A_278 = vector.broadcast %broadcast_in_dim3A_140 : vector<9x1x1x128xf32> to vector<9x10x1x128xf32>
    %sub3A_279 = arith.subf %sub3A_278, %broadcast_in_dim3A_272 : vector<9x10x1x128xf32>
    %log3A_280 = math.log %broadcast_in_dim3A_277 : vector<9x10x1x128xf32>
    %sub3A_281 = arith.subf %sub3A_279, %log3A_280 : vector<9x10x1x128xf32>
    %add3A_282 = vector.broadcast %sub3A_281 : vector<9x10x1x128xf32> to vector<9x10x10x128xf32>
    %add3A_283 = arith.addf %mul3A_265, %add3A_282 : vector<9x10x10x128xf32>
    %reduce_max3A_284 = arith.constant dense<0xFF800000> : vector<10x10x128xf32>
    %reduce_max3A_285 = vector.multi_reduction <maximumf>, %add3A_283, %reduce_max3A_284 [0] : vector<9x10x10x128xf32> to vector<10x10x128xf32>
    %broadcast_in_dim3A_286 = vector.shape_cast %reduce_max3A_285 : vector<10x10x128xf32> to vector<1x10x10x128xf32>
    %sub3A_287 = vector.broadcast %broadcast_in_dim3A_286 : vector<1x10x10x128xf32> to vector<9x10x10x128xf32>
    %sub3A_288 = arith.subf %add3A_283, %sub3A_287 : vector<9x10x10x128xf32>
    %exp3A_289 = math.exp %sub3A_288 : vector<9x10x10x128xf32>
    %reduce_sum3A_290 = arith.constant dense<0.000000e+00> : vector<10x10x128xf32>
    %reduce_sum3A_291 = vector.multi_reduction <add>, %exp3A_289, %reduce_sum3A_290 [0] : vector<9x10x10x128xf32> to vector<10x10x128xf32>
    %sub3A_292 = arith.constant -2.30258512 : f32
    %sub3A_293 = vector.broadcast %sub3A_292 : f32 to vector<10x10x128xf32>
    %sub3A_294 = arith.subf %sub3A_293, %reduce_max3A_285 : vector<10x10x128xf32>
    %log3A_295 = math.log %reduce_sum3A_291 : vector<10x10x128xf32>
    %sub3A_296 = arith.subf %sub3A_294, %log3A_295 : vector<10x10x128xf32>
    %broadcast_in_dim3A_297 = vector.shape_cast %sub3A_296 : vector<10x10x128xf32> to vector<1x10x10x128xf32>
    %add3A_298 = vector.broadcast %broadcast_in_dim3A_297 : vector<1x10x10x128xf32> to vector<9x10x10x128xf32>
    %add3A_299 = arith.addf %mul3A_265, %add3A_298 : vector<9x10x10x128xf32>
    %reduce_max3A_300 = arith.constant dense<0xFF800000> : vector<9x10x128xf32>
    %reduce_max3A_301 = vector.multi_reduction <maximumf>, %add3A_299, %reduce_max3A_300 [2] : vector<9x10x10x128xf32> to vector<9x10x128xf32>
    %broadcast_in_dim3A_302 = vector.shape_cast %reduce_max3A_301 : vector<9x10x128xf32> to vector<9x10x1x128xf32>
    %sub3A_303 = vector.broadcast %broadcast_in_dim3A_302 : vector<9x10x1x128xf32> to vector<9x10x10x128xf32>
    %sub3A_304 = arith.subf %add3A_299, %sub3A_303 : vector<9x10x10x128xf32>
    %exp3A_305 = math.exp %sub3A_304 : vector<9x10x10x128xf32>
    %reduce_sum3A_306 = arith.constant dense<0.000000e+00> : vector<9x10x128xf32>
    %reduce_sum3A_307 = vector.multi_reduction <add>, %exp3A_305, %reduce_sum3A_306 [2] : vector<9x10x10x128xf32> to vector<9x10x128xf32>
    %broadcast_in_dim3A_308 = vector.shape_cast %reduce_sum3A_307 : vector<9x10x128xf32> to vector<9x10x1x128xf32>
    %sub3A_309 = vector.broadcast %broadcast_in_dim3A_140 : vector<9x1x1x128xf32> to vector<9x10x1x128xf32>
    %sub3A_310 = arith.subf %sub3A_309, %broadcast_in_dim3A_302 : vector<9x10x1x128xf32>
    %log3A_311 = math.log %broadcast_in_dim3A_308 : vector<9x10x1x128xf32>
    %sub3A_312 = arith.subf %sub3A_310, %log3A_311 : vector<9x10x1x128xf32>
    %add3A_313 = vector.broadcast %sub3A_312 : vector<9x10x1x128xf32> to vector<9x10x10x128xf32>
    %add3A_314 = arith.addf %mul3A_265, %add3A_313 : vector<9x10x10x128xf32>
    %reduce_max3A_315 = arith.constant dense<0xFF800000> : vector<10x10x128xf32>
    %reduce_max3A_316 = vector.multi_reduction <maximumf>, %add3A_314, %reduce_max3A_315 [0] : vector<9x10x10x128xf32> to vector<10x10x128xf32>
    %broadcast_in_dim3A_317 = vector.shape_cast %reduce_max3A_316 : vector<10x10x128xf32> to vector<1x10x10x128xf32>
    %sub3A_318 = vector.broadcast %broadcast_in_dim3A_317 : vector<1x10x10x128xf32> to vector<9x10x10x128xf32>
    %sub3A_319 = arith.subf %add3A_314, %sub3A_318 : vector<9x10x10x128xf32>
    %exp3A_320 = math.exp %sub3A_319 : vector<9x10x10x128xf32>
    %reduce_sum3A_321 = arith.constant dense<0.000000e+00> : vector<10x10x128xf32>
    %reduce_sum3A_322 = vector.multi_reduction <add>, %exp3A_320, %reduce_sum3A_321 [0] : vector<9x10x10x128xf32> to vector<10x10x128xf32>
    %sub3A_323 = arith.constant -2.30258512 : f32
    %sub3A_324 = vector.broadcast %sub3A_323 : f32 to vector<10x10x128xf32>
    %sub3A_325 = arith.subf %sub3A_324, %reduce_max3A_316 : vector<10x10x128xf32>
    %log3A_326 = math.log %reduce_sum3A_322 : vector<10x10x128xf32>
    %sub3A_327 = arith.subf %sub3A_325, %log3A_326 : vector<10x10x128xf32>
    %broadcast_in_dim3A_328 = vector.shape_cast %sub3A_327 : vector<10x10x128xf32> to vector<1x10x10x128xf32>
    %add3A_329 = vector.broadcast %broadcast_in_dim3A_328 : vector<1x10x10x128xf32> to vector<9x10x10x128xf32>
    %add3A_330 = arith.addf %mul3A_265, %add3A_329 : vector<9x10x10x128xf32>
    %reduce_max3A_331 = arith.constant dense<0xFF800000> : vector<9x10x128xf32>
    %reduce_max3A_332 = vector.multi_reduction <maximumf>, %add3A_330, %reduce_max3A_331 [2] : vector<9x10x10x128xf32> to vector<9x10x128xf32>
    %broadcast_in_dim3A_333 = vector.shape_cast %reduce_max3A_332 : vector<9x10x128xf32> to vector<9x10x1x128xf32>
    %sub3A_334 = vector.broadcast %broadcast_in_dim3A_333 : vector<9x10x1x128xf32> to vector<9x10x10x128xf32>
    %sub3A_335 = arith.subf %add3A_330, %sub3A_334 : vector<9x10x10x128xf32>
    %exp3A_336 = math.exp %sub3A_335 : vector<9x10x10x128xf32>
    %reduce_sum3A_337 = arith.constant dense<0.000000e+00> : vector<9x10x128xf32>
    %reduce_sum3A_338 = vector.multi_reduction <add>, %exp3A_336, %reduce_sum3A_337 [2] : vector<9x10x10x128xf32> to vector<9x10x128xf32>
    %broadcast_in_dim3A_339 = vector.shape_cast %reduce_sum3A_338 : vector<9x10x128xf32> to vector<9x10x1x128xf32>
    %sub3A_340 = vector.broadcast %broadcast_in_dim3A_140 : vector<9x1x1x128xf32> to vector<9x10x1x128xf32>
    %sub3A_341 = arith.subf %sub3A_340, %broadcast_in_dim3A_333 : vector<9x10x1x128xf32>
    %log3A_342 = math.log %broadcast_in_dim3A_339 : vector<9x10x1x128xf32>
    %sub3A_343 = arith.subf %sub3A_341, %log3A_342 : vector<9x10x1x128xf32>
    %add3A_344 = vector.broadcast %sub3A_343 : vector<9x10x1x128xf32> to vector<9x10x10x128xf32>
    %add3A_345 = arith.addf %mul3A_265, %add3A_344 : vector<9x10x10x128xf32>
    %reduce_max3A_346 = arith.constant dense<0xFF800000> : vector<10x10x128xf32>
    %reduce_max3A_347 = vector.multi_reduction <maximumf>, %add3A_345, %reduce_max3A_346 [0] : vector<9x10x10x128xf32> to vector<10x10x128xf32>
    %broadcast_in_dim3A_348 = vector.shape_cast %reduce_max3A_347 : vector<10x10x128xf32> to vector<1x10x10x128xf32>
    %sub3A_349 = vector.broadcast %broadcast_in_dim3A_348 : vector<1x10x10x128xf32> to vector<9x10x10x128xf32>
    %sub3A_350 = arith.subf %add3A_345, %sub3A_349 : vector<9x10x10x128xf32>
    %exp3A_351 = math.exp %sub3A_350 : vector<9x10x10x128xf32>
    %reduce_sum3A_352 = arith.constant dense<0.000000e+00> : vector<10x10x128xf32>
    %reduce_sum3A_353 = vector.multi_reduction <add>, %exp3A_351, %reduce_sum3A_352 [0] : vector<9x10x10x128xf32> to vector<10x10x128xf32>
    %sub3A_354 = arith.constant -2.30258512 : f32
    %sub3A_355 = vector.broadcast %sub3A_354 : f32 to vector<10x10x128xf32>
    %sub3A_356 = arith.subf %sub3A_355, %reduce_max3A_347 : vector<10x10x128xf32>
    %log3A_357 = math.log %reduce_sum3A_353 : vector<10x10x128xf32>
    %sub3A_358 = arith.subf %sub3A_356, %log3A_357 : vector<10x10x128xf32>
    %broadcast_in_dim3A_359 = vector.shape_cast %sub3A_358 : vector<10x10x128xf32> to vector<1x10x10x128xf32>
    %add3A_360 = vector.broadcast %broadcast_in_dim3A_359 : vector<1x10x10x128xf32> to vector<9x10x10x128xf32>
    %add3A_361 = arith.addf %mul3A_265, %add3A_360 : vector<9x10x10x128xf32>
    %reduce_max3A_362 = arith.constant dense<0xFF800000> : vector<9x10x128xf32>
    %reduce_max3A_363 = vector.multi_reduction <maximumf>, %add3A_361, %reduce_max3A_362 [2] : vector<9x10x10x128xf32> to vector<9x10x128xf32>
    %broadcast_in_dim3A_364 = vector.shape_cast %reduce_max3A_363 : vector<9x10x128xf32> to vector<9x10x1x128xf32>
    %sub3A_365 = vector.broadcast %broadcast_in_dim3A_364 : vector<9x10x1x128xf32> to vector<9x10x10x128xf32>
    %sub3A_366 = arith.subf %add3A_361, %sub3A_365 : vector<9x10x10x128xf32>
    %exp3A_367 = math.exp %sub3A_366 : vector<9x10x10x128xf32>
    %reduce_sum3A_368 = arith.constant dense<0.000000e+00> : vector<9x10x128xf32>
    %reduce_sum3A_369 = vector.multi_reduction <add>, %exp3A_367, %reduce_sum3A_368 [2] : vector<9x10x10x128xf32> to vector<9x10x128xf32>
    %broadcast_in_dim3A_370 = vector.shape_cast %reduce_sum3A_369 : vector<9x10x128xf32> to vector<9x10x1x128xf32>
    %sub3A_371 = vector.broadcast %broadcast_in_dim3A_140 : vector<9x1x1x128xf32> to vector<9x10x1x128xf32>
    %sub3A_372 = arith.subf %sub3A_371, %broadcast_in_dim3A_364 : vector<9x10x1x128xf32>
    %log3A_373 = math.log %broadcast_in_dim3A_370 : vector<9x10x1x128xf32>
    %sub3A_374 = arith.subf %sub3A_372, %log3A_373 : vector<9x10x1x128xf32>
    %add3A_375 = vector.broadcast %sub3A_374 : vector<9x10x1x128xf32> to vector<9x10x10x128xf32>
    %add3A_376 = arith.addf %mul3A_265, %add3A_375 : vector<9x10x10x128xf32>
    %reduce_max3A_377 = arith.constant dense<0xFF800000> : vector<10x10x128xf32>
    %reduce_max3A_378 = vector.multi_reduction <maximumf>, %add3A_376, %reduce_max3A_377 [0] : vector<9x10x10x128xf32> to vector<10x10x128xf32>
    %broadcast_in_dim3A_379 = vector.shape_cast %reduce_max3A_378 : vector<10x10x128xf32> to vector<1x10x10x128xf32>
    %sub3A_380 = vector.broadcast %broadcast_in_dim3A_379 : vector<1x10x10x128xf32> to vector<9x10x10x128xf32>
    %sub3A_381 = arith.subf %add3A_376, %sub3A_380 : vector<9x10x10x128xf32>
    %exp3A_382 = math.exp %sub3A_381 : vector<9x10x10x128xf32>
    %reduce_sum3A_383 = arith.constant dense<0.000000e+00> : vector<10x10x128xf32>
    %reduce_sum3A_384 = vector.multi_reduction <add>, %exp3A_382, %reduce_sum3A_383 [0] : vector<9x10x10x128xf32> to vector<10x10x128xf32>
    %sub3A_385 = arith.constant -2.30258512 : f32
    %sub3A_386 = vector.broadcast %sub3A_385 : f32 to vector<10x10x128xf32>
    %sub3A_387 = arith.subf %sub3A_386, %reduce_max3A_378 : vector<10x10x128xf32>
    %log3A_388 = math.log %reduce_sum3A_384 : vector<10x10x128xf32>
    %sub3A_389 = arith.subf %sub3A_387, %log3A_388 : vector<10x10x128xf32>
    %broadcast_in_dim3A_390 = vector.shape_cast %sub3A_389 : vector<10x10x128xf32> to vector<1x10x10x128xf32>
    %add3A_391 = vector.broadcast %broadcast_in_dim3A_390 : vector<1x10x10x128xf32> to vector<9x10x10x128xf32>
    %add3A_392 = arith.addf %mul3A_265, %add3A_391 : vector<9x10x10x128xf32>
    %reduce_max3A_393 = arith.constant dense<0xFF800000> : vector<9x10x128xf32>
    %reduce_max3A_394 = vector.multi_reduction <maximumf>, %add3A_392, %reduce_max3A_393 [2] : vector<9x10x10x128xf32> to vector<9x10x128xf32>
    %broadcast_in_dim3A_395 = vector.shape_cast %reduce_max3A_394 : vector<9x10x128xf32> to vector<9x10x1x128xf32>
    %sub3A_396 = vector.broadcast %broadcast_in_dim3A_395 : vector<9x10x1x128xf32> to vector<9x10x10x128xf32>
    %sub3A_397 = arith.subf %add3A_392, %sub3A_396 : vector<9x10x10x128xf32>
    %exp3A_398 = math.exp %sub3A_397 : vector<9x10x10x128xf32>
    %reduce_sum3A_399 = arith.constant dense<0.000000e+00> : vector<9x10x128xf32>
    %reduce_sum3A_400 = vector.multi_reduction <add>, %exp3A_398, %reduce_sum3A_399 [2] : vector<9x10x10x128xf32> to vector<9x10x128xf32>
    %broadcast_in_dim3A_401 = vector.shape_cast %reduce_sum3A_400 : vector<9x10x128xf32> to vector<9x10x1x128xf32>
    %sub3A_402 = vector.broadcast %broadcast_in_dim3A_140 : vector<9x1x1x128xf32> to vector<9x10x1x128xf32>
    %sub3A_403 = arith.subf %sub3A_402, %broadcast_in_dim3A_395 : vector<9x10x1x128xf32>
    %log3A_404 = math.log %broadcast_in_dim3A_401 : vector<9x10x1x128xf32>
    %sub3A_405 = arith.subf %sub3A_403, %log3A_404 : vector<9x10x1x128xf32>
    %add3A_406 = vector.broadcast %sub3A_405 : vector<9x10x1x128xf32> to vector<9x10x10x128xf32>
    %add3A_407 = arith.addf %mul3A_265, %add3A_406 : vector<9x10x10x128xf32>
    %reduce_max3A_408 = arith.constant dense<0xFF800000> : vector<10x10x128xf32>
    %reduce_max3A_409 = vector.multi_reduction <maximumf>, %add3A_407, %reduce_max3A_408 [0] : vector<9x10x10x128xf32> to vector<10x10x128xf32>
    %broadcast_in_dim3A_410 = vector.shape_cast %reduce_max3A_409 : vector<10x10x128xf32> to vector<1x10x10x128xf32>
    %sub3A_411 = vector.broadcast %broadcast_in_dim3A_410 : vector<1x10x10x128xf32> to vector<9x10x10x128xf32>
    %sub3A_412 = arith.subf %add3A_407, %sub3A_411 : vector<9x10x10x128xf32>
    %exp3A_413 = math.exp %sub3A_412 : vector<9x10x10x128xf32>
    %reduce_sum3A_414 = arith.constant dense<0.000000e+00> : vector<10x10x128xf32>
    %reduce_sum3A_415 = vector.multi_reduction <add>, %exp3A_413, %reduce_sum3A_414 [0] : vector<9x10x10x128xf32> to vector<10x10x128xf32>
    %sub3A_416 = arith.constant -2.30258512 : f32
    %sub3A_417 = vector.broadcast %sub3A_416 : f32 to vector<10x10x128xf32>
    %sub3A_418 = arith.subf %sub3A_417, %reduce_max3A_409 : vector<10x10x128xf32>
    %log3A_419 = math.log %reduce_sum3A_415 : vector<10x10x128xf32>
    %sub3A_420 = arith.subf %sub3A_418, %log3A_419 : vector<10x10x128xf32>
    %add3A_421 = vector.broadcast %sub3A_405 : vector<9x10x1x128xf32> to vector<9x10x10x128xf32>
    %add3A_422 = arith.addf %mul3A_265, %add3A_421 : vector<9x10x10x128xf32>
    %broadcast_in_dim3A_423 = vector.shape_cast %sub3A_420 : vector<10x10x128xf32> to vector<1x10x10x128xf32>
    %add3A_424 = vector.broadcast %broadcast_in_dim3A_423 : vector<1x10x10x128xf32> to vector<9x10x10x128xf32>
    %add3A_425 = arith.addf %add3A_422, %add3A_424 : vector<9x10x10x128xf32>
    %exp3A_426 = math.exp %add3A_425 : vector<9x10x10x128xf32>
    %mul3A_427 = arith.constant 0.000000e+00 : f32
    %mul3A_428 = vector.broadcast %mul3A_427 : f32 to vector<9x10x10x128xf32>
    %mul3A_429 = arith.mulf %mul3A_428, %broadcast_in_dim3A_162 : vector<9x10x10x128xf32>
    %mul3A_430 = arith.constant 1.000000e+00 : f32
    %mul3A_431 = vector.broadcast %mul3A_430 : f32 to vector<9x10x10x128xf32>
    %mul3A_432 = arith.mulf %mul3A_431, %exp3A_426 : vector<9x10x10x128xf32>
    %add3A_433 = arith.addf %mul3A_429, %mul3A_432 : vector<9x10x10x128xf32>
    %slice3A_434 = vector.extract_strided_slice %add3A_433 {offsets = [1, 0, 0, 0], sizes = [8, 10, 10, 128], strides = [1, 1, 1, 1]} : vector<9x10x10x128xf32> to vector<8x10x10x128xf32>
    %slice3A_435 = vector.extract_strided_slice %broadcast_in_dim3A_153 {offsets = [1, 0, 0, 0], sizes = [8, 1, 1, 128], strides = [1, 1, 1, 1]} : vector<9x1x1x128xf32> to vector<8x1x1x128xf32>
    %mul3A_436 = vector.broadcast %slice3A_435 : vector<8x1x1x128xf32> to vector<8x10x10x128xf32>
    %mul3A_437 = arith.mulf %slice3A_434, %mul3A_436 : vector<8x10x10x128xf32>
    %reduce_sum3A_438 = arith.constant dense<0.000000e+00> : vector<10x10x128xf32>
    %reduce_sum3A_439 = vector.multi_reduction <add>, %mul3A_437, %reduce_sum3A_438 [0] : vector<8x10x10x128xf32> to vector<10x10x128xf32>
    %slice3A_440 = vector.extract_strided_slice %broadcast_in_dim3A_153 {offsets = [1, 0, 0, 0], sizes = [8, 1, 1, 128], strides = [1, 1, 1, 1]} : vector<9x1x1x128xf32> to vector<8x1x1x128xf32>
    %slice3A_441 = vector.extract_strided_slice %add3A_433 {offsets = [0, 0, 0, 0], sizes = [1, 10, 10, 128], strides = [1, 1, 1, 1]} : vector<9x10x10x128xf32> to vector<1x10x10x128xf32>
    %squeeze3A_442 = vector.shape_cast %slice3A_441 : vector<1x10x10x128xf32> to vector<10x10x128xf32>
    %broadcast_in_dim3A_443 = vector.shape_cast %squeeze3A_442 : vector<10x10x128xf32> to vector<1x10x10x128xf32>
    %mul3A_444 = vector.broadcast %slice3A_440 : vector<8x1x1x128xf32> to vector<8x10x10x128xf32>
    %mul3A_445 = vector.broadcast %broadcast_in_dim3A_443 : vector<1x10x10x128xf32> to vector<8x10x10x128xf32>
    %mul3A_446 = arith.mulf %mul3A_444, %mul3A_445 : vector<8x10x10x128xf32>
    %broadcast_in_dim3A_447 = vector.shape_cast %reduce_sum3A_439 : vector<10x10x128xf32> to vector<1x10x10x128xf32>
    %concatenate3A_448 = tpu.concatenate %broadcast_in_dim3A_447, %mul3A_446 in 0 : vector<1x10x10x128xf32>, vector<8x10x10x128xf32> -> vector<9x10x10x128xf32>
    %broadcast_in_dim3A_449 = arith.constant 0.000000e+00 : f32
    %broadcast_in_dim3A_450 = vector.broadcast %broadcast_in_dim3A_449 : f32 to vector<9x10x10x128xf32>
    %slice3A_451 = vector.extract_strided_slice %concatenate3A_448 {offsets = [0, 0, 0, 0], sizes = [9, 10, 1, 128], strides = [1, 1, 1, 1]} : vector<9x10x10x128xf32> to vector<9x10x1x128xf32>
    %slice3A_452 = vector.extract_strided_slice %get3A_10 {offsets = [0, 0, 0, 0], sizes = [10, 1, 10, 128], strides = [1, 1, 1, 1]} : vector<10x10x10x128xf32> to vector<10x1x10x128xf32>
    %squeeze3A_453 = vector.shape_cast %slice3A_452 : vector<10x1x10x128xf32> to vector<10x10x128xf32>
    %broadcast_in_dim3A_454 = vector.shape_cast %squeeze3A_453 : vector<10x10x128xf32> to vector<1x10x10x128xf32>
    %mul3A_455 = vector.broadcast %slice3A_451 : vector<9x10x1x128xf32> to vector<9x10x10x128xf32>
    %mul3A_456 = vector.broadcast %broadcast_in_dim3A_454 : vector<1x10x10x128xf32> to vector<9x10x10x128xf32>
    %mul3A_457 = arith.mulf %mul3A_455, %mul3A_456 : vector<9x10x10x128xf32>
    %add3A_458 = arith.addf %broadcast_in_dim3A_450, %mul3A_457 : vector<9x10x10x128xf32>
    %slice3A_459 = vector.extract_strided_slice %concatenate3A_448 {offsets = [0, 0, 1, 0], sizes = [9, 10, 1, 128], strides = [1, 1, 1, 1]} : vector<9x10x10x128xf32> to vector<9x10x1x128xf32>
    %slice3A_460 = vector.extract_strided_slice %get3A_10 {offsets = [0, 1, 0, 0], sizes = [10, 1, 10, 128], strides = [1, 1, 1, 1]} : vector<10x10x10x128xf32> to vector<10x1x10x128xf32>
    %squeeze3A_461 = vector.shape_cast %slice3A_460 : vector<10x1x10x128xf32> to vector<10x10x128xf32>
    %broadcast_in_dim3A_462 = vector.shape_cast %squeeze3A_461 : vector<10x10x128xf32> to vector<1x10x10x128xf32>
    %mul3A_463 = vector.broadcast %slice3A_459 : vector<9x10x1x128xf32> to vector<9x10x10x128xf32>
    %mul3A_464 = vector.broadcast %broadcast_in_dim3A_462 : vector<1x10x10x128xf32> to vector<9x10x10x128xf32>
    %mul3A_465 = arith.mulf %mul3A_463, %mul3A_464 : vector<9x10x10x128xf32>
    %add3A_466 = arith.addf %add3A_458, %mul3A_465 : vector<9x10x10x128xf32>
    %slice3A_467 = vector.extract_strided_slice %concatenate3A_448 {offsets = [0, 0, 2, 0], sizes = [9, 10, 1, 128], strides = [1, 1, 1, 1]} : vector<9x10x10x128xf32> to vector<9x10x1x128xf32>
    %slice3A_468 = vector.extract_strided_slice %get3A_10 {offsets = [0, 2, 0, 0], sizes = [10, 1, 10, 128], strides = [1, 1, 1, 1]} : vector<10x10x10x128xf32> to vector<10x1x10x128xf32>
    %squeeze3A_469 = vector.shape_cast %slice3A_468 : vector<10x1x10x128xf32> to vector<10x10x128xf32>
    %broadcast_in_dim3A_470 = vector.shape_cast %squeeze3A_469 : vector<10x10x128xf32> to vector<1x10x10x128xf32>
    %mul3A_471 = vector.broadcast %slice3A_467 : vector<9x10x1x128xf32> to vector<9x10x10x128xf32>
    %mul3A_472 = vector.broadcast %broadcast_in_dim3A_470 : vector<1x10x10x128xf32> to vector<9x10x10x128xf32>
    %mul3A_473 = arith.mulf %mul3A_471, %mul3A_472 : vector<9x10x10x128xf32>
    %add3A_474 = arith.addf %add3A_466, %mul3A_473 : vector<9x10x10x128xf32>
    %slice3A_475 = vector.extract_strided_slice %concatenate3A_448 {offsets = [0, 0, 3, 0], sizes = [9, 10, 1, 128], strides = [1, 1, 1, 1]} : vector<9x10x10x128xf32> to vector<9x10x1x128xf32>
    %slice3A_476 = vector.extract_strided_slice %get3A_10 {offsets = [0, 3, 0, 0], sizes = [10, 1, 10, 128], strides = [1, 1, 1, 1]} : vector<10x10x10x128xf32> to vector<10x1x10x128xf32>
    %squeeze3A_477 = vector.shape_cast %slice3A_476 : vector<10x1x10x128xf32> to vector<10x10x128xf32>
    %broadcast_in_dim3A_478 = vector.shape_cast %squeeze3A_477 : vector<10x10x128xf32> to vector<1x10x10x128xf32>
    %mul3A_479 = vector.broadcast %slice3A_475 : vector<9x10x1x128xf32> to vector<9x10x10x128xf32>
    %mul3A_480 = vector.broadcast %broadcast_in_dim3A_478 : vector<1x10x10x128xf32> to vector<9x10x10x128xf32>
    %mul3A_481 = arith.mulf %mul3A_479, %mul3A_480 : vector<9x10x10x128xf32>
    %add3A_482 = arith.addf %add3A_474, %mul3A_481 : vector<9x10x10x128xf32>
    %slice3A_483 = vector.extract_strided_slice %concatenate3A_448 {offsets = [0, 0, 4, 0], sizes = [9, 10, 1, 128], strides = [1, 1, 1, 1]} : vector<9x10x10x128xf32> to vector<9x10x1x128xf32>
    %slice3A_484 = vector.extract_strided_slice %get3A_10 {offsets = [0, 4, 0, 0], sizes = [10, 1, 10, 128], strides = [1, 1, 1, 1]} : vector<10x10x10x128xf32> to vector<10x1x10x128xf32>
    %squeeze3A_485 = vector.shape_cast %slice3A_484 : vector<10x1x10x128xf32> to vector<10x10x128xf32>
    %broadcast_in_dim3A_486 = vector.shape_cast %squeeze3A_485 : vector<10x10x128xf32> to vector<1x10x10x128xf32>
    %mul3A_487 = vector.broadcast %slice3A_483 : vector<9x10x1x128xf32> to vector<9x10x10x128xf32>
    %mul3A_488 = vector.broadcast %broadcast_in_dim3A_486 : vector<1x10x10x128xf32> to vector<9x10x10x128xf32>
    %mul3A_489 = arith.mulf %mul3A_487, %mul3A_488 : vector<9x10x10x128xf32>
    %add3A_490 = arith.addf %add3A_482, %mul3A_489 : vector<9x10x10x128xf32>
    %slice3A_491 = vector.extract_strided_slice %concatenate3A_448 {offsets = [0, 0, 5, 0], sizes = [9, 10, 1, 128], strides = [1, 1, 1, 1]} : vector<9x10x10x128xf32> to vector<9x10x1x128xf32>
    %slice3A_492 = vector.extract_strided_slice %get3A_10 {offsets = [0, 5, 0, 0], sizes = [10, 1, 10, 128], strides = [1, 1, 1, 1]} : vector<10x10x10x128xf32> to vector<10x1x10x128xf32>
    %squeeze3A_493 = vector.shape_cast %slice3A_492 : vector<10x1x10x128xf32> to vector<10x10x128xf32>
    %broadcast_in_dim3A_494 = vector.shape_cast %squeeze3A_493 : vector<10x10x128xf32> to vector<1x10x10x128xf32>
    %mul3A_495 = vector.broadcast %slice3A_491 : vector<9x10x1x128xf32> to vector<9x10x10x128xf32>
    %mul3A_496 = vector.broadcast %broadcast_in_dim3A_494 : vector<1x10x10x128xf32> to vector<9x10x10x128xf32>
    %mul3A_497 = arith.mulf %mul3A_495, %mul3A_496 : vector<9x10x10x128xf32>
    %add3A_498 = arith.addf %add3A_490, %mul3A_497 : vector<9x10x10x128xf32>
    %slice3A_499 = vector.extract_strided_slice %concatenate3A_448 {offsets = [0, 0, 6, 0], sizes = [9, 10, 1, 128], strides = [1, 1, 1, 1]} : vector<9x10x10x128xf32> to vector<9x10x1x128xf32>
    %slice3A_500 = vector.extract_strided_slice %get3A_10 {offsets = [0, 6, 0, 0], sizes = [10, 1, 10, 128], strides = [1, 1, 1, 1]} : vector<10x10x10x128xf32> to vector<10x1x10x128xf32>
    %squeeze3A_501 = vector.shape_cast %slice3A_500 : vector<10x1x10x128xf32> to vector<10x10x128xf32>
    %broadcast_in_dim3A_502 = vector.shape_cast %squeeze3A_501 : vector<10x10x128xf32> to vector<1x10x10x128xf32>
    %mul3A_503 = vector.broadcast %slice3A_499 : vector<9x10x1x128xf32> to vector<9x10x10x128xf32>
    %mul3A_504 = vector.broadcast %broadcast_in_dim3A_502 : vector<1x10x10x128xf32> to vector<9x10x10x128xf32>
    %mul3A_505 = arith.mulf %mul3A_503, %mul3A_504 : vector<9x10x10x128xf32>
    %add3A_506 = arith.addf %add3A_498, %mul3A_505 : vector<9x10x10x128xf32>
    %slice3A_507 = vector.extract_strided_slice %concatenate3A_448 {offsets = [0, 0, 7, 0], sizes = [9, 10, 1, 128], strides = [1, 1, 1, 1]} : vector<9x10x10x128xf32> to vector<9x10x1x128xf32>
    %slice3A_508 = vector.extract_strided_slice %get3A_10 {offsets = [0, 7, 0, 0], sizes = [10, 1, 10, 128], strides = [1, 1, 1, 1]} : vector<10x10x10x128xf32> to vector<10x1x10x128xf32>
    %squeeze3A_509 = vector.shape_cast %slice3A_508 : vector<10x1x10x128xf32> to vector<10x10x128xf32>
    %broadcast_in_dim3A_510 = vector.shape_cast %squeeze3A_509 : vector<10x10x128xf32> to vector<1x10x10x128xf32>
    %mul3A_511 = vector.broadcast %slice3A_507 : vector<9x10x1x128xf32> to vector<9x10x10x128xf32>
    %mul3A_512 = vector.broadcast %broadcast_in_dim3A_510 : vector<1x10x10x128xf32> to vector<9x10x10x128xf32>
    %mul3A_513 = arith.mulf %mul3A_511, %mul3A_512 : vector<9x10x10x128xf32>
    %add3A_514 = arith.addf %add3A_506, %mul3A_513 : vector<9x10x10x128xf32>
    %slice3A_515 = vector.extract_strided_slice %concatenate3A_448 {offsets = [0, 0, 8, 0], sizes = [9, 10, 1, 128], strides = [1, 1, 1, 1]} : vector<9x10x10x128xf32> to vector<9x10x1x128xf32>
    %slice3A_516 = vector.extract_strided_slice %get3A_10 {offsets = [0, 8, 0, 0], sizes = [10, 1, 10, 128], strides = [1, 1, 1, 1]} : vector<10x10x10x128xf32> to vector<10x1x10x128xf32>
    %squeeze3A_517 = vector.shape_cast %slice3A_516 : vector<10x1x10x128xf32> to vector<10x10x128xf32>
    %broadcast_in_dim3A_518 = vector.shape_cast %squeeze3A_517 : vector<10x10x128xf32> to vector<1x10x10x128xf32>
    %mul3A_519 = vector.broadcast %slice3A_515 : vector<9x10x1x128xf32> to vector<9x10x10x128xf32>
    %mul3A_520 = vector.broadcast %broadcast_in_dim3A_518 : vector<1x10x10x128xf32> to vector<9x10x10x128xf32>
    %mul3A_521 = arith.mulf %mul3A_519, %mul3A_520 : vector<9x10x10x128xf32>
    %add3A_522 = arith.addf %add3A_514, %mul3A_521 : vector<9x10x10x128xf32>
    %slice3A_523 = vector.extract_strided_slice %concatenate3A_448 {offsets = [0, 0, 9, 0], sizes = [9, 10, 1, 128], strides = [1, 1, 1, 1]} : vector<9x10x10x128xf32> to vector<9x10x1x128xf32>
    %slice3A_524 = vector.extract_strided_slice %get3A_10 {offsets = [0, 9, 0, 0], sizes = [10, 1, 10, 128], strides = [1, 1, 1, 1]} : vector<10x10x10x128xf32> to vector<10x1x10x128xf32>
    %squeeze3A_525 = vector.shape_cast %slice3A_524 : vector<10x1x10x128xf32> to vector<10x10x128xf32>
    %broadcast_in_dim3A_526 = vector.shape_cast %squeeze3A_525 : vector<10x10x128xf32> to vector<1x10x10x128xf32>
    %mul3A_527 = vector.broadcast %slice3A_523 : vector<9x10x1x128xf32> to vector<9x10x10x128xf32>
    %mul3A_528 = vector.broadcast %broadcast_in_dim3A_526 : vector<1x10x10x128xf32> to vector<9x10x10x128xf32>
    %mul3A_529 = arith.mulf %mul3A_527, %mul3A_528 : vector<9x10x10x128xf32>
    %add3A_530 = arith.addf %add3A_522, %mul3A_529 : vector<9x10x10x128xf32>
    %mul3A_531 = arith.constant 2.000000e+00 : f32
    %mul3A_532 = vector.broadcast %mul3A_531 : f32 to vector<9x10x10x128xf32>
    %mul3A_533 = arith.mulf %mul3A_532, %add3A_530 : vector<9x10x10x128xf32>
    %sub3A_534 = arith.subf %add3A_152, %mul3A_533 : vector<9x10x10x128xf32>
    %add3A_535 = arith.addf %stack3A_122, %sub3A_534 : vector<9x10x10x128xf32>
    %mul3A_536 = arith.constant -1.000000e+01 : f32
    %mul3A_537 = vector.broadcast %mul3A_536 : f32 to vector<9x10x10x128xf32>
    %mul3A_538 = arith.mulf %add3A_535, %mul3A_537 : vector<9x10x10x128xf32>
    %broadcast_in_dim3A_539 = arith.constant 0.000000e+00 : f32
    %broadcast_in_dim3A_540 = vector.broadcast %broadcast_in_dim3A_539 : f32 to vector<10x10x128xf32>
    %broadcast_in_dim3A_541 = vector.shape_cast %broadcast_in_dim3A_540 : vector<10x10x128xf32> to vector<1x10x10x128xf32>
    %add3A_542 = vector.broadcast %broadcast_in_dim3A_541 : vector<1x10x10x128xf32> to vector<9x10x10x128xf32>
    %add3A_543 = arith.addf %mul3A_538, %add3A_542 : vector<9x10x10x128xf32>
    %reduce_max3A_544 = arith.constant dense<0xFF800000> : vector<9x10x128xf32>
    %reduce_max3A_545 = vector.multi_reduction <maximumf>, %add3A_543, %reduce_max3A_544 [2] : vector<9x10x10x128xf32> to vector<9x10x128xf32>
    %broadcast_in_dim3A_546 = vector.shape_cast %reduce_max3A_545 : vector<9x10x128xf32> to vector<9x10x1x128xf32>
    %sub3A_547 = vector.broadcast %broadcast_in_dim3A_546 : vector<9x10x1x128xf32> to vector<9x10x10x128xf32>
    %sub3A_548 = arith.subf %add3A_543, %sub3A_547 : vector<9x10x10x128xf32>
    %exp3A_549 = math.exp %sub3A_548 : vector<9x10x10x128xf32>
    %reduce_sum3A_550 = arith.constant dense<0.000000e+00> : vector<9x10x128xf32>
    %reduce_sum3A_551 = vector.multi_reduction <add>, %exp3A_549, %reduce_sum3A_550 [2] : vector<9x10x10x128xf32> to vector<9x10x128xf32>
    %broadcast_in_dim3A_552 = vector.shape_cast %reduce_sum3A_551 : vector<9x10x128xf32> to vector<9x10x1x128xf32>
    %sub3A_553 = vector.broadcast %broadcast_in_dim3A_140 : vector<9x1x1x128xf32> to vector<9x10x1x128xf32>
    %sub3A_554 = arith.subf %sub3A_553, %broadcast_in_dim3A_546 : vector<9x10x1x128xf32>
    %log3A_555 = math.log %broadcast_in_dim3A_552 : vector<9x10x1x128xf32>
    %sub3A_556 = arith.subf %sub3A_554, %log3A_555 : vector<9x10x1x128xf32>
    %add3A_557 = vector.broadcast %sub3A_556 : vector<9x10x1x128xf32> to vector<9x10x10x128xf32>
    %add3A_558 = arith.addf %mul3A_538, %add3A_557 : vector<9x10x10x128xf32>
    %reduce_max3A_559 = arith.constant dense<0xFF800000> : vector<10x10x128xf32>
    %reduce_max3A_560 = vector.multi_reduction <maximumf>, %add3A_558, %reduce_max3A_559 [0] : vector<9x10x10x128xf32> to vector<10x10x128xf32>
    %broadcast_in_dim3A_561 = vector.shape_cast %reduce_max3A_560 : vector<10x10x128xf32> to vector<1x10x10x128xf32>
    %sub3A_562 = vector.broadcast %broadcast_in_dim3A_561 : vector<1x10x10x128xf32> to vector<9x10x10x128xf32>
    %sub3A_563 = arith.subf %add3A_558, %sub3A_562 : vector<9x10x10x128xf32>
    %exp3A_564 = math.exp %sub3A_563 : vector<9x10x10x128xf32>
    %reduce_sum3A_565 = arith.constant dense<0.000000e+00> : vector<10x10x128xf32>
    %reduce_sum3A_566 = vector.multi_reduction <add>, %exp3A_564, %reduce_sum3A_565 [0] : vector<9x10x10x128xf32> to vector<10x10x128xf32>
    %sub3A_567 = arith.constant -2.30258512 : f32
    %sub3A_568 = vector.broadcast %sub3A_567 : f32 to vector<10x10x128xf32>
    %sub3A_569 = arith.subf %sub3A_568, %reduce_max3A_560 : vector<10x10x128xf32>
    %log3A_570 = math.log %reduce_sum3A_566 : vector<10x10x128xf32>
    %sub3A_571 = arith.subf %sub3A_569, %log3A_570 : vector<10x10x128xf32>
    %broadcast_in_dim3A_572 = vector.shape_cast %sub3A_571 : vector<10x10x128xf32> to vector<1x10x10x128xf32>
    %add3A_573 = vector.broadcast %broadcast_in_dim3A_572 : vector<1x10x10x128xf32> to vector<9x10x10x128xf32>
    %add3A_574 = arith.addf %mul3A_538, %add3A_573 : vector<9x10x10x128xf32>
    %reduce_max3A_575 = arith.constant dense<0xFF800000> : vector<9x10x128xf32>
    %reduce_max3A_576 = vector.multi_reduction <maximumf>, %add3A_574, %reduce_max3A_575 [2] : vector<9x10x10x128xf32> to vector<9x10x128xf32>
    %broadcast_in_dim3A_577 = vector.shape_cast %reduce_max3A_576 : vector<9x10x128xf32> to vector<9x10x1x128xf32>
    %sub3A_578 = vector.broadcast %broadcast_in_dim3A_577 : vector<9x10x1x128xf32> to vector<9x10x10x128xf32>
    %sub3A_579 = arith.subf %add3A_574, %sub3A_578 : vector<9x10x10x128xf32>
    %exp3A_580 = math.exp %sub3A_579 : vector<9x10x10x128xf32>
    %reduce_sum3A_581 = arith.constant dense<0.000000e+00> : vector<9x10x128xf32>
    %reduce_sum3A_582 = vector.multi_reduction <add>, %exp3A_580, %reduce_sum3A_581 [2] : vector<9x10x10x128xf32> to vector<9x10x128xf32>
    %broadcast_in_dim3A_583 = vector.shape_cast %reduce_sum3A_582 : vector<9x10x128xf32> to vector<9x10x1x128xf32>
    %sub3A_584 = vector.broadcast %broadcast_in_dim3A_140 : vector<9x1x1x128xf32> to vector<9x10x1x128xf32>
    %sub3A_585 = arith.subf %sub3A_584, %broadcast_in_dim3A_577 : vector<9x10x1x128xf32>
    %log3A_586 = math.log %broadcast_in_dim3A_583 : vector<9x10x1x128xf32>
    %sub3A_587 = arith.subf %sub3A_585, %log3A_586 : vector<9x10x1x128xf32>
    %add3A_588 = vector.broadcast %sub3A_587 : vector<9x10x1x128xf32> to vector<9x10x10x128xf32>
    %add3A_589 = arith.addf %mul3A_538, %add3A_588 : vector<9x10x10x128xf32>
    %reduce_max3A_590 = arith.constant dense<0xFF800000> : vector<10x10x128xf32>
    %reduce_max3A_591 = vector.multi_reduction <maximumf>, %add3A_589, %reduce_max3A_590 [0] : vector<9x10x10x128xf32> to vector<10x10x128xf32>
    %broadcast_in_dim3A_592 = vector.shape_cast %reduce_max3A_591 : vector<10x10x128xf32> to vector<1x10x10x128xf32>
    %sub3A_593 = vector.broadcast %broadcast_in_dim3A_592 : vector<1x10x10x128xf32> to vector<9x10x10x128xf32>
    %sub3A_594 = arith.subf %add3A_589, %sub3A_593 : vector<9x10x10x128xf32>
    %exp3A_595 = math.exp %sub3A_594 : vector<9x10x10x128xf32>
    %reduce_sum3A_596 = arith.constant dense<0.000000e+00> : vector<10x10x128xf32>
    %reduce_sum3A_597 = vector.multi_reduction <add>, %exp3A_595, %reduce_sum3A_596 [0] : vector<9x10x10x128xf32> to vector<10x10x128xf32>
    %sub3A_598 = arith.constant -2.30258512 : f32
    %sub3A_599 = vector.broadcast %sub3A_598 : f32 to vector<10x10x128xf32>
    %sub3A_600 = arith.subf %sub3A_599, %reduce_max3A_591 : vector<10x10x128xf32>
    %log3A_601 = math.log %reduce_sum3A_597 : vector<10x10x128xf32>
    %sub3A_602 = arith.subf %sub3A_600, %log3A_601 : vector<10x10x128xf32>
    %broadcast_in_dim3A_603 = vector.shape_cast %sub3A_602 : vector<10x10x128xf32> to vector<1x10x10x128xf32>
    %add3A_604 = vector.broadcast %broadcast_in_dim3A_603 : vector<1x10x10x128xf32> to vector<9x10x10x128xf32>
    %add3A_605 = arith.addf %mul3A_538, %add3A_604 : vector<9x10x10x128xf32>
    %reduce_max3A_606 = arith.constant dense<0xFF800000> : vector<9x10x128xf32>
    %reduce_max3A_607 = vector.multi_reduction <maximumf>, %add3A_605, %reduce_max3A_606 [2] : vector<9x10x10x128xf32> to vector<9x10x128xf32>
    %broadcast_in_dim3A_608 = vector.shape_cast %reduce_max3A_607 : vector<9x10x128xf32> to vector<9x10x1x128xf32>
    %sub3A_609 = vector.broadcast %broadcast_in_dim3A_608 : vector<9x10x1x128xf32> to vector<9x10x10x128xf32>
    %sub3A_610 = arith.subf %add3A_605, %sub3A_609 : vector<9x10x10x128xf32>
    %exp3A_611 = math.exp %sub3A_610 : vector<9x10x10x128xf32>
    %reduce_sum3A_612 = arith.constant dense<0.000000e+00> : vector<9x10x128xf32>
    %reduce_sum3A_613 = vector.multi_reduction <add>, %exp3A_611, %reduce_sum3A_612 [2] : vector<9x10x10x128xf32> to vector<9x10x128xf32>
    %broadcast_in_dim3A_614 = vector.shape_cast %reduce_sum3A_613 : vector<9x10x128xf32> to vector<9x10x1x128xf32>
    %sub3A_615 = vector.broadcast %broadcast_in_dim3A_140 : vector<9x1x1x128xf32> to vector<9x10x1x128xf32>
    %sub3A_616 = arith.subf %sub3A_615, %broadcast_in_dim3A_608 : vector<9x10x1x128xf32>
    %log3A_617 = math.log %broadcast_in_dim3A_614 : vector<9x10x1x128xf32>
    %sub3A_618 = arith.subf %sub3A_616, %log3A_617 : vector<9x10x1x128xf32>
    %add3A_619 = vector.broadcast %sub3A_618 : vector<9x10x1x128xf32> to vector<9x10x10x128xf32>
    %add3A_620 = arith.addf %mul3A_538, %add3A_619 : vector<9x10x10x128xf32>
    %reduce_max3A_621 = arith.constant dense<0xFF800000> : vector<10x10x128xf32>
    %reduce_max3A_622 = vector.multi_reduction <maximumf>, %add3A_620, %reduce_max3A_621 [0] : vector<9x10x10x128xf32> to vector<10x10x128xf32>
    %broadcast_in_dim3A_623 = vector.shape_cast %reduce_max3A_622 : vector<10x10x128xf32> to vector<1x10x10x128xf32>
    %sub3A_624 = vector.broadcast %broadcast_in_dim3A_623 : vector<1x10x10x128xf32> to vector<9x10x10x128xf32>
    %sub3A_625 = arith.subf %add3A_620, %sub3A_624 : vector<9x10x10x128xf32>
    %exp3A_626 = math.exp %sub3A_625 : vector<9x10x10x128xf32>
    %reduce_sum3A_627 = arith.constant dense<0.000000e+00> : vector<10x10x128xf32>
    %reduce_sum3A_628 = vector.multi_reduction <add>, %exp3A_626, %reduce_sum3A_627 [0] : vector<9x10x10x128xf32> to vector<10x10x128xf32>
    %sub3A_629 = arith.constant -2.30258512 : f32
    %sub3A_630 = vector.broadcast %sub3A_629 : f32 to vector<10x10x128xf32>
    %sub3A_631 = arith.subf %sub3A_630, %reduce_max3A_622 : vector<10x10x128xf32>
    %log3A_632 = math.log %reduce_sum3A_628 : vector<10x10x128xf32>
    %sub3A_633 = arith.subf %sub3A_631, %log3A_632 : vector<10x10x128xf32>
    %broadcast_in_dim3A_634 = vector.shape_cast %sub3A_633 : vector<10x10x128xf32> to vector<1x10x10x128xf32>
    %add3A_635 = vector.broadcast %broadcast_in_dim3A_634 : vector<1x10x10x128xf32> to vector<9x10x10x128xf32>
    %add3A_636 = arith.addf %mul3A_538, %add3A_635 : vector<9x10x10x128xf32>
    %reduce_max3A_637 = arith.constant dense<0xFF800000> : vector<9x10x128xf32>
    %reduce_max3A_638 = vector.multi_reduction <maximumf>, %add3A_636, %reduce_max3A_637 [2] : vector<9x10x10x128xf32> to vector<9x10x128xf32>
    %broadcast_in_dim3A_639 = vector.shape_cast %reduce_max3A_638 : vector<9x10x128xf32> to vector<9x10x1x128xf32>
    %sub3A_640 = vector.broadcast %broadcast_in_dim3A_639 : vector<9x10x1x128xf32> to vector<9x10x10x128xf32>
    %sub3A_641 = arith.subf %add3A_636, %sub3A_640 : vector<9x10x10x128xf32>
    %exp3A_642 = math.exp %sub3A_641 : vector<9x10x10x128xf32>
    %reduce_sum3A_643 = arith.constant dense<0.000000e+00> : vector<9x10x128xf32>
    %reduce_sum3A_644 = vector.multi_reduction <add>, %exp3A_642, %reduce_sum3A_643 [2] : vector<9x10x10x128xf32> to vector<9x10x128xf32>
    %broadcast_in_dim3A_645 = vector.shape_cast %reduce_sum3A_644 : vector<9x10x128xf32> to vector<9x10x1x128xf32>
    %sub3A_646 = vector.broadcast %broadcast_in_dim3A_140 : vector<9x1x1x128xf32> to vector<9x10x1x128xf32>
    %sub3A_647 = arith.subf %sub3A_646, %broadcast_in_dim3A_639 : vector<9x10x1x128xf32>
    %log3A_648 = math.log %broadcast_in_dim3A_645 : vector<9x10x1x128xf32>
    %sub3A_649 = arith.subf %sub3A_647, %log3A_648 : vector<9x10x1x128xf32>
    %add3A_650 = vector.broadcast %sub3A_649 : vector<9x10x1x128xf32> to vector<9x10x10x128xf32>
    %add3A_651 = arith.addf %mul3A_538, %add3A_650 : vector<9x10x10x128xf32>
    %reduce_max3A_652 = arith.constant dense<0xFF800000> : vector<10x10x128xf32>
    %reduce_max3A_653 = vector.multi_reduction <maximumf>, %add3A_651, %reduce_max3A_652 [0] : vector<9x10x10x128xf32> to vector<10x10x128xf32>
    %broadcast_in_dim3A_654 = vector.shape_cast %reduce_max3A_653 : vector<10x10x128xf32> to vector<1x10x10x128xf32>
    %sub3A_655 = vector.broadcast %broadcast_in_dim3A_654 : vector<1x10x10x128xf32> to vector<9x10x10x128xf32>
    %sub3A_656 = arith.subf %add3A_651, %sub3A_655 : vector<9x10x10x128xf32>
    %exp3A_657 = math.exp %sub3A_656 : vector<9x10x10x128xf32>
    %reduce_sum3A_658 = arith.constant dense<0.000000e+00> : vector<10x10x128xf32>
    %reduce_sum3A_659 = vector.multi_reduction <add>, %exp3A_657, %reduce_sum3A_658 [0] : vector<9x10x10x128xf32> to vector<10x10x128xf32>
    %sub3A_660 = arith.constant -2.30258512 : f32
    %sub3A_661 = vector.broadcast %sub3A_660 : f32 to vector<10x10x128xf32>
    %sub3A_662 = arith.subf %sub3A_661, %reduce_max3A_653 : vector<10x10x128xf32>
    %log3A_663 = math.log %reduce_sum3A_659 : vector<10x10x128xf32>
    %sub3A_664 = arith.subf %sub3A_662, %log3A_663 : vector<10x10x128xf32>
    %broadcast_in_dim3A_665 = vector.shape_cast %sub3A_664 : vector<10x10x128xf32> to vector<1x10x10x128xf32>
    %add3A_666 = vector.broadcast %broadcast_in_dim3A_665 : vector<1x10x10x128xf32> to vector<9x10x10x128xf32>
    %add3A_667 = arith.addf %mul3A_538, %add3A_666 : vector<9x10x10x128xf32>
    %reduce_max3A_668 = arith.constant dense<0xFF800000> : vector<9x10x128xf32>
    %reduce_max3A_669 = vector.multi_reduction <maximumf>, %add3A_667, %reduce_max3A_668 [2] : vector<9x10x10x128xf32> to vector<9x10x128xf32>
    %broadcast_in_dim3A_670 = vector.shape_cast %reduce_max3A_669 : vector<9x10x128xf32> to vector<9x10x1x128xf32>
    %sub3A_671 = vector.broadcast %broadcast_in_dim3A_670 : vector<9x10x1x128xf32> to vector<9x10x10x128xf32>
    %sub3A_672 = arith.subf %add3A_667, %sub3A_671 : vector<9x10x10x128xf32>
    %exp3A_673 = math.exp %sub3A_672 : vector<9x10x10x128xf32>
    %reduce_sum3A_674 = arith.constant dense<0.000000e+00> : vector<9x10x128xf32>
    %reduce_sum3A_675 = vector.multi_reduction <add>, %exp3A_673, %reduce_sum3A_674 [2] : vector<9x10x10x128xf32> to vector<9x10x128xf32>
    %broadcast_in_dim3A_676 = vector.shape_cast %reduce_sum3A_675 : vector<9x10x128xf32> to vector<9x10x1x128xf32>
    %sub3A_677 = vector.broadcast %broadcast_in_dim3A_140 : vector<9x1x1x128xf32> to vector<9x10x1x128xf32>
    %sub3A_678 = arith.subf %sub3A_677, %broadcast_in_dim3A_670 : vector<9x10x1x128xf32>
    %log3A_679 = math.log %broadcast_in_dim3A_676 : vector<9x10x1x128xf32>
    %sub3A_680 = arith.subf %sub3A_678, %log3A_679 : vector<9x10x1x128xf32>
    %add3A_681 = vector.broadcast %sub3A_680 : vector<9x10x1x128xf32> to vector<9x10x10x128xf32>
    %add3A_682 = arith.addf %mul3A_538, %add3A_681 : vector<9x10x10x128xf32>
    %reduce_max3A_683 = arith.constant dense<0xFF800000> : vector<10x10x128xf32>
    %reduce_max3A_684 = vector.multi_reduction <maximumf>, %add3A_682, %reduce_max3A_683 [0] : vector<9x10x10x128xf32> to vector<10x10x128xf32>
    %broadcast_in_dim3A_685 = vector.shape_cast %reduce_max3A_684 : vector<10x10x128xf32> to vector<1x10x10x128xf32>
    %sub3A_686 = vector.broadcast %broadcast_in_dim3A_685 : vector<1x10x10x128xf32> to vector<9x10x10x128xf32>
    %sub3A_687 = arith.subf %add3A_682, %sub3A_686 : vector<9x10x10x128xf32>
    %exp3A_688 = math.exp %sub3A_687 : vector<9x10x10x128xf32>
    %reduce_sum3A_689 = arith.constant dense<0.000000e+00> : vector<10x10x128xf32>
    %reduce_sum3A_690 = vector.multi_reduction <add>, %exp3A_688, %reduce_sum3A_689 [0] : vector<9x10x10x128xf32> to vector<10x10x128xf32>
    %sub3A_691 = arith.constant -2.30258512 : f32
    %sub3A_692 = vector.broadcast %sub3A_691 : f32 to vector<10x10x128xf32>
    %sub3A_693 = arith.subf %sub3A_692, %reduce_max3A_684 : vector<10x10x128xf32>
    %log3A_694 = math.log %reduce_sum3A_690 : vector<10x10x128xf32>
    %sub3A_695 = arith.subf %sub3A_693, %log3A_694 : vector<10x10x128xf32>
    %add3A_696 = vector.broadcast %sub3A_680 : vector<9x10x1x128xf32> to vector<9x10x10x128xf32>
    %add3A_697 = arith.addf %mul3A_538, %add3A_696 : vector<9x10x10x128xf32>
    %broadcast_in_dim3A_698 = vector.shape_cast %sub3A_695 : vector<10x10x128xf32> to vector<1x10x10x128xf32>
    %add3A_699 = vector.broadcast %broadcast_in_dim3A_698 : vector<1x10x10x128xf32> to vector<9x10x10x128xf32>
    %add3A_700 = arith.addf %add3A_697, %add3A_699 : vector<9x10x10x128xf32>
    %exp3A_701 = math.exp %add3A_700 : vector<9x10x10x128xf32>
    %mul3A_702 = arith.constant 0.333333343 : f32
    %mul3A_703 = vector.broadcast %mul3A_702 : f32 to vector<9x10x10x128xf32>
    %mul3A_704 = arith.mulf %mul3A_703, %add3A_433 : vector<9x10x10x128xf32>
    %mul3A_705 = arith.constant 0.666666686 : f32
    %mul3A_706 = vector.broadcast %mul3A_705 : f32 to vector<9x10x10x128xf32>
    %mul3A_707 = arith.mulf %mul3A_706, %exp3A_701 : vector<9x10x10x128xf32>
    %add3A_708 = arith.addf %mul3A_704, %mul3A_707 : vector<9x10x10x128xf32>
    %slice3A_709 = vector.extract_strided_slice %add3A_708 {offsets = [1, 0, 0, 0], sizes = [8, 10, 10, 128], strides = [1, 1, 1, 1]} : vector<9x10x10x128xf32> to vector<8x10x10x128xf32>
    %slice3A_710 = vector.extract_strided_slice %broadcast_in_dim3A_153 {offsets = [1, 0, 0, 0], sizes = [8, 1, 1, 128], strides = [1, 1, 1, 1]} : vector<9x1x1x128xf32> to vector<8x1x1x128xf32>
    %mul3A_711 = vector.broadcast %slice3A_710 : vector<8x1x1x128xf32> to vector<8x10x10x128xf32>
    %mul3A_712 = arith.mulf %slice3A_709, %mul3A_711 : vector<8x10x10x128xf32>
    %reduce_sum3A_713 = arith.constant dense<0.000000e+00> : vector<10x10x128xf32>
    %reduce_sum3A_714 = vector.multi_reduction <add>, %mul3A_712, %reduce_sum3A_713 [0] : vector<8x10x10x128xf32> to vector<10x10x128xf32>
    %slice3A_715 = vector.extract_strided_slice %broadcast_in_dim3A_153 {offsets = [1, 0, 0, 0], sizes = [8, 1, 1, 128], strides = [1, 1, 1, 1]} : vector<9x1x1x128xf32> to vector<8x1x1x128xf32>
    %slice3A_716 = vector.extract_strided_slice %add3A_708 {offsets = [0, 0, 0, 0], sizes = [1, 10, 10, 128], strides = [1, 1, 1, 1]} : vector<9x10x10x128xf32> to vector<1x10x10x128xf32>
    %squeeze3A_717 = vector.shape_cast %slice3A_716 : vector<1x10x10x128xf32> to vector<10x10x128xf32>
    %broadcast_in_dim3A_718 = vector.shape_cast %squeeze3A_717 : vector<10x10x128xf32> to vector<1x10x10x128xf32>
    %mul3A_719 = vector.broadcast %slice3A_715 : vector<8x1x1x128xf32> to vector<8x10x10x128xf32>
    %mul3A_720 = vector.broadcast %broadcast_in_dim3A_718 : vector<1x10x10x128xf32> to vector<8x10x10x128xf32>
    %mul3A_721 = arith.mulf %mul3A_719, %mul3A_720 : vector<8x10x10x128xf32>
    %broadcast_in_dim3A_722 = vector.shape_cast %reduce_sum3A_714 : vector<10x10x128xf32> to vector<1x10x10x128xf32>
    %concatenate3A_723 = tpu.concatenate %broadcast_in_dim3A_722, %mul3A_721 in 0 : vector<1x10x10x128xf32>, vector<8x10x10x128xf32> -> vector<9x10x10x128xf32>
    %broadcast_in_dim3A_724 = arith.constant 0.000000e+00 : f32
    %broadcast_in_dim3A_725 = vector.broadcast %broadcast_in_dim3A_724 : f32 to vector<9x10x10x128xf32>
    %slice3A_726 = vector.extract_strided_slice %concatenate3A_723 {offsets = [0, 0, 0, 0], sizes = [9, 10, 1, 128], strides = [1, 1, 1, 1]} : vector<9x10x10x128xf32> to vector<9x10x1x128xf32>
    %slice3A_727 = vector.extract_strided_slice %get3A_10 {offsets = [0, 0, 0, 0], sizes = [10, 1, 10, 128], strides = [1, 1, 1, 1]} : vector<10x10x10x128xf32> to vector<10x1x10x128xf32>
    %squeeze3A_728 = vector.shape_cast %slice3A_727 : vector<10x1x10x128xf32> to vector<10x10x128xf32>
    %broadcast_in_dim3A_729 = vector.shape_cast %squeeze3A_728 : vector<10x10x128xf32> to vector<1x10x10x128xf32>
    %mul3A_730 = vector.broadcast %slice3A_726 : vector<9x10x1x128xf32> to vector<9x10x10x128xf32>
    %mul3A_731 = vector.broadcast %broadcast_in_dim3A_729 : vector<1x10x10x128xf32> to vector<9x10x10x128xf32>
    %mul3A_732 = arith.mulf %mul3A_730, %mul3A_731 : vector<9x10x10x128xf32>
    %add3A_733 = arith.addf %broadcast_in_dim3A_725, %mul3A_732 : vector<9x10x10x128xf32>
    %slice3A_734 = vector.extract_strided_slice %concatenate3A_723 {offsets = [0, 0, 1, 0], sizes = [9, 10, 1, 128], strides = [1, 1, 1, 1]} : vector<9x10x10x128xf32> to vector<9x10x1x128xf32>
    %slice3A_735 = vector.extract_strided_slice %get3A_10 {offsets = [0, 1, 0, 0], sizes = [10, 1, 10, 128], strides = [1, 1, 1, 1]} : vector<10x10x10x128xf32> to vector<10x1x10x128xf32>
    %squeeze3A_736 = vector.shape_cast %slice3A_735 : vector<10x1x10x128xf32> to vector<10x10x128xf32>
    %broadcast_in_dim3A_737 = vector.shape_cast %squeeze3A_736 : vector<10x10x128xf32> to vector<1x10x10x128xf32>
    %mul3A_738 = vector.broadcast %slice3A_734 : vector<9x10x1x128xf32> to vector<9x10x10x128xf32>
    %mul3A_739 = vector.broadcast %broadcast_in_dim3A_737 : vector<1x10x10x128xf32> to vector<9x10x10x128xf32>
    %mul3A_740 = arith.mulf %mul3A_738, %mul3A_739 : vector<9x10x10x128xf32>
    %add3A_741 = arith.addf %add3A_733, %mul3A_740 : vector<9x10x10x128xf32>
    %slice3A_742 = vector.extract_strided_slice %concatenate3A_723 {offsets = [0, 0, 2, 0], sizes = [9, 10, 1, 128], strides = [1, 1, 1, 1]} : vector<9x10x10x128xf32> to vector<9x10x1x128xf32>
    %slice3A_743 = vector.extract_strided_slice %get3A_10 {offsets = [0, 2, 0, 0], sizes = [10, 1, 10, 128], strides = [1, 1, 1, 1]} : vector<10x10x10x128xf32> to vector<10x1x10x128xf32>
    %squeeze3A_744 = vector.shape_cast %slice3A_743 : vector<10x1x10x128xf32> to vector<10x10x128xf32>
    %broadcast_in_dim3A_745 = vector.shape_cast %squeeze3A_744 : vector<10x10x128xf32> to vector<1x10x10x128xf32>
    %mul3A_746 = vector.broadcast %slice3A_742 : vector<9x10x1x128xf32> to vector<9x10x10x128xf32>
    %mul3A_747 = vector.broadcast %broadcast_in_dim3A_745 : vector<1x10x10x128xf32> to vector<9x10x10x128xf32>
    %mul3A_748 = arith.mulf %mul3A_746, %mul3A_747 : vector<9x10x10x128xf32>
    %add3A_749 = arith.addf %add3A_741, %mul3A_748 : vector<9x10x10x128xf32>
    %slice3A_750 = vector.extract_strided_slice %concatenate3A_723 {offsets = [0, 0, 3, 0], sizes = [9, 10, 1, 128], strides = [1, 1, 1, 1]} : vector<9x10x10x128xf32> to vector<9x10x1x128xf32>
    %slice3A_751 = vector.extract_strided_slice %get3A_10 {offsets = [0, 3, 0, 0], sizes = [10, 1, 10, 128], strides = [1, 1, 1, 1]} : vector<10x10x10x128xf32> to vector<10x1x10x128xf32>
    %squeeze3A_752 = vector.shape_cast %slice3A_751 : vector<10x1x10x128xf32> to vector<10x10x128xf32>
    %broadcast_in_dim3A_753 = vector.shape_cast %squeeze3A_752 : vector<10x10x128xf32> to vector<1x10x10x128xf32>
    %mul3A_754 = vector.broadcast %slice3A_750 : vector<9x10x1x128xf32> to vector<9x10x10x128xf32>
    %mul3A_755 = vector.broadcast %broadcast_in_dim3A_753 : vector<1x10x10x128xf32> to vector<9x10x10x128xf32>
    %mul3A_756 = arith.mulf %mul3A_754, %mul3A_755 : vector<9x10x10x128xf32>
    %add3A_757 = arith.addf %add3A_749, %mul3A_756 : vector<9x10x10x128xf32>
    %slice3A_758 = vector.extract_strided_slice %concatenate3A_723 {offsets = [0, 0, 4, 0], sizes = [9, 10, 1, 128], strides = [1, 1, 1, 1]} : vector<9x10x10x128xf32> to vector<9x10x1x128xf32>
    %slice3A_759 = vector.extract_strided_slice %get3A_10 {offsets = [0, 4, 0, 0], sizes = [10, 1, 10, 128], strides = [1, 1, 1, 1]} : vector<10x10x10x128xf32> to vector<10x1x10x128xf32>
    %squeeze3A_760 = vector.shape_cast %slice3A_759 : vector<10x1x10x128xf32> to vector<10x10x128xf32>
    %broadcast_in_dim3A_761 = vector.shape_cast %squeeze3A_760 : vector<10x10x128xf32> to vector<1x10x10x128xf32>
    %mul3A_762 = vector.broadcast %slice3A_758 : vector<9x10x1x128xf32> to vector<9x10x10x128xf32>
    %mul3A_763 = vector.broadcast %broadcast_in_dim3A_761 : vector<1x10x10x128xf32> to vector<9x10x10x128xf32>
    %mul3A_764 = arith.mulf %mul3A_762, %mul3A_763 : vector<9x10x10x128xf32>
    %add3A_765 = arith.addf %add3A_757, %mul3A_764 : vector<9x10x10x128xf32>
    %slice3A_766 = vector.extract_strided_slice %concatenate3A_723 {offsets = [0, 0, 5, 0], sizes = [9, 10, 1, 128], strides = [1, 1, 1, 1]} : vector<9x10x10x128xf32> to vector<9x10x1x128xf32>
    %slice3A_767 = vector.extract_strided_slice %get3A_10 {offsets = [0, 5, 0, 0], sizes = [10, 1, 10, 128], strides = [1, 1, 1, 1]} : vector<10x10x10x128xf32> to vector<10x1x10x128xf32>
    %squeeze3A_768 = vector.shape_cast %slice3A_767 : vector<10x1x10x128xf32> to vector<10x10x128xf32>
    %broadcast_in_dim3A_769 = vector.shape_cast %squeeze3A_768 : vector<10x10x128xf32> to vector<1x10x10x128xf32>
    %mul3A_770 = vector.broadcast %slice3A_766 : vector<9x10x1x128xf32> to vector<9x10x10x128xf32>
    %mul3A_771 = vector.broadcast %broadcast_in_dim3A_769 : vector<1x10x10x128xf32> to vector<9x10x10x128xf32>
    %mul3A_772 = arith.mulf %mul3A_770, %mul3A_771 : vector<9x10x10x128xf32>
    %add3A_773 = arith.addf %add3A_765, %mul3A_772 : vector<9x10x10x128xf32>
    %slice3A_774 = vector.extract_strided_slice %concatenate3A_723 {offsets = [0, 0, 6, 0], sizes = [9, 10, 1, 128], strides = [1, 1, 1, 1]} : vector<9x10x10x128xf32> to vector<9x10x1x128xf32>
    %slice3A_775 = vector.extract_strided_slice %get3A_10 {offsets = [0, 6, 0, 0], sizes = [10, 1, 10, 128], strides = [1, 1, 1, 1]} : vector<10x10x10x128xf32> to vector<10x1x10x128xf32>
    %squeeze3A_776 = vector.shape_cast %slice3A_775 : vector<10x1x10x128xf32> to vector<10x10x128xf32>
    %broadcast_in_dim3A_777 = vector.shape_cast %squeeze3A_776 : vector<10x10x128xf32> to vector<1x10x10x128xf32>
    %mul3A_778 = vector.broadcast %slice3A_774 : vector<9x10x1x128xf32> to vector<9x10x10x128xf32>
    %mul3A_779 = vector.broadcast %broadcast_in_dim3A_777 : vector<1x10x10x128xf32> to vector<9x10x10x128xf32>
    %mul3A_780 = arith.mulf %mul3A_778, %mul3A_779 : vector<9x10x10x128xf32>
    %add3A_781 = arith.addf %add3A_773, %mul3A_780 : vector<9x10x10x128xf32>
    %slice3A_782 = vector.extract_strided_slice %concatenate3A_723 {offsets = [0, 0, 7, 0], sizes = [9, 10, 1, 128], strides = [1, 1, 1, 1]} : vector<9x10x10x128xf32> to vector<9x10x1x128xf32>
    %slice3A_783 = vector.extract_strided_slice %get3A_10 {offsets = [0, 7, 0, 0], sizes = [10, 1, 10, 128], strides = [1, 1, 1, 1]} : vector<10x10x10x128xf32> to vector<10x1x10x128xf32>
    %squeeze3A_784 = vector.shape_cast %slice3A_783 : vector<10x1x10x128xf32> to vector<10x10x128xf32>
    %broadcast_in_dim3A_785 = vector.shape_cast %squeeze3A_784 : vector<10x10x128xf32> to vector<1x10x10x128xf32>
    %mul3A_786 = vector.broadcast %slice3A_782 : vector<9x10x1x128xf32> to vector<9x10x10x128xf32>
    %mul3A_787 = vector.broadcast %broadcast_in_dim3A_785 : vector<1x10x10x128xf32> to vector<9x10x10x128xf32>
    %mul3A_788 = arith.mulf %mul3A_786, %mul3A_787 : vector<9x10x10x128xf32>
    %add3A_789 = arith.addf %add3A_781, %mul3A_788 : vector<9x10x10x128xf32>
    %slice3A_790 = vector.extract_strided_slice %concatenate3A_723 {offsets = [0, 0, 8, 0], sizes = [9, 10, 1, 128], strides = [1, 1, 1, 1]} : vector<9x10x10x128xf32> to vector<9x10x1x128xf32>
    %slice3A_791 = vector.extract_strided_slice %get3A_10 {offsets = [0, 8, 0, 0], sizes = [10, 1, 10, 128], strides = [1, 1, 1, 1]} : vector<10x10x10x128xf32> to vector<10x1x10x128xf32>
    %squeeze3A_792 = vector.shape_cast %slice3A_791 : vector<10x1x10x128xf32> to vector<10x10x128xf32>
    %broadcast_in_dim3A_793 = vector.shape_cast %squeeze3A_792 : vector<10x10x128xf32> to vector<1x10x10x128xf32>
    %mul3A_794 = vector.broadcast %slice3A_790 : vector<9x10x1x128xf32> to vector<9x10x10x128xf32>
    %mul3A_795 = vector.broadcast %broadcast_in_dim3A_793 : vector<1x10x10x128xf32> to vector<9x10x10x128xf32>
    %mul3A_796 = arith.mulf %mul3A_794, %mul3A_795 : vector<9x10x10x128xf32>
    %add3A_797 = arith.addf %add3A_789, %mul3A_796 : vector<9x10x10x128xf32>
    %slice3A_798 = vector.extract_strided_slice %concatenate3A_723 {offsets = [0, 0, 9, 0], sizes = [9, 10, 1, 128], strides = [1, 1, 1, 1]} : vector<9x10x10x128xf32> to vector<9x10x1x128xf32>
    %slice3A_799 = vector.extract_strided_slice %get3A_10 {offsets = [0, 9, 0, 0], sizes = [10, 1, 10, 128], strides = [1, 1, 1, 1]} : vector<10x10x10x128xf32> to vector<10x1x10x128xf32>
    %squeeze3A_800 = vector.shape_cast %slice3A_799 : vector<10x1x10x128xf32> to vector<10x10x128xf32>
    %broadcast_in_dim3A_801 = vector.shape_cast %squeeze3A_800 : vector<10x10x128xf32> to vector<1x10x10x128xf32>
    %mul3A_802 = vector.broadcast %slice3A_798 : vector<9x10x1x128xf32> to vector<9x10x10x128xf32>
    %mul3A_803 = vector.broadcast %broadcast_in_dim3A_801 : vector<1x10x10x128xf32> to vector<9x10x10x128xf32>
    %mul3A_804 = arith.mulf %mul3A_802, %mul3A_803 : vector<9x10x10x128xf32>
    %add3A_805 = arith.addf %add3A_797, %mul3A_804 : vector<9x10x10x128xf32>
    %mul3A_806 = arith.constant 2.000000e+00 : f32
    %mul3A_807 = vector.broadcast %mul3A_806 : f32 to vector<9x10x10x128xf32>
    %mul3A_808 = arith.mulf %mul3A_807, %add3A_805 : vector<9x10x10x128xf32>
    %sub3A_809 = arith.subf %add3A_152, %mul3A_808 : vector<9x10x10x128xf32>
    %add3A_810 = arith.addf %stack3A_122, %sub3A_809 : vector<9x10x10x128xf32>
    %mul3A_811 = arith.constant -1.000000e+01 : f32
    %mul3A_812 = vector.broadcast %mul3A_811 : f32 to vector<9x10x10x128xf32>
    %mul3A_813 = arith.mulf %add3A_810, %mul3A_812 : vector<9x10x10x128xf32>
    %broadcast_in_dim3A_814 = arith.constant 0.000000e+00 : f32
    %broadcast_in_dim3A_815 = vector.broadcast %broadcast_in_dim3A_814 : f32 to vector<10x10x128xf32>
    %broadcast_in_dim3A_816 = vector.shape_cast %broadcast_in_dim3A_815 : vector<10x10x128xf32> to vector<1x10x10x128xf32>
    %add3A_817 = vector.broadcast %broadcast_in_dim3A_816 : vector<1x10x10x128xf32> to vector<9x10x10x128xf32>
    %add3A_818 = arith.addf %mul3A_813, %add3A_817 : vector<9x10x10x128xf32>
    %reduce_max3A_819 = arith.constant dense<0xFF800000> : vector<9x10x128xf32>
    %reduce_max3A_820 = vector.multi_reduction <maximumf>, %add3A_818, %reduce_max3A_819 [2] : vector<9x10x10x128xf32> to vector<9x10x128xf32>
    %broadcast_in_dim3A_821 = vector.shape_cast %reduce_max3A_820 : vector<9x10x128xf32> to vector<9x10x1x128xf32>
    %sub3A_822 = vector.broadcast %broadcast_in_dim3A_821 : vector<9x10x1x128xf32> to vector<9x10x10x128xf32>
    %sub3A_823 = arith.subf %add3A_818, %sub3A_822 : vector<9x10x10x128xf32>
    %exp3A_824 = math.exp %sub3A_823 : vector<9x10x10x128xf32>
    %reduce_sum3A_825 = arith.constant dense<0.000000e+00> : vector<9x10x128xf32>
    %reduce_sum3A_826 = vector.multi_reduction <add>, %exp3A_824, %reduce_sum3A_825 [2] : vector<9x10x10x128xf32> to vector<9x10x128xf32>
    %broadcast_in_dim3A_827 = vector.shape_cast %reduce_sum3A_826 : vector<9x10x128xf32> to vector<9x10x1x128xf32>
    %sub3A_828 = vector.broadcast %broadcast_in_dim3A_140 : vector<9x1x1x128xf32> to vector<9x10x1x128xf32>
    %sub3A_829 = arith.subf %sub3A_828, %broadcast_in_dim3A_821 : vector<9x10x1x128xf32>
    %log3A_830 = math.log %broadcast_in_dim3A_827 : vector<9x10x1x128xf32>
    %sub3A_831 = arith.subf %sub3A_829, %log3A_830 : vector<9x10x1x128xf32>
    %add3A_832 = vector.broadcast %sub3A_831 : vector<9x10x1x128xf32> to vector<9x10x10x128xf32>
    %add3A_833 = arith.addf %mul3A_813, %add3A_832 : vector<9x10x10x128xf32>
    %reduce_max3A_834 = arith.constant dense<0xFF800000> : vector<10x10x128xf32>
    %reduce_max3A_835 = vector.multi_reduction <maximumf>, %add3A_833, %reduce_max3A_834 [0] : vector<9x10x10x128xf32> to vector<10x10x128xf32>
    %broadcast_in_dim3A_836 = vector.shape_cast %reduce_max3A_835 : vector<10x10x128xf32> to vector<1x10x10x128xf32>
    %sub3A_837 = vector.broadcast %broadcast_in_dim3A_836 : vector<1x10x10x128xf32> to vector<9x10x10x128xf32>
    %sub3A_838 = arith.subf %add3A_833, %sub3A_837 : vector<9x10x10x128xf32>
    %exp3A_839 = math.exp %sub3A_838 : vector<9x10x10x128xf32>
    %reduce_sum3A_840 = arith.constant dense<0.000000e+00> : vector<10x10x128xf32>
    %reduce_sum3A_841 = vector.multi_reduction <add>, %exp3A_839, %reduce_sum3A_840 [0] : vector<9x10x10x128xf32> to vector<10x10x128xf32>
    %sub3A_842 = arith.constant -2.30258512 : f32
    %sub3A_843 = vector.broadcast %sub3A_842 : f32 to vector<10x10x128xf32>
    %sub3A_844 = arith.subf %sub3A_843, %reduce_max3A_835 : vector<10x10x128xf32>
    %log3A_845 = math.log %reduce_sum3A_841 : vector<10x10x128xf32>
    %sub3A_846 = arith.subf %sub3A_844, %log3A_845 : vector<10x10x128xf32>
    %broadcast_in_dim3A_847 = vector.shape_cast %sub3A_846 : vector<10x10x128xf32> to vector<1x10x10x128xf32>
    %add3A_848 = vector.broadcast %broadcast_in_dim3A_847 : vector<1x10x10x128xf32> to vector<9x10x10x128xf32>
    %add3A_849 = arith.addf %mul3A_813, %add3A_848 : vector<9x10x10x128xf32>
    %reduce_max3A_850 = arith.constant dense<0xFF800000> : vector<9x10x128xf32>
    %reduce_max3A_851 = vector.multi_reduction <maximumf>, %add3A_849, %reduce_max3A_850 [2] : vector<9x10x10x128xf32> to vector<9x10x128xf32>
    %broadcast_in_dim3A_852 = vector.shape_cast %reduce_max3A_851 : vector<9x10x128xf32> to vector<9x10x1x128xf32>
    %sub3A_853 = vector.broadcast %broadcast_in_dim3A_852 : vector<9x10x1x128xf32> to vector<9x10x10x128xf32>
    %sub3A_854 = arith.subf %add3A_849, %sub3A_853 : vector<9x10x10x128xf32>
    %exp3A_855 = math.exp %sub3A_854 : vector<9x10x10x128xf32>
    %reduce_sum3A_856 = arith.constant dense<0.000000e+00> : vector<9x10x128xf32>
    %reduce_sum3A_857 = vector.multi_reduction <add>, %exp3A_855, %reduce_sum3A_856 [2] : vector<9x10x10x128xf32> to vector<9x10x128xf32>
    %broadcast_in_dim3A_858 = vector.shape_cast %reduce_sum3A_857 : vector<9x10x128xf32> to vector<9x10x1x128xf32>
    %sub3A_859 = vector.broadcast %broadcast_in_dim3A_140 : vector<9x1x1x128xf32> to vector<9x10x1x128xf32>
    %sub3A_860 = arith.subf %sub3A_859, %broadcast_in_dim3A_852 : vector<9x10x1x128xf32>
    %log3A_861 = math.log %broadcast_in_dim3A_858 : vector<9x10x1x128xf32>
    %sub3A_862 = arith.subf %sub3A_860, %log3A_861 : vector<9x10x1x128xf32>
    %add3A_863 = vector.broadcast %sub3A_862 : vector<9x10x1x128xf32> to vector<9x10x10x128xf32>
    %add3A_864 = arith.addf %mul3A_813, %add3A_863 : vector<9x10x10x128xf32>
    %reduce_max3A_865 = arith.constant dense<0xFF800000> : vector<10x10x128xf32>
    %reduce_max3A_866 = vector.multi_reduction <maximumf>, %add3A_864, %reduce_max3A_865 [0] : vector<9x10x10x128xf32> to vector<10x10x128xf32>
    %broadcast_in_dim3A_867 = vector.shape_cast %reduce_max3A_866 : vector<10x10x128xf32> to vector<1x10x10x128xf32>
    %sub3A_868 = vector.broadcast %broadcast_in_dim3A_867 : vector<1x10x10x128xf32> to vector<9x10x10x128xf32>
    %sub3A_869 = arith.subf %add3A_864, %sub3A_868 : vector<9x10x10x128xf32>
    %exp3A_870 = math.exp %sub3A_869 : vector<9x10x10x128xf32>
    %reduce_sum3A_871 = arith.constant dense<0.000000e+00> : vector<10x10x128xf32>
    %reduce_sum3A_872 = vector.multi_reduction <add>, %exp3A_870, %reduce_sum3A_871 [0] : vector<9x10x10x128xf32> to vector<10x10x128xf32>
    %sub3A_873 = arith.constant -2.30258512 : f32
    %sub3A_874 = vector.broadcast %sub3A_873 : f32 to vector<10x10x128xf32>
    %sub3A_875 = arith.subf %sub3A_874, %reduce_max3A_866 : vector<10x10x128xf32>
    %log3A_876 = math.log %reduce_sum3A_872 : vector<10x10x128xf32>
    %sub3A_877 = arith.subf %sub3A_875, %log3A_876 : vector<10x10x128xf32>
    %broadcast_in_dim3A_878 = vector.shape_cast %sub3A_877 : vector<10x10x128xf32> to vector<1x10x10x128xf32>
    %add3A_879 = vector.broadcast %broadcast_in_dim3A_878 : vector<1x10x10x128xf32> to vector<9x10x10x128xf32>
    %add3A_880 = arith.addf %mul3A_813, %add3A_879 : vector<9x10x10x128xf32>
    %reduce_max3A_881 = arith.constant dense<0xFF800000> : vector<9x10x128xf32>
    %reduce_max3A_882 = vector.multi_reduction <maximumf>, %add3A_880, %reduce_max3A_881 [2] : vector<9x10x10x128xf32> to vector<9x10x128xf32>
    %broadcast_in_dim3A_883 = vector.shape_cast %reduce_max3A_882 : vector<9x10x128xf32> to vector<9x10x1x128xf32>
    %sub3A_884 = vector.broadcast %broadcast_in_dim3A_883 : vector<9x10x1x128xf32> to vector<9x10x10x128xf32>
    %sub3A_885 = arith.subf %add3A_880, %sub3A_884 : vector<9x10x10x128xf32>
    %exp3A_886 = math.exp %sub3A_885 : vector<9x10x10x128xf32>
    %reduce_sum3A_887 = arith.constant dense<0.000000e+00> : vector<9x10x128xf32>
    %reduce_sum3A_888 = vector.multi_reduction <add>, %exp3A_886, %reduce_sum3A_887 [2] : vector<9x10x10x128xf32> to vector<9x10x128xf32>
    %broadcast_in_dim3A_889 = vector.shape_cast %reduce_sum3A_888 : vector<9x10x128xf32> to vector<9x10x1x128xf32>
    %sub3A_890 = vector.broadcast %broadcast_in_dim3A_140 : vector<9x1x1x128xf32> to vector<9x10x1x128xf32>
    %sub3A_891 = arith.subf %sub3A_890, %broadcast_in_dim3A_883 : vector<9x10x1x128xf32>
    %log3A_892 = math.log %broadcast_in_dim3A_889 : vector<9x10x1x128xf32>
    %sub3A_893 = arith.subf %sub3A_891, %log3A_892 : vector<9x10x1x128xf32>
    %add3A_894 = vector.broadcast %sub3A_893 : vector<9x10x1x128xf32> to vector<9x10x10x128xf32>
    %add3A_895 = arith.addf %mul3A_813, %add3A_894 : vector<9x10x10x128xf32>
    %reduce_max3A_896 = arith.constant dense<0xFF800000> : vector<10x10x128xf32>
    %reduce_max3A_897 = vector.multi_reduction <maximumf>, %add3A_895, %reduce_max3A_896 [0] : vector<9x10x10x128xf32> to vector<10x10x128xf32>
    %broadcast_in_dim3A_898 = vector.shape_cast %reduce_max3A_897 : vector<10x10x128xf32> to vector<1x10x10x128xf32>
    %sub3A_899 = vector.broadcast %broadcast_in_dim3A_898 : vector<1x10x10x128xf32> to vector<9x10x10x128xf32>
    %sub3A_900 = arith.subf %add3A_895, %sub3A_899 : vector<9x10x10x128xf32>
    %exp3A_901 = math.exp %sub3A_900 : vector<9x10x10x128xf32>
    %reduce_sum3A_902 = arith.constant dense<0.000000e+00> : vector<10x10x128xf32>
    %reduce_sum3A_903 = vector.multi_reduction <add>, %exp3A_901, %reduce_sum3A_902 [0] : vector<9x10x10x128xf32> to vector<10x10x128xf32>
    %sub3A_904 = arith.constant -2.30258512 : f32
    %sub3A_905 = vector.broadcast %sub3A_904 : f32 to vector<10x10x128xf32>
    %sub3A_906 = arith.subf %sub3A_905, %reduce_max3A_897 : vector<10x10x128xf32>
    %log3A_907 = math.log %reduce_sum3A_903 : vector<10x10x128xf32>
    %sub3A_908 = arith.subf %sub3A_906, %log3A_907 : vector<10x10x128xf32>
    %broadcast_in_dim3A_909 = vector.shape_cast %sub3A_908 : vector<10x10x128xf32> to vector<1x10x10x128xf32>
    %add3A_910 = vector.broadcast %broadcast_in_dim3A_909 : vector<1x10x10x128xf32> to vector<9x10x10x128xf32>
    %add3A_911 = arith.addf %mul3A_813, %add3A_910 : vector<9x10x10x128xf32>
    %reduce_max3A_912 = arith.constant dense<0xFF800000> : vector<9x10x128xf32>
    %reduce_max3A_913 = vector.multi_reduction <maximumf>, %add3A_911, %reduce_max3A_912 [2] : vector<9x10x10x128xf32> to vector<9x10x128xf32>
    %broadcast_in_dim3A_914 = vector.shape_cast %reduce_max3A_913 : vector<9x10x128xf32> to vector<9x10x1x128xf32>
    %sub3A_915 = vector.broadcast %broadcast_in_dim3A_914 : vector<9x10x1x128xf32> to vector<9x10x10x128xf32>
    %sub3A_916 = arith.subf %add3A_911, %sub3A_915 : vector<9x10x10x128xf32>
    %exp3A_917 = math.exp %sub3A_916 : vector<9x10x10x128xf32>
    %reduce_sum3A_918 = arith.constant dense<0.000000e+00> : vector<9x10x128xf32>
    %reduce_sum3A_919 = vector.multi_reduction <add>, %exp3A_917, %reduce_sum3A_918 [2] : vector<9x10x10x128xf32> to vector<9x10x128xf32>
    %broadcast_in_dim3A_920 = vector.shape_cast %reduce_sum3A_919 : vector<9x10x128xf32> to vector<9x10x1x128xf32>
    %sub3A_921 = vector.broadcast %broadcast_in_dim3A_140 : vector<9x1x1x128xf32> to vector<9x10x1x128xf32>
    %sub3A_922 = arith.subf %sub3A_921, %broadcast_in_dim3A_914 : vector<9x10x1x128xf32>
    %log3A_923 = math.log %broadcast_in_dim3A_920 : vector<9x10x1x128xf32>
    %sub3A_924 = arith.subf %sub3A_922, %log3A_923 : vector<9x10x1x128xf32>
    %add3A_925 = vector.broadcast %sub3A_924 : vector<9x10x1x128xf32> to vector<9x10x10x128xf32>
    %add3A_926 = arith.addf %mul3A_813, %add3A_925 : vector<9x10x10x128xf32>
    %reduce_max3A_927 = arith.constant dense<0xFF800000> : vector<10x10x128xf32>
    %reduce_max3A_928 = vector.multi_reduction <maximumf>, %add3A_926, %reduce_max3A_927 [0] : vector<9x10x10x128xf32> to vector<10x10x128xf32>
    %broadcast_in_dim3A_929 = vector.shape_cast %reduce_max3A_928 : vector<10x10x128xf32> to vector<1x10x10x128xf32>
    %sub3A_930 = vector.broadcast %broadcast_in_dim3A_929 : vector<1x10x10x128xf32> to vector<9x10x10x128xf32>
    %sub3A_931 = arith.subf %add3A_926, %sub3A_930 : vector<9x10x10x128xf32>
    %exp3A_932 = math.exp %sub3A_931 : vector<9x10x10x128xf32>
    %reduce_sum3A_933 = arith.constant dense<0.000000e+00> : vector<10x10x128xf32>
    %reduce_sum3A_934 = vector.multi_reduction <add>, %exp3A_932, %reduce_sum3A_933 [0] : vector<9x10x10x128xf32> to vector<10x10x128xf32>
    %sub3A_935 = arith.constant -2.30258512 : f32
    %sub3A_936 = vector.broadcast %sub3A_935 : f32 to vector<10x10x128xf32>
    %sub3A_937 = arith.subf %sub3A_936, %reduce_max3A_928 : vector<10x10x128xf32>
    %log3A_938 = math.log %reduce_sum3A_934 : vector<10x10x128xf32>
    %sub3A_939 = arith.subf %sub3A_937, %log3A_938 : vector<10x10x128xf32>
    %broadcast_in_dim3A_940 = vector.shape_cast %sub3A_939 : vector<10x10x128xf32> to vector<1x10x10x128xf32>
    %add3A_941 = vector.broadcast %broadcast_in_dim3A_940 : vector<1x10x10x128xf32> to vector<9x10x10x128xf32>
    %add3A_942 = arith.addf %mul3A_813, %add3A_941 : vector<9x10x10x128xf32>
    %reduce_max3A_943 = arith.constant dense<0xFF800000> : vector<9x10x128xf32>
    %reduce_max3A_944 = vector.multi_reduction <maximumf>, %add3A_942, %reduce_max3A_943 [2] : vector<9x10x10x128xf32> to vector<9x10x128xf32>
    %broadcast_in_dim3A_945 = vector.shape_cast %reduce_max3A_944 : vector<9x10x128xf32> to vector<9x10x1x128xf32>
    %sub3A_946 = vector.broadcast %broadcast_in_dim3A_945 : vector<9x10x1x128xf32> to vector<9x10x10x128xf32>
    %sub3A_947 = arith.subf %add3A_942, %sub3A_946 : vector<9x10x10x128xf32>
    %exp3A_948 = math.exp %sub3A_947 : vector<9x10x10x128xf32>
    %reduce_sum3A_949 = arith.constant dense<0.000000e+00> : vector<9x10x128xf32>
    %reduce_sum3A_950 = vector.multi_reduction <add>, %exp3A_948, %reduce_sum3A_949 [2] : vector<9x10x10x128xf32> to vector<9x10x128xf32>
    %broadcast_in_dim3A_951 = vector.shape_cast %reduce_sum3A_950 : vector<9x10x128xf32> to vector<9x10x1x128xf32>
    %sub3A_952 = vector.broadcast %broadcast_in_dim3A_140 : vector<9x1x1x128xf32> to vector<9x10x1x128xf32>
    %sub3A_953 = arith.subf %sub3A_952, %broadcast_in_dim3A_945 : vector<9x10x1x128xf32>
    %log3A_954 = math.log %broadcast_in_dim3A_951 : vector<9x10x1x128xf32>
    %sub3A_955 = arith.subf %sub3A_953, %log3A_954 : vector<9x10x1x128xf32>
    %add3A_956 = vector.broadcast %sub3A_955 : vector<9x10x1x128xf32> to vector<9x10x10x128xf32>
    %add3A_957 = arith.addf %mul3A_813, %add3A_956 : vector<9x10x10x128xf32>
    %reduce_max3A_958 = arith.constant dense<0xFF800000> : vector<10x10x128xf32>
    %reduce_max3A_959 = vector.multi_reduction <maximumf>, %add3A_957, %reduce_max3A_958 [0] : vector<9x10x10x128xf32> to vector<10x10x128xf32>
    %broadcast_in_dim3A_960 = vector.shape_cast %reduce_max3A_959 : vector<10x10x128xf32> to vector<1x10x10x128xf32>
    %sub3A_961 = vector.broadcast %broadcast_in_dim3A_960 : vector<1x10x10x128xf32> to vector<9x10x10x128xf32>
    %sub3A_962 = arith.subf %add3A_957, %sub3A_961 : vector<9x10x10x128xf32>
    %exp3A_963 = math.exp %sub3A_962 : vector<9x10x10x128xf32>
    %reduce_sum3A_964 = arith.constant dense<0.000000e+00> : vector<10x10x128xf32>
    %reduce_sum3A_965 = vector.multi_reduction <add>, %exp3A_963, %reduce_sum3A_964 [0] : vector<9x10x10x128xf32> to vector<10x10x128xf32>
    %sub3A_966 = arith.constant -2.30258512 : f32
    %sub3A_967 = vector.broadcast %sub3A_966 : f32 to vector<10x10x128xf32>
    %sub3A_968 = arith.subf %sub3A_967, %reduce_max3A_959 : vector<10x10x128xf32>
    %log3A_969 = math.log %reduce_sum3A_965 : vector<10x10x128xf32>
    %sub3A_970 = arith.subf %sub3A_968, %log3A_969 : vector<10x10x128xf32>
    %add3A_971 = vector.broadcast %sub3A_955 : vector<9x10x1x128xf32> to vector<9x10x10x128xf32>
    %add3A_972 = arith.addf %mul3A_813, %add3A_971 : vector<9x10x10x128xf32>
    %broadcast_in_dim3A_973 = vector.shape_cast %sub3A_970 : vector<10x10x128xf32> to vector<1x10x10x128xf32>
    %add3A_974 = vector.broadcast %broadcast_in_dim3A_973 : vector<1x10x10x128xf32> to vector<9x10x10x128xf32>
    %add3A_975 = arith.addf %add3A_972, %add3A_974 : vector<9x10x10x128xf32>
    %exp3A_976 = math.exp %add3A_975 : vector<9x10x10x128xf32>
    %mul3A_977 = arith.constant 5.000000e-01 : f32
    %mul3A_978 = vector.broadcast %mul3A_977 : f32 to vector<9x10x10x128xf32>
    %mul3A_979 = arith.mulf %mul3A_978, %add3A_708 : vector<9x10x10x128xf32>
    %mul3A_980 = arith.constant 5.000000e-01 : f32
    %mul3A_981 = vector.broadcast %mul3A_980 : f32 to vector<9x10x10x128xf32>
    %mul3A_982 = arith.mulf %mul3A_981, %exp3A_976 : vector<9x10x10x128xf32>
    %add3A_983 = arith.addf %mul3A_979, %mul3A_982 : vector<9x10x10x128xf32>
    %slice3A_984 = vector.extract_strided_slice %add3A_983 {offsets = [1, 0, 0, 0], sizes = [8, 10, 10, 128], strides = [1, 1, 1, 1]} : vector<9x10x10x128xf32> to vector<8x10x10x128xf32>
    %slice3A_985 = vector.extract_strided_slice %broadcast_in_dim3A_153 {offsets = [1, 0, 0, 0], sizes = [8, 1, 1, 128], strides = [1, 1, 1, 1]} : vector<9x1x1x128xf32> to vector<8x1x1x128xf32>
    %mul3A_986 = vector.broadcast %slice3A_985 : vector<8x1x1x128xf32> to vector<8x10x10x128xf32>
    %mul3A_987 = arith.mulf %slice3A_984, %mul3A_986 : vector<8x10x10x128xf32>
    %reduce_sum3A_988 = arith.constant dense<0.000000e+00> : vector<10x10x128xf32>
    %reduce_sum3A_989 = vector.multi_reduction <add>, %mul3A_987, %reduce_sum3A_988 [0] : vector<8x10x10x128xf32> to vector<10x10x128xf32>
    %slice3A_990 = vector.extract_strided_slice %broadcast_in_dim3A_153 {offsets = [1, 0, 0, 0], sizes = [8, 1, 1, 128], strides = [1, 1, 1, 1]} : vector<9x1x1x128xf32> to vector<8x1x1x128xf32>
    %slice3A_991 = vector.extract_strided_slice %add3A_983 {offsets = [0, 0, 0, 0], sizes = [1, 10, 10, 128], strides = [1, 1, 1, 1]} : vector<9x10x10x128xf32> to vector<1x10x10x128xf32>
    %squeeze3A_992 = vector.shape_cast %slice3A_991 : vector<1x10x10x128xf32> to vector<10x10x128xf32>
    %broadcast_in_dim3A_993 = vector.shape_cast %squeeze3A_992 : vector<10x10x128xf32> to vector<1x10x10x128xf32>
    %mul3A_994 = vector.broadcast %slice3A_990 : vector<8x1x1x128xf32> to vector<8x10x10x128xf32>
    %mul3A_995 = vector.broadcast %broadcast_in_dim3A_993 : vector<1x10x10x128xf32> to vector<8x10x10x128xf32>
    %mul3A_996 = arith.mulf %mul3A_994, %mul3A_995 : vector<8x10x10x128xf32>
    %broadcast_in_dim3A_997 = vector.shape_cast %reduce_sum3A_989 : vector<10x10x128xf32> to vector<1x10x10x128xf32>
    %concatenate3A_998 = tpu.concatenate %broadcast_in_dim3A_997, %mul3A_996 in 0 : vector<1x10x10x128xf32>, vector<8x10x10x128xf32> -> vector<9x10x10x128xf32>
    %broadcast_in_dim3A_999 = arith.constant 0.000000e+00 : f32
    %broadcast_in_dim3A_1000 = vector.broadcast %broadcast_in_dim3A_999 : f32 to vector<9x10x10x128xf32>
    %slice3A_1001 = vector.extract_strided_slice %concatenate3A_998 {offsets = [0, 0, 0, 0], sizes = [9, 10, 1, 128], strides = [1, 1, 1, 1]} : vector<9x10x10x128xf32> to vector<9x10x1x128xf32>
    %slice3A_1002 = vector.extract_strided_slice %get3A_10 {offsets = [0, 0, 0, 0], sizes = [10, 1, 10, 128], strides = [1, 1, 1, 1]} : vector<10x10x10x128xf32> to vector<10x1x10x128xf32>
    %squeeze3A_1003 = vector.shape_cast %slice3A_1002 : vector<10x1x10x128xf32> to vector<10x10x128xf32>
    %broadcast_in_dim3A_1004 = vector.shape_cast %squeeze3A_1003 : vector<10x10x128xf32> to vector<1x10x10x128xf32>
    %mul3A_1005 = vector.broadcast %slice3A_1001 : vector<9x10x1x128xf32> to vector<9x10x10x128xf32>
    %mul3A_1006 = vector.broadcast %broadcast_in_dim3A_1004 : vector<1x10x10x128xf32> to vector<9x10x10x128xf32>
    %mul3A_1007 = arith.mulf %mul3A_1005, %mul3A_1006 : vector<9x10x10x128xf32>
    %add3A_1008 = arith.addf %broadcast_in_dim3A_1000, %mul3A_1007 : vector<9x10x10x128xf32>
    %slice3A_1009 = vector.extract_strided_slice %concatenate3A_998 {offsets = [0, 0, 1, 0], sizes = [9, 10, 1, 128], strides = [1, 1, 1, 1]} : vector<9x10x10x128xf32> to vector<9x10x1x128xf32>
    %slice3A_1010 = vector.extract_strided_slice %get3A_10 {offsets = [0, 1, 0, 0], sizes = [10, 1, 10, 128], strides = [1, 1, 1, 1]} : vector<10x10x10x128xf32> to vector<10x1x10x128xf32>
    %squeeze3A_1011 = vector.shape_cast %slice3A_1010 : vector<10x1x10x128xf32> to vector<10x10x128xf32>
    %broadcast_in_dim3A_1012 = vector.shape_cast %squeeze3A_1011 : vector<10x10x128xf32> to vector<1x10x10x128xf32>
    %mul3A_1013 = vector.broadcast %slice3A_1009 : vector<9x10x1x128xf32> to vector<9x10x10x128xf32>
    %mul3A_1014 = vector.broadcast %broadcast_in_dim3A_1012 : vector<1x10x10x128xf32> to vector<9x10x10x128xf32>
    %mul3A_1015 = arith.mulf %mul3A_1013, %mul3A_1014 : vector<9x10x10x128xf32>
    %add3A_1016 = arith.addf %add3A_1008, %mul3A_1015 : vector<9x10x10x128xf32>
    %slice3A_1017 = vector.extract_strided_slice %concatenate3A_998 {offsets = [0, 0, 2, 0], sizes = [9, 10, 1, 128], strides = [1, 1, 1, 1]} : vector<9x10x10x128xf32> to vector<9x10x1x128xf32>
    %slice3A_1018 = vector.extract_strided_slice %get3A_10 {offsets = [0, 2, 0, 0], sizes = [10, 1, 10, 128], strides = [1, 1, 1, 1]} : vector<10x10x10x128xf32> to vector<10x1x10x128xf32>
    %squeeze3A_1019 = vector.shape_cast %slice3A_1018 : vector<10x1x10x128xf32> to vector<10x10x128xf32>
    %broadcast_in_dim3A_1020 = vector.shape_cast %squeeze3A_1019 : vector<10x10x128xf32> to vector<1x10x10x128xf32>
    %mul3A_1021 = vector.broadcast %slice3A_1017 : vector<9x10x1x128xf32> to vector<9x10x10x128xf32>
    %mul3A_1022 = vector.broadcast %broadcast_in_dim3A_1020 : vector<1x10x10x128xf32> to vector<9x10x10x128xf32>
    %mul3A_1023 = arith.mulf %mul3A_1021, %mul3A_1022 : vector<9x10x10x128xf32>
    %add3A_1024 = arith.addf %add3A_1016, %mul3A_1023 : vector<9x10x10x128xf32>
    %slice3A_1025 = vector.extract_strided_slice %concatenate3A_998 {offsets = [0, 0, 3, 0], sizes = [9, 10, 1, 128], strides = [1, 1, 1, 1]} : vector<9x10x10x128xf32> to vector<9x10x1x128xf32>
    %slice3A_1026 = vector.extract_strided_slice %get3A_10 {offsets = [0, 3, 0, 0], sizes = [10, 1, 10, 128], strides = [1, 1, 1, 1]} : vector<10x10x10x128xf32> to vector<10x1x10x128xf32>
    %squeeze3A_1027 = vector.shape_cast %slice3A_1026 : vector<10x1x10x128xf32> to vector<10x10x128xf32>
    %broadcast_in_dim3A_1028 = vector.shape_cast %squeeze3A_1027 : vector<10x10x128xf32> to vector<1x10x10x128xf32>
    %mul3A_1029 = vector.broadcast %slice3A_1025 : vector<9x10x1x128xf32> to vector<9x10x10x128xf32>
    %mul3A_1030 = vector.broadcast %broadcast_in_dim3A_1028 : vector<1x10x10x128xf32> to vector<9x10x10x128xf32>
    %mul3A_1031 = arith.mulf %mul3A_1029, %mul3A_1030 : vector<9x10x10x128xf32>
    %add3A_1032 = arith.addf %add3A_1024, %mul3A_1031 : vector<9x10x10x128xf32>
    %slice3A_1033 = vector.extract_strided_slice %concatenate3A_998 {offsets = [0, 0, 4, 0], sizes = [9, 10, 1, 128], strides = [1, 1, 1, 1]} : vector<9x10x10x128xf32> to vector<9x10x1x128xf32>
    %slice3A_1034 = vector.extract_strided_slice %get3A_10 {offsets = [0, 4, 0, 0], sizes = [10, 1, 10, 128], strides = [1, 1, 1, 1]} : vector<10x10x10x128xf32> to vector<10x1x10x128xf32>
    %squeeze3A_1035 = vector.shape_cast %slice3A_1034 : vector<10x1x10x128xf32> to vector<10x10x128xf32>
    %broadcast_in_dim3A_1036 = vector.shape_cast %squeeze3A_1035 : vector<10x10x128xf32> to vector<1x10x10x128xf32>
    %mul3A_1037 = vector.broadcast %slice3A_1033 : vector<9x10x1x128xf32> to vector<9x10x10x128xf32>
    %mul3A_1038 = vector.broadcast %broadcast_in_dim3A_1036 : vector<1x10x10x128xf32> to vector<9x10x10x128xf32>
    %mul3A_1039 = arith.mulf %mul3A_1037, %mul3A_1038 : vector<9x10x10x128xf32>
    %add3A_1040 = arith.addf %add3A_1032, %mul3A_1039 : vector<9x10x10x128xf32>
    %slice3A_1041 = vector.extract_strided_slice %concatenate3A_998 {offsets = [0, 0, 5, 0], sizes = [9, 10, 1, 128], strides = [1, 1, 1, 1]} : vector<9x10x10x128xf32> to vector<9x10x1x128xf32>
    %slice3A_1042 = vector.extract_strided_slice %get3A_10 {offsets = [0, 5, 0, 0], sizes = [10, 1, 10, 128], strides = [1, 1, 1, 1]} : vector<10x10x10x128xf32> to vector<10x1x10x128xf32>
    %squeeze3A_1043 = vector.shape_cast %slice3A_1042 : vector<10x1x10x128xf32> to vector<10x10x128xf32>
    %broadcast_in_dim3A_1044 = vector.shape_cast %squeeze3A_1043 : vector<10x10x128xf32> to vector<1x10x10x128xf32>
    %mul3A_1045 = vector.broadcast %slice3A_1041 : vector<9x10x1x128xf32> to vector<9x10x10x128xf32>
    %mul3A_1046 = vector.broadcast %broadcast_in_dim3A_1044 : vector<1x10x10x128xf32> to vector<9x10x10x128xf32>
    %mul3A_1047 = arith.mulf %mul3A_1045, %mul3A_1046 : vector<9x10x10x128xf32>
    %add3A_1048 = arith.addf %add3A_1040, %mul3A_1047 : vector<9x10x10x128xf32>
    %slice3A_1049 = vector.extract_strided_slice %concatenate3A_998 {offsets = [0, 0, 6, 0], sizes = [9, 10, 1, 128], strides = [1, 1, 1, 1]} : vector<9x10x10x128xf32> to vector<9x10x1x128xf32>
    %slice3A_1050 = vector.extract_strided_slice %get3A_10 {offsets = [0, 6, 0, 0], sizes = [10, 1, 10, 128], strides = [1, 1, 1, 1]} : vector<10x10x10x128xf32> to vector<10x1x10x128xf32>
    %squeeze3A_1051 = vector.shape_cast %slice3A_1050 : vector<10x1x10x128xf32> to vector<10x10x128xf32>
    %broadcast_in_dim3A_1052 = vector.shape_cast %squeeze3A_1051 : vector<10x10x128xf32> to vector<1x10x10x128xf32>
    %mul3A_1053 = vector.broadcast %slice3A_1049 : vector<9x10x1x128xf32> to vector<9x10x10x128xf32>
    %mul3A_1054 = vector.broadcast %broadcast_in_dim3A_1052 : vector<1x10x10x128xf32> to vector<9x10x10x128xf32>
    %mul3A_1055 = arith.mulf %mul3A_1053, %mul3A_1054 : vector<9x10x10x128xf32>
    %add3A_1056 = arith.addf %add3A_1048, %mul3A_1055 : vector<9x10x10x128xf32>
    %slice3A_1057 = vector.extract_strided_slice %concatenate3A_998 {offsets = [0, 0, 7, 0], sizes = [9, 10, 1, 128], strides = [1, 1, 1, 1]} : vector<9x10x10x128xf32> to vector<9x10x1x128xf32>
    %slice3A_1058 = vector.extract_strided_slice %get3A_10 {offsets = [0, 7, 0, 0], sizes = [10, 1, 10, 128], strides = [1, 1, 1, 1]} : vector<10x10x10x128xf32> to vector<10x1x10x128xf32>
    %squeeze3A_1059 = vector.shape_cast %slice3A_1058 : vector<10x1x10x128xf32> to vector<10x10x128xf32>
    %broadcast_in_dim3A_1060 = vector.shape_cast %squeeze3A_1059 : vector<10x10x128xf32> to vector<1x10x10x128xf32>
    %mul3A_1061 = vector.broadcast %slice3A_1057 : vector<9x10x1x128xf32> to vector<9x10x10x128xf32>
    %mul3A_1062 = vector.broadcast %broadcast_in_dim3A_1060 : vector<1x10x10x128xf32> to vector<9x10x10x128xf32>
    %mul3A_1063 = arith.mulf %mul3A_1061, %mul3A_1062 : vector<9x10x10x128xf32>
    %add3A_1064 = arith.addf %add3A_1056, %mul3A_1063 : vector<9x10x10x128xf32>
    %slice3A_1065 = vector.extract_strided_slice %concatenate3A_998 {offsets = [0, 0, 8, 0], sizes = [9, 10, 1, 128], strides = [1, 1, 1, 1]} : vector<9x10x10x128xf32> to vector<9x10x1x128xf32>
    %slice3A_1066 = vector.extract_strided_slice %get3A_10 {offsets = [0, 8, 0, 0], sizes = [10, 1, 10, 128], strides = [1, 1, 1, 1]} : vector<10x10x10x128xf32> to vector<10x1x10x128xf32>
    %squeeze3A_1067 = vector.shape_cast %slice3A_1066 : vector<10x1x10x128xf32> to vector<10x10x128xf32>
    %broadcast_in_dim3A_1068 = vector.shape_cast %squeeze3A_1067 : vector<10x10x128xf32> to vector<1x10x10x128xf32>
    %mul3A_1069 = vector.broadcast %slice3A_1065 : vector<9x10x1x128xf32> to vector<9x10x10x128xf32>
    %mul3A_1070 = vector.broadcast %broadcast_in_dim3A_1068 : vector<1x10x10x128xf32> to vector<9x10x10x128xf32>
    %mul3A_1071 = arith.mulf %mul3A_1069, %mul3A_1070 : vector<9x10x10x128xf32>
    %add3A_1072 = arith.addf %add3A_1064, %mul3A_1071 : vector<9x10x10x128xf32>
    %slice3A_1073 = vector.extract_strided_slice %concatenate3A_998 {offsets = [0, 0, 9, 0], sizes = [9, 10, 1, 128], strides = [1, 1, 1, 1]} : vector<9x10x10x128xf32> to vector<9x10x1x128xf32>
    %slice3A_1074 = vector.extract_strided_slice %get3A_10 {offsets = [0, 9, 0, 0], sizes = [10, 1, 10, 128], strides = [1, 1, 1, 1]} : vector<10x10x10x128xf32> to vector<10x1x10x128xf32>
    %squeeze3A_1075 = vector.shape_cast %slice3A_1074 : vector<10x1x10x128xf32> to vector<10x10x128xf32>
    %broadcast_in_dim3A_1076 = vector.shape_cast %squeeze3A_1075 : vector<10x10x128xf32> to vector<1x10x10x128xf32>
    %mul3A_1077 = vector.broadcast %slice3A_1073 : vector<9x10x1x128xf32> to vector<9x10x10x128xf32>
    %mul3A_1078 = vector.broadcast %broadcast_in_dim3A_1076 : vector<1x10x10x128xf32> to vector<9x10x10x128xf32>
    %mul3A_1079 = arith.mulf %mul3A_1077, %mul3A_1078 : vector<9x10x10x128xf32>
    %add3A_1080 = arith.addf %add3A_1072, %mul3A_1079 : vector<9x10x10x128xf32>
    %mul3A_1081 = arith.constant 2.000000e+00 : f32
    %mul3A_1082 = vector.broadcast %mul3A_1081 : f32 to vector<9x10x10x128xf32>
    %mul3A_1083 = arith.mulf %mul3A_1082, %add3A_1080 : vector<9x10x10x128xf32>
    %sub3A_1084 = arith.subf %add3A_152, %mul3A_1083 : vector<9x10x10x128xf32>
    %mul3A_1085 = arith.constant 5.000000e-01 : f32
    %mul3A_1086 = vector.broadcast %mul3A_1085 : f32 to vector<9x10x10x128xf32>
    %mul3A_1087 = arith.mulf %mul3A_1086, %sub3A_1084 : vector<9x10x10x128xf32>
    %add3A_1088 = arith.addf %stack3A_122, %mul3A_1087 : vector<9x10x10x128xf32>
    %mul3A_1089 = arith.mulf %add3A_1088, %add3A_983 : vector<9x10x10x128xf32>
    %reduce_sum3A_1090 = arith.constant dense<0.000000e+00> : vector<10x128xf32>
    %reduce_sum3A_1091 = vector.multi_reduction <add>, %mul3A_1089, %reduce_sum3A_1090 [0, 2] : vector<9x10x10x128xf32> to vector<10x128xf32>
    %swap3A = arith.constant 0 : index
    %swap3A_1092 = arith.constant 0 : index
    %swap3A_1093 = vector.load %arg6[%swap3A, %swap3A_1092] : memref<10x128xf32, #tpu.memory_space<vmem>>, vector<10x128xf32>
    tpu.vector_store %arg6[%swap3A, %swap3A_1092], %reduce_sum3A_1091 {strides = array<i32>} : memref<10x128xf32, #tpu.memory_space<vmem>>, vector<10x128xf32>,
    return
  }
  func.func @transform_0(%arg0: i32) -> (i32, i32, i32) {
    %c0_i32 = arith.constant 0 : i32
    %c0_i32_0 = arith.constant 0 : i32
    %c0_i32_1 = arith.constant 0 : i32
    return %c0_i32, %arg0, %c0_i32_0 : i32, i32, i32
  }
  func.func @transform_1(%arg0: i32) -> (i32, i32) {
    %c0_i32 = arith.constant 0 : i32
    %c0_i32_0 = arith.constant 0 : i32
    return %c0_i32, %arg0 : i32, i32
  }
  func.func @transform_2(%arg0: i32) -> (i32, i32) {
    %c0_i32 = arith.constant 0 : i32
    %c0_i32_0 = arith.constant 0 : i32
    %c0_i32_1 = arith.constant 0 : i32
    return %c0_i32, %c0_i32_0 : i32, i32
  }
  func.func @transform_3(%arg0: i32) -> (i32, i32, i32) {
    %c0_i32 = arith.constant 0 : i32
    %c0_i32_0 = arith.constant 0 : i32
    %c0_i32_1 = arith.constant 0 : i32
    %c0_i32_2 = arith.constant 0 : i32
    return %c0_i32, %c0_i32_0, %c0_i32_1 : i32, i32, i32
  }
  func.func @transform_4(%arg0: i32) -> (i32, i32, i32, i32) {
    %c0_i32 = arith.constant 0 : i32
    %c0_i32_0 = arith.constant 0 : i32
    %c0_i32_1 = arith.constant 0 : i32
    %c0_i32_2 = arith.constant 0 : i32
    %c0_i32_3 = arith.constant 0 : i32
    return %c0_i32, %c0_i32_0, %c0_i32_1, %c0_i32_2 : i32, i32, i32, i32
  }
  func.func @transform_5(%arg0: i32) -> (i32, i32) {
    %c0_i32 = arith.constant 0 : i32
    %c0_i32_0 = arith.constant 0 : i32
    return %c0_i32, %arg0 : i32, i32
  }
}

</mosaic_0001>

<sc_bundles>
// kernel: kernel.12.cloned.1.call-start
scs
__scs_entry_jumppad:
0x0: {  	(pc) =	sbr.rel $0x88, $3  }
0x1: {  	(tag) =	ssettag $0x0;
	lr =	simm.s32 $0x1  }
0x2: {  	[smem:$0x3F9D] =	sst lr;
	_ =	strace $0xD0000000  }
0x3: {  	_ = 	snop  }
0x4: {  	_ = 	snop  }
0x5: {  	_ = 	snop  }
0x6: {  	_ = 	snop  }
0x7: {  	_ = 	snop  }
__scs_overlays_trampoline_lowered:
0x8: {  	[smem:$0x3FAC] =	sst s0  }
0x9: {  	[smem:$0x3FAD] =	sst s1  }
0xa: {  	[smem:$0x3FAE] =	sst s2  }
0xb: {  	[smem:$0x3FAF] =	sst s3  }
0xc: {  	[smem:$0x3FB0] =	sst s4  }
0xd: {  	[smem:$0x3FB1] =	sst s5  }
0xe: {  	[smem:$0x3FB2] =	sst s6  }
0xf: {  	[smem:$0x3FB3] =	sst s7  }
0x10: {  	[smem:$0x3FB4] =	sst s8  }
0x11: {  	[smem:$0x3FB5] =	sst s9;
	s0 =	simm.s32 @!p0 $0x0  }
0x12: {  	s1 =	sld [smem:$0x3F9B];
	s0 =	simm.s32 @p0 $0x1  }
0x13: {  	[smem:$0x3FB6] =	sst s0;
	s0 =	simm.s32 @!p1 $0x0  }
0x14: {  	s2 =	sld [smem:$0x3F9A];
	s0 =	simm.s32 @p1 $0x1  }
0x15: {  	[smem:$0x3FB7] =	sst s0;
	s0 =	simm.s32 @!p2 $0x0  }
0x16: {  	s3 =	sld [smem:$0x3FDB];
	s0 =	simm.s32 @p2 $0x1  }
0x17: {  	s4 =	simm.s32 $0x1BF5;
	[smem:$0x3FB9] =	sst s0  }
0x18: {  	s0 =	sld [smem:$0x3F9C];
	_ =	swait.ge [sflag:s4], $0x0  }
0x19: {  	s7 =	sld [smem:$0x3F9D]  }
0x1a: {  	s8 =	sadd.s32 $0xFFFFE003, lr  }
0x1b: {  	s9 =	sadd.s32 $0xFFFFFEF7, lr;
	s5 =	simm.s32 $0xFFFFFFFF;
	p2 =	slt.u32 s8, $0xFFFFF086  }
0x1c: {  	p1 =	slt.u32 s9, $0xF7A;
	s5 =	simm.s32 @!p2 $0x0  }
0x1d: {  	s5 =	simm.s32 @p1 $0x1;
	p0 =	seq.s32 s7, s2  }
0x1e: {  	s7 =	smul.u32 @!p0 $0xF7A, s2;
	p2 =	seq.s32 @!p0 s5, $0x0  }
0x1f: {  	s9 =	smul.u32 $0xF7A, s1;
	s8 =	simm.s32 @!p0 $0x1BF5;
	p2 =	por !p2, p0  }
0x20: {  	[sflag:s8] =	ssyncset.s32 @!p0 $0xFFFFF086;
	s6 =	sadd.s32 @!p0 s3, s7;
	s7 =	simm.s32 @!p0 $0x108  }
0x21: {  	s3 =	sadd.s32 s3, s9;
	s6 =	sadd.s32 @!p0 $0x88, s6;
	s7 =	simm.s32 @p2 $0x1082  }
0x22: {  	[simem:s7], [sflag:s8] =	dma.local @!p0 [hbm:s6], $0xF7A  }
0x23: {  	s9 =	sor.u32 $0xD0000000, s2;
	s6 =	simm.s32 $0x108;
	_ =	swait.ge @!p0 [sflag:s8], $0x0  }
0x24: {  	s3 =	sadd.s32 $0x88, s3;
	s6 =	simm.s32 @!p1 $0x1082;
	[sflag:s4] =	ssyncset.s32 $0xFFFFF086  }
0x25: {  	[simem:s6], [sflag:s4] =	dma.local [hbm:s3], $0xF7A  }
0x26: {  	[smem:$0x3F9D] =	sst s1;
	(tag) =	ssettag s2;
	_ =	strace s9  }
0x27: {  	s1 =	sld [smem:$0x3FAD]  }
0x28: {  	s2 =	sld [smem:$0x3FAE]  }
0x29: {  	s4 =	sld [smem:$0x3FB0]  }
0x2a: {  	p0 =	seq.s32 s5, $0x0;
	s5 =	sld [smem:$0x3FB1]  }
0x2b: {  	s6 =	sld [smem:$0x3FB2]  }
0x2c: {  	s7 =	sld [smem:$0x3FB3]  }
0x2d: {  	s3 =	simm.s32 $0x108;
	s8 =	sld [smem:$0x3FB4]  }
0x2e: {  	s3 =	simm.s32 @!p0 $0x1082;
	s9 =	sld [smem:$0x3FB5]  }
0x2f: {  	lr =	sadd.s32 s0, s3;
	s0 =	sld [smem:$0x3FAC]  }
0x30: {  	s3 =	sld [smem:$0x3FAF]  }
0x31: {  	[smem:$0x3FB8] =	sst s10  }
0x32: {  	s10 =	sld [smem:$0x3FB6];
	_ =	sdelay $0x3  }
0x33: {  	p0 =	seq.s32 s10, $0x1;
	s10 =	sld [smem:$0x3FB8];
	_ =	sdelay $0x3  }
0x34: {  	[smem:$0x3FB8] =	sst s10  }
0x35: {  	s10 =	sld [smem:$0x3FB7];
	_ =	sdelay $0x3  }
0x36: {  	p1 =	seq.s32 s10, $0x1;
	s10 =	sld [smem:$0x3FB8];
	_ =	sdelay $0x3  }
0x37: {  	[smem:$0x3FB8] =	sst s10  }
0x38: {  	s10 =	sld [smem:$0x3FB9]  }
0x39: {  	_ = 	snop;
	(pc) =	sbr.ind lr, $3  }
0x3a: {  	_ = 	snop  }
0x3b: {  	_ = 	snop  }
0x3c: {  	p2 =	seq.s32 s10, $0x1;
	s10 =	sld [smem:$0x3FB8]  }
0x3d: {  	_ =	shalt  }
0x3e: {  	_ =	shalt  }
0x3f: {  	_ =	shalt  }
0x40: {  	_ =	shalt  }
0x41: {  	_ =	shalt  }
0x42: {  	_ =	shalt  }
0x43: {  	_ =	shalt  }
0x44: {  	_ =	shalt  }
0x45: {  	_ =	shalt  }
0x46: {  	_ =	shalt  }
0x47: {  	_ =	shalt  }
0x48: {  	_ =	shalt  }
0x49: {  	_ =	shalt  }
0x4a: {  	_ =	shalt  }
0x4b: {  	_ =	shalt  }
0x4c: {  	_ =	shalt  }
0x4d: {  	_ =	shalt  }
0x4e: {  	_ =	shalt  }
0x4f: {  	_ =	shalt  }
0x50: {  	_ =	shalt  }
0x51: {  	_ =	shalt  }
0x52: {  	_ =	shalt  }
0x53: {  	_ =	shalt  }
0x54: {  	_ =	shalt  }
0x55: {  	_ =	shalt  }
0x56: {  	_ =	shalt  }
0x57: {  	_ =	shalt  }
0x58: {  	_ =	shalt  }
0x59: {  	_ =	shalt  }
0x5a: {  	_ =	shalt  }
0x5b: {  	_ =	shalt  }
0x5c: {  	_ =	shalt  }
0x5d: {  	_ =	shalt  }
0x5e: {  	_ =	shalt  }
0x5f: {  	_ =	shalt  }
0x60: {  	_ =	shalt  }
0x61: {  	_ =	shalt  }
0x62: {  	_ =	shalt  }
0x63: {  	_ =	shalt  }
0x64: {  	_ =	shalt  }
0x65: {  	_ =	shalt  }
0x66: {  	_ =	shalt  }
0x67: {  	_ =	shalt  }
0x68: {  	_ =	shalt  }
0x69: {  	_ =	shalt  }
0x6a: {  	_ =	shalt  }
0x6b: {  	_ =	shalt  }
0x6c: {  	_ =	shalt  }
0x6d: {  	_ =	shalt  }
0x6e: {  	_ =	shalt  }
0x6f: {  	_ =	shalt  }
0x70: {  	_ =	shalt  }
0x71: {  	_ =	shalt  }
0x72: {  	_ =	shalt  }
0x73: {  	_ =	shalt  }
0x74: {  	_ =	shalt  }
0x75: {  	_ =	shalt  }
0x76: {  	_ =	shalt  }
0x77: {  	_ =	shalt  }
0x78: {  	_ =	shalt  }
0x79: {  	_ =	shalt  }
0x7a: {  	_ =	shalt  }
0x7b: {  	_ =	shalt  }
0x7c: {  	_ =	shalt  }
0x7d: {  	_ =	shalt  }
0x7e: {  	_ =	shalt  }
0x7f: {  	_ =	shalt  }
0x80: {  	_ =	shalt  }
0x81: {  	_ =	shalt  }
0x82: {  	_ =	shalt  }
0x83: {  	_ =	shalt  }
0x84: {  	_ =	shalt  }
0x85: {  	_ =	shalt  }
0x86: {  	_ =	shalt  }
0x87: {  	_ =	shalt  }
.Lfunc_end0:
.L_simem_size_0:
called_computation.2_lowered:
.L_overlay_start_0:
0x88: {  	s2 =	sld [smem:$0x3FD9]  }
0x89: {  	s3 =	sld [smem:$0x3FFE];
	_ =	sdelay $0x1  }
0x8a: {  	s1 =	srdreg.scid  }
0x8b: {  	s0 =	sand.u32 $0x1, s1  }
0x8c: {  	s17 =	sshll.u32 s0, $0xA;
	s2 =	sadd.s32 s3, s2  }
0x8d: {  	s2 =	sadd.s32 s2, s17  }
0x8e: {  	[smem:$0x3FC4] =	sst s2  }
0x8f: {  	_ = 	snop  }
0x90: {  	s2 =	sld [smem:$0x3FC9]  }
0x91: {  	s18 =	sld [smem:$0x3FD0];
	(tm) =	ssettm $0x1  }
0x92: {  	s4 =	sld [smem:$0x3FFB];
	_ =	sdelay $0x3  }
0x93: {  	_ =	strace s4  }
0x94: {  	s4 =	sld [smem:$0x3FFC];
	_ =	sdelay $0x3  }
0x95: {  	_ =	strace s4  }
0x96: {  	s4 =	sld [smem:$0x3FFD];
	_ =	sdelay $0x3  }
0x97: {  	_ =	strace s4  }
0x98: {  	_ =	strace $0x8FFFFFFF  }
0x99: {  	s19 =	sld [smem:$0x3FDB];
	_ =	sdelay $0x1  }
0x9a: {  	s5 =	simm.s32 $_scs_section_size  }
0x9b: {  	s6 =	simm.s32 $_size__tile_overlayer_lowered;
	s7 =	simm.s32 $_tile_overlayer_lowered  }
0x9c: {  	s22 =	simm.s32 $0x1BFF;
	s21 =	sshll.u32 s7, $0x1;
	s4 =	sadd.s32 s5, s19  }
0x9d: {  	s8 =	simm.s32 $0x0;
	s20 =	sshll.u32 s6, $0x1;
	s6 =	sadd.s32 s21, s4  }
0x9e: {  	[timem:s8], [sflag:s22] =	dma.local [hbm:s6], s20  }
0x9f: {  	_ =	swait.ge [sflag:s22], s20  }
0xa0: {  	s5 =	ssub.s32 $0x0, s20;
	[sflag:s22] =	ssyncset.done $0x0  }
0xa1: {  	[sflag:s22] =	ssyncadd.s32 s5;
	_ =	sdelay $0x1  }
0xa2: {  	s23 =	simm.s32 $0x1B8B  }
0xa3: {  	_ =	swait.ge [sflag:s23], $0x1  }
0xa4: {  	[sflag:s23] =	ssyncset.done $0x0  }
0xa5: {  	s25 =	simm.s32 $0x1B8E;
	s24 =	sld [smem:$0x3FFE];
	[sflag:s23] =	ssyncadd.s32 $0xFFFFFFFF  }
0xa6: {  	s26 =	simm.s32 $execute0_lowered;
	[smem:$0x3FD2] =	sst s25  }
0xa7: {  	s6 =	sshll.u32 s26, $0x1;
	_ =	strace $0x8000004C;
	[dreg:$0x1] =	wrdreg $0xFFFFFFFF  }
0xa8: {  	s28 =	simm.s32 $_size_execute0_lowered;
	s4 =	sadd.s32 s4, s6;
	[dreg:$0x0] =	wrdreg $0x0  }
0xa9: {  	s6 =	sshll.u32 s28, $0x1;
	[dreg:$0x2] =	wrdreg s4  }
0xaa: {  	[dreg:$0x3] =	wrdreg s6  }
0xab: {  	[dreg:$0x4] =	wrdreg $0xC0  }
0xac: {  	_ =	task [dreg:s8], $0x5FFFF  }
0xad: {  	[dreg:$0x1] =	wrdreg $0xFFFFFFFF  }
0xae: {  	[dreg:$0x0] =	wrdreg $0x60  }
0xaf: {  	[dreg:$0x2] =	wrdreg s2  }
0xb0: {  	[dreg:$0x3] =	wrdreg s18  }
0xb1: {  	[dreg:$0x4] =	wrdreg s24  }
0xb2: {  	[dreg:$0x5] =	wrdreg $0x9  }
0xb3: {  	_ =	task.clear_ibuf [dreg:s8], $0x6FFFF;
	_ =	strace $0x9000004C  }
0xb4: {  	s29 =	simm.s32 $0x9;
	_ =	strace $0x8000004E  }
0xb5: {  	_ =	swait.ge [sflag:s29], $0x1  }
0xb6: {  	[sflag:s29] =	ssyncadd.s32 $0xFFFFFFFF  }
0xb7: {  	_ =	strace $0x9000004E  }
0xb8: {  	_ =	sfence  }
0xb9: {  	s30 =	sld [smem:$0x0];
	_ =	sdelay $0x2  }
0xba: {  	s31 =	sshll.u32 s1, $0xD;
	s1 =	sshrl.u32 s1, $0x2  }
0xbb: {  	s3 =	sand.u32 $0x4000, s31;
	s1 =	sadd.s32 s1, s30  }
0xbc: {  	s0 =	sor.u32 s3, s0;
	s1 =	sshll.u32 s1, $0x11  }
0xbd: {  	s0 =	sor.u32 s1, s0  }
0xbe: {  	s0 =	sadd.s32 $0x8F2B, s0  }
0xbf: {  	[sflag:s0] =	ssyncadd.remote.s32 $0x1  }
0xc0: {  	_ =	sfence.sel $0xFFFF  }
0xc1: {  	[dreg:$0x0] =	wrdreg $0xFFFFFFFF;
	(pc) =	sbr.abs _section_cstart, $3  }
0xc2: {  	[dreg:$0x1] =	wrdreg $0xFFFFFFFF  }
0xc3: {  	_ =	task.clear_ibuf [dreg:s8], $0x2FFFF;
	_ =	strace $0x9FFFFFFF  }
0xc4: {  	(tm) =	ssettm $0x7FFFFFFF  }
0xc5: {  	_ =	shalt  }
tec
execute0_lowered:
.L_overlay_start_1:
0x0: {  	(tag) =	ssettag $0x1  }
0x1: {  	s1 =	rddreg [dreg:$0x0]  }
0x2: {  	s4 =	rddreg [dreg:$0x1]  }
0x3: {  	s2 =	srdreg.scid;
	s0 =	stileid.u32  }
0x4: {  	s8 =	rddreg [dreg:$0x2];
	s3 =	simm.s32 $0x0;
	s12 =	simm.s32 $0x4800  }
0x5: {  	s13 =	simm.s32 $0x1;
	s14 =	simm.s32 $0x2;
	s15 =	simm.s32 $0xB80  }
0x6: {  	s16 =	simm.s32 $0x0;
	s6 =	sand.u32 $0x1, s2;
	s5 =	sshll.u32 s0, $0x1  }
0x7: {  	s2 =	rddreg [dreg:$0x3];
	s29 =	smul.u32 $0x16800, s0;
	s5 =	sor.u32 s6, s5  }
0x8: {  	[smem:$0x7FF] =	sst s3;
	s7 =	ssub.s32 $0x2, s6;
	s9 =	smul.u32 $0x180, s5  }
0x9: {  	_ =	strace $0x8000004D;
	s10 =	sshrl.u32 s7, $0x1;
	s11 =	smul.u32 $0xB400, s5  }
0xa: {  	s31 =	smul.u32 $0xB400, s6;
	s28 =	ssub.s32 s7, s10;
	s10 =	simm.s32 $0x78  }
0xb: {  	s4 =	sadd.s32 s4, s9;
	s5 =	smax.u32 s28, $0x1;
	s30 =	sadd.s32 s8, s11  }
0xc: {  	s8 =	sadd.s32 s29, s8;
	s9 =	simm.s32 $0x3;
	s11 =	simm.s32 $0xC00  }
0xd: {  	s6 =	sadd.s32 $0xA500, s30;
	s7 =	sadd.s32 $0xAC80, s30;
	s8 =	sadd.s32 s31, s8  }
.LBB2_1:
0xe: {  	[tilespmem:s3], [sflag:$0x3] =	stream.linear.gather [hbm4b:s4+s3], $0xC00, $0x38;
	[tilespmem:$0x8400] =	vst v63  }
0xf: {  	_ =	swait.ge [sflag:s9], $0xC00  }
0x10: {  	[sflag:s9] =	ssyncset.done $0x0  }
0x11: {  	[sflag:s9] =	ssyncadd.s32 $0xFFFFF400  }
0x12: {  	[tilespmem:s11], [sflag:$0x1] =	stream.indirect.gather [hbm4b:s1+s10], $0x80, s3, s10, $0xb8;
	[tilespmem:$0x8400] =	vst v63  }
0x13: {  	s17 =	simm.s32 $0x80  }
0x14: {  	[tilespmem:s12], [sflag:$0x2] =	stream.indirect.gather [hbm4b:s1+s10], $0x80, s17, s10, $0xb8;
	[tilespmem:$0x8400] =	vst v63  }
0x15: {  	_ =	swait.ge [sflag:s13], $0x3C00  }
0x16: {  	[sflag:s13] =	ssyncset.done $0x0  }
0x17: {  	s31 =	sadd.s32 $0x0, s8;
	[sflag:s13] =	ssyncadd.s32 $0xFFFFC400  }
0x18: {  	[hbm4b:s31+s3] =	stream.linear.scatter [tilespmem:s11], [sflag:$0x3], $0x3C00, $0x38;
	[tilespmem:$0x8400] =	vst v63  }
0x19: {  	_ =	swait.ge [sflag:s9], $0x3C00  }
0x1a: {  	[sflag:s9] =	ssyncset.done $0x0  }
0x1b: {  	s18 =	simm.s32 $0x100;
	[sflag:s9] =	ssyncadd.s32 $0xFFFFC400  }
0x1c: {  	[tilespmem:s11], [sflag:$0x1] =	stream.indirect.gather [hbm4b:s1+s10], $0x80, s18, s10, $0xb8;
	[tilespmem:$0x8400] =	vst v63  }
0x1d: {  	_ =	swait.ge [sflag:s14], $0x3C00  }
0x1e: {  	[sflag:s14] =	ssyncset.done $0x0  }
0x1f: {  	s17 =	sadd.s32 $0x780, s31;
	[sflag:s14] =	ssyncadd.s32 $0xFFFFC400  }
0x20: {  	[hbm4b:s17+s3] =	stream.linear.scatter [tilespmem:s12], [sflag:$0x3], $0x3C00, $0x38;
	[tilespmem:$0x8400] =	vst v63  }
0x21: {  	s19 =	simm.s32 $0x1E00;
	_ =	swait.ge [sflag:s9], $0x3C00  }
0x22: {  	s18 =	simm.s32 $0xF00;
	s17 =	simm.s32 $0x200;
	[sflag:s9] =	ssyncset.done $0x0  }
.LBB2_2:
0x23: {  	p0 =	sne.s32 s19, $0x9600;
	s20 =	sadd.s32 $0xFFFFFF80, s17;
	[sflag:s9] =	ssyncadd.s32 $0xFFFFC400  }
0x24: {  	[tilespmem:s12], [sflag:$0x2] =	stream.indirect.gather [hbm4b:s1+s10], $0x80, s20, s10, $0xb8;
	[tilespmem:$0x8400] =	vst v63  }
0x25: {  	s20 =	smov.u32 s19;
	s19 =	sadd.s32 $0xF00, s19;
	_ =	swait.ge [sflag:s13], $0x3C00  }
0x26: {  	[sflag:s13] =	ssyncset.done $0x0  }
0x27: {  	s21 =	sadd.s32 s18, s8;
	s18 =	smov.u32 s20;
	[sflag:s13] =	ssyncadd.s32 $0xFFFFC400  }
0x28: {  	[hbm4b:s21+s3] =	stream.linear.scatter [tilespmem:s11], [sflag:$0x3], $0x3C00, $0x38;
	[tilespmem:$0x8400] =	vst v63  }
0x29: {  	_ =	swait.ge [sflag:s9], $0x3C00  }
0x2a: {  	[sflag:s9] =	ssyncset.done $0x0  }
0x2b: {  	[sflag:s9] =	ssyncadd.s32 $0xFFFFC400  }
0x2c: {  	[tilespmem:s11], [sflag:$0x1] =	stream.indirect.gather [hbm4b:s1+s10], $0x80, s17, s10, $0xb8;
	[tilespmem:$0x8400] =	vst v63  }
0x2d: {  	_ =	swait.ge [sflag:s14], $0x3C00  }
.Ltmp0:
0x2e: {  	[sflag:s14] =	ssyncset.done $0x0;
	(pc) =	sbr.rel @p0 .LBB2_2-.Ltmp0, $4  }
0x2f: {  	s20 =	sadd.s32 $0x780, s21;
	[sflag:s14] =	ssyncadd.s32 $0xFFFFC400  }
0x30: {  	[hbm4b:s20+s3] =	stream.linear.scatter [tilespmem:s12], [sflag:$0x3], $0x3C00, $0x38;
	[tilespmem:$0x8400] =	vst v63  }
0x31: {  	_ =	swait.ge [sflag:s9], $0x3C00  }
0x32: {  	s17 =	sadd.s32 $0x100, s17;
	[sflag:s9] =	ssyncset.done $0x0  }
0x33: {  	s19 =	sadd.s32 $0xFFFFFF80, s17;
	[sflag:s9] =	ssyncadd.s32 $0xFFFFC400  }
0x34: {  	[tilespmem:s12], [sflag:$0x2] =	stream.indirect.gather [hbm4b:s1+s10], $0x80, s19, s10, $0xb8;
	[tilespmem:$0x8400] =	vst v63  }
0x35: {  	_ =	swait.ge [sflag:s13], $0x3C00  }
0x36: {  	[sflag:s13] =	ssyncset.done $0x0  }
0x37: {  	s18 =	sadd.s32 s18, s8;
	[sflag:s13] =	ssyncadd.s32 $0xFFFFC400  }
0x38: {  	[hbm4b:s18+s3] =	stream.linear.scatter [tilespmem:s11], [sflag:$0x3], $0x3C00, $0x38;
	[tilespmem:$0x8400] =	vst v63  }
0x39: {  	_ =	swait.ge [sflag:s9], $0x3C00  }
0x3a: {  	[sflag:s9] =	ssyncset.done $0x0  }
0x3b: {  	[sflag:s9] =	ssyncadd.s32 $0xFFFFC400  }
0x3c: {  	[tilespmem:s11], [sflag:$0x1] =	stream.indirect.gather [hbm4b:s1+s10], $0x80, s17, s10, $0xb8;
	[tilespmem:$0x8400] =	vst v63  }
0x3d: {  	_ =	swait.ge [sflag:s14], $0x3C00  }
0x3e: {  	[sflag:s14] =	ssyncset.done $0x0  }
0x3f: {  	s31 =	sadd.s32 $0x780, s18;
	[sflag:s14] =	ssyncadd.s32 $0xFFFFC400  }
0x40: {  	[hbm4b:s31+s3] =	stream.linear.scatter [tilespmem:s12], [sflag:$0x3], $0x3C00, $0x38;
	[tilespmem:$0x8400] =	vst v63  }
0x41: {  	_ =	swait.ge [sflag:s9], $0x3C00  }
0x42: {  	[sflag:s9] =	ssyncset.done $0x0  }
0x43: {  	[sflag:s9] =	ssyncadd.s32 $0xFFFFC400  }
0x44: {  	[tilespmem:s12], [sflag:$0x2] =	stream.indirect.gather [hbm4b:s1+s10], $0x80, s15, s10, $0xb8;
	[tilespmem:$0x8400] =	vst v63  }
0x45: {  	_ =	swait.ge [sflag:s13], $0x3C00  }
0x46: {  	[sflag:s13] =	ssyncset.done $0x0  }
0x47: {  	[sflag:s13] =	ssyncadd.s32 $0xFFFFC400  }
0x48: {  	[hbm4b:s6+s3] =	stream.linear.scatter [tilespmem:s11], [sflag:$0x3], $0x3C00, $0x38;
	[tilespmem:$0x8400] =	vst v63  }
0x49: {  	_ =	swait.ge [sflag:s9], $0x3C00  }
0x4a: {  	[sflag:s9] =	ssyncset.done $0x0  }
0x4b: {  	[sflag:s9] =	ssyncadd.s32 $0xFFFFC400  }
0x4c: {  	[tilespmem:s11], [sflag:$0x1] =	stream.indirect.gather [hbm4b:s1+s10], $0x80, s15, s10, $0xb8;
	[tilespmem:$0x8400] =	vst v63  }
0x4d: {  	_ =	swait.ge [sflag:s14], $0x3C00  }
0x4e: {  	[sflag:s14] =	ssyncset.done $0x0  }
0x4f: {  	s16 =	sadd.s32 $0x1, s16;
	[sflag:s14] =	ssyncadd.s32 $0xFFFFC400  }
0x50: {  	[hbm4b:s7+s3] =	stream.linear.scatter [tilespmem:s12], [sflag:$0x3], $0x3C00, $0x38;
	[tilespmem:$0x8400] =	vst v63  }
0x51: {  	p0 =	sne.s32 s16, s5;
	_ =	swait.ge [sflag:s9], $0x3C00  }
.Ltmp1:
0x52: {  	[sflag:s9] =	ssyncset.done $0x0;
	(pc) =	sbr.rel @p0 .LBB2_1-.Ltmp1, $4  }
0x53: {  	[sflag:s9] =	ssyncadd.s32 $0xFFFFC400  }
0x54: {  	_ =	swait.ge [sflag:s13], $0x3C00  }
0x55: {  	[sflag:s13] =	ssyncset.done $0x0  }
0x56: {  	[sflag:s13] =	ssyncadd.s32 $0xFFFFC400  }
0x57: {  	_ =	sfence.sel $0x180000  }
0x58: {  	[bflag:$0x0] =	sbarrier.arrive $0xFFFF  }
0x59: {  	p0 =	sne.s32 s0, $0x0;
	_ =	strace $0x9000004D  }
0x5a: {  	s0 =	sadd.s32 @!p0 $0x100000, s2;
	[bflag:$0x2] =	sbarrier.arrive $0xFFFF  }
0x5b: {  	[sflag:s0] =	ssyncadd.tile.s32 @!p0 $0x1;
	_ =	shalt  }
.Lfunc_end2:
_tile_overlayer_lowered:
.L_overlay_start_2:
0x5c: {  	(tag) =	ssettag $0x2  }
0x5d: {  	s0 =	rddreg [dreg:$0x0];
	s2 =	stileid.u32  }
0x5e: {  	s1 =	rddreg [dreg:$0x1];
	p0 =	sne.s32 s2, $0x0  }
0x5f: {  	s3 =	rddreg [dreg:$0x2];
	[bflag:$0x3] =	sbarrier.arrive $0xFFFF;
	s2 =	simm.s32 @!p0 $0x1C03  }
0x60: {  	[timem:s3], [sflag:s2] =	dma.local @!p0 [hbm:s0], s1  }
0x61: {  	s0 =	simm.s32 @!p0 $0x3  }
0x62: {  	_ =	swait.ge @!p0 [sflag:s0], s1  }
0x63: {  	s1 =	ssub.s32 @!p0 $0x0, s1;
	[sflag:s0] =	ssyncset.done @!p0 $0x0  }
0x64: {  	[sflag:s0] =	ssyncadd.s32 @!p0 s1  }
0x65: {  	[bflag:$0x3] =	sbarrier.arrive $0xFFFF  }
0x66: {  	_ =	shalt  }

// kernel: kernel.6.cloned.1.call-start
scs
__scs_entry_jumppad:
0x0: {  	(pc) =	sbr.rel $0x88, $3  }
0x1: {  	(tag) =	ssettag $0x0;
	lr =	simm.s32 $0x1  }
0x2: {  	[smem:$0x3F9D] =	sst lr;
	_ =	strace $0xD0000000  }
0x3: {  	_ = 	snop  }
0x4: {  	_ = 	snop  }
0x5: {  	_ = 	snop  }
0x6: {  	_ = 	snop  }
0x7: {  	_ = 	snop  }
__scs_overlays_trampoline_lowered:
0x8: {  	[smem:$0x3FAC] =	sst s0  }
0x9: {  	[smem:$0x3FAD] =	sst s1  }
0xa: {  	[smem:$0x3FAE] =	sst s2  }
0xb: {  	[smem:$0x3FAF] =	sst s3  }
0xc: {  	[smem:$0x3FB0] =	sst s4  }
0xd: {  	[smem:$0x3FB1] =	sst s5  }
0xe: {  	[smem:$0x3FB2] =	sst s6  }
0xf: {  	[smem:$0x3FB3] =	sst s7  }
0x10: {  	[smem:$0x3FB4] =	sst s8  }
0x11: {  	[smem:$0x3FB5] =	sst s9;
	s0 =	simm.s32 @!p0 $0x0  }
0x12: {  	s1 =	sld [smem:$0x3F9B];
	s0 =	simm.s32 @p0 $0x1  }
0x13: {  	[smem:$0x3FB6] =	sst s0;
	s0 =	simm.s32 @!p1 $0x0  }
0x14: {  	s2 =	sld [smem:$0x3F9A];
	s0 =	simm.s32 @p1 $0x1  }
0x15: {  	[smem:$0x3FB7] =	sst s0;
	s0 =	simm.s32 @!p2 $0x0  }
0x16: {  	s3 =	sld [smem:$0x3FDB];
	s0 =	simm.s32 @p2 $0x1  }
0x17: {  	s4 =	simm.s32 $0x1BF5;
	[smem:$0x3FB9] =	sst s0  }
0x18: {  	s0 =	sld [smem:$0x3F9C];
	_ =	swait.ge [sflag:s4], $0x0  }
0x19: {  	s7 =	sld [smem:$0x3F9D]  }
0x1a: {  	s8 =	sadd.s32 $0xFFFFE003, lr  }
0x1b: {  	s9 =	sadd.s32 $0xFFFFFEF7, lr;
	s5 =	simm.s32 $0xFFFFFFFF;
	p2 =	slt.u32 s8, $0xFFFFF086  }
0x1c: {  	p1 =	slt.u32 s9, $0xF7A;
	s5 =	simm.s32 @!p2 $0x0  }
0x1d: {  	s5 =	simm.s32 @p1 $0x1;
	p0 =	seq.s32 s7, s2  }
0x1e: {  	s7 =	smul.u32 @!p0 $0xF7A, s2;
	p2 =	seq.s32 @!p0 s5, $0x0  }
0x1f: {  	s9 =	smul.u32 $0xF7A, s1;
	s8 =	simm.s32 @!p0 $0x1BF5;
	p2 =	por !p2, p0  }
0x20: {  	[sflag:s8] =	ssyncset.s32 @!p0 $0xFFFFF086;
	s6 =	sadd.s32 @!p0 s3, s7;
	s7 =	simm.s32 @!p0 $0x108  }
0x21: {  	s3 =	sadd.s32 s3, s9;
	s6 =	sadd.s32 @!p0 $0x88, s6;
	s7 =	simm.s32 @p2 $0x1082  }
0x22: {  	[simem:s7], [sflag:s8] =	dma.local @!p0 [hbm:s6], $0xF7A  }
0x23: {  	s9 =	sor.u32 $0xD0000000, s2;
	s6 =	simm.s32 $0x108;
	_ =	swait.ge @!p0 [sflag:s8], $0x0  }
0x24: {  	s3 =	sadd.s32 $0x88, s3;
	s6 =	simm.s32 @!p1 $0x1082;
	[sflag:s4] =	ssyncset.s32 $0xFFFFF086  }
0x25: {  	[simem:s6], [sflag:s4] =	dma.local [hbm:s3], $0xF7A  }
0x26: {  	[smem:$0x3F9D] =	sst s1;
	(tag) =	ssettag s2;
	_ =	strace s9  }
0x27: {  	s1 =	sld [smem:$0x3FAD]  }
0x28: {  	s2 =	sld [smem:$0x3FAE]  }
0x29: {  	s4 =	sld [smem:$0x3FB0]  }
0x2a: {  	p0 =	seq.s32 s5, $0x0;
	s5 =	sld [smem:$0x3FB1]  }
0x2b: {  	s6 =	sld [smem:$0x3FB2]  }
0x2c: {  	s7 =	sld [smem:$0x3FB3]  }
0x2d: {  	s3 =	simm.s32 $0x108;
	s8 =	sld [smem:$0x3FB4]  }
0x2e: {  	s3 =	simm.s32 @!p0 $0x1082;
	s9 =	sld [smem:$0x3FB5]  }
0x2f: {  	lr =	sadd.s32 s0, s3;
	s0 =	sld [smem:$0x3FAC]  }
0x30: {  	s3 =	sld [smem:$0x3FAF]  }
0x31: {  	[smem:$0x3FB8] =	sst s10  }
0x32: {  	s10 =	sld [smem:$0x3FB6];
	_ =	sdelay $0x3  }
0x33: {  	p0 =	seq.s32 s10, $0x1;
	s10 =	sld [smem:$0x3FB8];
	_ =	sdelay $0x3  }
0x34: {  	[smem:$0x3FB8] =	sst s10  }
0x35: {  	s10 =	sld [smem:$0x3FB7];
	_ =	sdelay $0x3  }
0x36: {  	p1 =	seq.s32 s10, $0x1;
	s10 =	sld [smem:$0x3FB8];
	_ =	sdelay $0x3  }
0x37: {  	[smem:$0x3FB8] =	sst s10  }
0x38: {  	s10 =	sld [smem:$0x3FB9]  }
0x39: {  	_ = 	snop;
	(pc) =	sbr.ind lr, $3  }
0x3a: {  	_ = 	snop  }
0x3b: {  	_ = 	snop  }
0x3c: {  	p2 =	seq.s32 s10, $0x1;
	s10 =	sld [smem:$0x3FB8]  }
0x3d: {  	_ =	shalt  }
0x3e: {  	_ =	shalt  }
0x3f: {  	_ =	shalt  }
0x40: {  	_ =	shalt  }
0x41: {  	_ =	shalt  }
0x42: {  	_ =	shalt  }
0x43: {  	_ =	shalt  }
0x44: {  	_ =	shalt  }
0x45: {  	_ =	shalt  }
0x46: {  	_ =	shalt  }
0x47: {  	_ =	shalt  }
0x48: {  	_ =	shalt  }
0x49: {  	_ =	shalt  }
0x4a: {  	_ =	shalt  }
0x4b: {  	_ =	shalt  }
0x4c: {  	_ =	shalt  }
0x4d: {  	_ =	shalt  }
0x4e: {  	_ =	shalt  }
0x4f: {  	_ =	shalt  }
0x50: {  	_ =	shalt  }
0x51: {  	_ =	shalt  }
0x52: {  	_ =	shalt  }
0x53: {  	_ =	shalt  }
0x54: {  	_ =	shalt  }
0x55: {  	_ =	shalt  }
0x56: {  	_ =	shalt  }
0x57: {  	_ =	shalt  }
0x58: {  	_ =	shalt  }
0x59: {  	_ =	shalt  }
0x5a: {  	_ =	shalt  }
0x5b: {  	_ =	shalt  }
0x5c: {  	_ =	shalt  }
0x5d: {  	_ =	shalt  }
0x5e: {  	_ =	shalt  }
0x5f: {  	_ =	shalt  }
0x60: {  	_ =	shalt  }
0x61: {  	_ =	shalt  }
0x62: {  	_ =	shalt  }
0x63: {  	_ =	shalt  }
0x64: {  	_ =	shalt  }
0x65: {  	_ =	shalt  }
0x66: {  	_ =	shalt  }
0x67: {  	_ =	shalt  }
0x68: {  	_ =	shalt  }
0x69: {  	_ =	shalt  }
0x6a: {  	_ =	shalt  }
0x6b: {  	_ =	shalt  }
0x6c: {  	_ =	shalt  }
0x6d: {  	_ =	shalt  }
0x6e: {  	_ =	shalt  }
0x6f: {  	_ =	shalt  }
0x70: {  	_ =	shalt  }
0x71: {  	_ =	shalt  }
0x72: {  	_ =	shalt  }
0x73: {  	_ =	shalt  }
0x74: {  	_ =	shalt  }
0x75: {  	_ =	shalt  }
0x76: {  	_ =	shalt  }
0x77: {  	_ =	shalt  }
0x78: {  	_ =	shalt  }
0x79: {  	_ =	shalt  }
0x7a: {  	_ =	shalt  }
0x7b: {  	_ =	shalt  }
0x7c: {  	_ =	shalt  }
0x7d: {  	_ =	shalt  }
0x7e: {  	_ =	shalt  }
0x7f: {  	_ =	shalt  }
0x80: {  	_ =	shalt  }
0x81: {  	_ =	shalt  }
0x82: {  	_ =	shalt  }
0x83: {  	_ =	shalt  }
0x84: {  	_ =	shalt  }
0x85: {  	_ =	shalt  }
0x86: {  	_ =	shalt  }
0x87: {  	_ =	shalt  }
.Lfunc_end0:
.L_simem_size_0:
called_computation_lowered:
.L_overlay_start_0:
0x88: {  	s2 =	sld [smem:$0x3FD9]  }
0x89: {  	s3 =	sld [smem:$0x3FFE];
	_ =	sdelay $0x1  }
0x8a: {  	s1 =	srdreg.scid  }
0x8b: {  	s0 =	sand.u32 $0x1, s1  }
0x8c: {  	s17 =	sshll.u32 s0, $0xA;
	s2 =	sadd.s32 s3, s2  }
0x8d: {  	s2 =	sadd.s32 s2, s17  }
0x8e: {  	[smem:$0x3FC4] =	sst s2  }
0x8f: {  	_ = 	snop  }
0x90: {  	s2 =	sld [smem:$0x3FD0];
	(tm) =	ssettm $0x1  }
0x91: {  	s18 =	sld [smem:$0x3FFB];
	_ =	sdelay $0x3  }
0x92: {  	_ =	strace s18  }
0x93: {  	s3 =	sld [smem:$0x3FFC];
	_ =	sdelay $0x3  }
0x94: {  	_ =	strace s3  }
0x95: {  	s3 =	sld [smem:$0x3FFD];
	_ =	sdelay $0x3  }
0x96: {  	_ =	strace s3  }
0x97: {  	_ =	strace $0x8FFFFFFF  }
0x98: {  	s19 =	sld [smem:$0x3FDB];
	_ =	sdelay $0x1  }
0x99: {  	s4 =	simm.s32 $_scs_section_size  }
0x9a: {  	s5 =	simm.s32 $_size__tile_overlayer_lowered;
	s6 =	simm.s32 $_tile_overlayer_lowered  }
0x9b: {  	s22 =	simm.s32 $0x1BFF;
	s21 =	sshll.u32 s6, $0x1;
	s3 =	sadd.s32 s4, s19  }
0x9c: {  	s7 =	simm.s32 $0x0;
	s20 =	sshll.u32 s5, $0x1;
	s5 =	sadd.s32 s21, s3  }
0x9d: {  	[timem:s7], [sflag:s22] =	dma.local [hbm:s5], s20  }
0x9e: {  	_ =	swait.ge [sflag:s22], s20  }
0x9f: {  	s4 =	ssub.s32 $0x0, s20;
	[sflag:s22] =	ssyncset.done $0x0  }
0xa0: {  	[sflag:s22] =	ssyncadd.s32 s4;
	_ =	sdelay $0x1  }
0xa1: {  	s23 =	simm.s32 $0x1B8B  }
0xa2: {  	_ =	swait.ge [sflag:s23], $0x1  }
0xa3: {  	[sflag:s23] =	ssyncset.done $0x0  }
0xa4: {  	s25 =	simm.s32 $0x1B8E;
	s24 =	sld [smem:$0x3FFE];
	[sflag:s23] =	ssyncadd.s32 $0xFFFFFFFF  }
0xa5: {  	s26 =	simm.s32 $execute0_lowered;
	[smem:$0x3FD2] =	sst s25  }
0xa6: {  	s5 =	sshll.u32 s26, $0x1;
	_ =	strace $0x80000046;
	[dreg:$0x1] =	wrdreg $0xFFFFFFFF  }
0xa7: {  	s28 =	simm.s32 $_size_execute0_lowered;
	s3 =	sadd.s32 s3, s5;
	[dreg:$0x0] =	wrdreg $0x0  }
0xa8: {  	s5 =	sshll.u32 s28, $0x1;
	[dreg:$0x2] =	wrdreg s3  }
0xa9: {  	[dreg:$0x3] =	wrdreg s5  }
0xaa: {  	[dreg:$0x4] =	wrdreg $0xC0  }
0xab: {  	_ =	task [dreg:s7], $0x5FFFF  }
0xac: {  	[dreg:$0x1] =	wrdreg $0xFFFFFFFF  }
0xad: {  	[dreg:$0x0] =	wrdreg $0x60  }
0xae: {  	[dreg:$0x2] =	wrdreg s2  }
0xaf: {  	[dreg:$0x3] =	wrdreg s24  }
0xb0: {  	[dreg:$0x4] =	wrdreg $0x9  }
0xb1: {  	_ =	task.clear_ibuf [dreg:s7], $0x5FFFF;
	_ =	strace $0x90000046  }
0xb2: {  	s29 =	simm.s32 $0x9;
	_ =	strace $0x80000048  }
0xb3: {  	_ =	swait.ge [sflag:s29], $0x1  }
0xb4: {  	[sflag:s29] =	ssyncadd.s32 $0xFFFFFFFF  }
0xb5: {  	_ =	strace $0x90000048  }
0xb6: {  	_ =	sfence  }
0xb7: {  	s30 =	sld [smem:$0x0];
	_ =	sdelay $0x2  }
0xb8: {  	s31 =	sshll.u32 s1, $0xD;
	s1 =	sshrl.u32 s1, $0x2  }
0xb9: {  	s3 =	sand.u32 $0x4000, s31;
	s1 =	sadd.s32 s1, s30  }
0xba: {  	s0 =	sor.u32 s3, s0;
	s1 =	sshll.u32 s1, $0x11  }
0xbb: {  	s0 =	sor.u32 s1, s0  }
0xbc: {  	s0 =	sadd.s32 $0x8F2B, s0  }
0xbd: {  	[sflag:s0] =	ssyncadd.remote.s32 $0x1  }
0xbe: {  	_ =	sfence.sel $0xFFFF  }
0xbf: {  	[dreg:$0x0] =	wrdreg $0xFFFFFFFF;
	(pc) =	sbr.abs _section_cstart, $3  }
0xc0: {  	[dreg:$0x1] =	wrdreg $0xFFFFFFFF  }
0xc1: {  	_ =	task.clear_ibuf [dreg:s7], $0x2FFFF;
	_ =	strace $0x9FFFFFFF  }
0xc2: {  	(tm) =	ssettm $0x7FFFFFFF  }
0xc3: {  	_ =	shalt  }
tec
execute0_lowered:
.L_overlay_start_1:
0x0: {  	(tag) =	ssettag $0x1  }
0x1: {  	s1 =	srdreg.scid;
	s0 =	stileid.u32  }
0x2: {  	s3 =	rddreg [dreg:$0x0];
	s5 =	sand.u32 $0x1, s1;
	s2 =	sshll.u32 s0, $0x1  }
0x3: {  	s4 =	rddreg [dreg:$0x1];
	vm13 =	vmmov $0x1;
	v2 =	vimm.s32 $0x0;
	s6 =	sor.u32 s5, s2;
	s2 =	simm.s32 $0x0  }
0x4: {  	v2 =	vsel vm13, $0xFFFFFFFF, v2;
	[smem:$0x7FF] =	sst s2  }
0x5: {  	vm10 =	vmmov $0xf;
	s1 =	rddreg [dreg:$0x2];
	_ =	strace $0x80000047;
	[tilespmem:$0x1FF40] =	vst v2;
	v2 =	vimm.s32 $0x0  }
0x6: {  	v2 =	vsel vm10, $0xFFFFFFFF, v2  }
0x7: {  	vm0 =	vmmov $0xff;
	[tilespmem:$0x1FF50] =	vst v2;
	v2 =	vimm.s32 $0x0  }
0x8: {  	v2 =	vsel vm0, $0xFFFFFFFF, v2  }
0x9: {  	vm2 =	vmmov $0x1ff;
	[tilespmem:$0x1FF60] =	vst v2;
	v2 =	vimm.s32 $0x0  }
0xa: {  	v2 =	vsel vm2, $0xFFFFFFFF, v2  }
0xb: {  	vm3 =	vmmov $0x3ff;
	[tilespmem:$0x1FF70] =	vst v2;
	v2 =	vimm.s32 $0x0  }
0xc: {  	v2 =	vsel vm3, $0xFFFFFFFF, v2  }
0xd: {  	vm4 =	vmmov $0x7ff;
	[tilespmem:$0x1FF80] =	vst v2;
	v2 =	vimm.s32 $0x0  }
0xe: {  	v2 =	vsel vm4, $0xFFFFFFFF, v2  }
0xf: {  	vm5 =	vmmov $0xfff;
	[tilespmem:$0x1FF90] =	vst v2;
	v2 =	vimm.s32 $0x0  }
0x10: {  	v2 =	vsel vm5, $0xFFFFFFFF, v2  }
0x11: {  	vm6 =	vmmov $0x1fff;
	[tilespmem:$0x1FFA0] =	vst v2;
	v2 =	vimm.s32 $0x0  }
0x12: {  	v2 =	vsel vm6, $0xFFFFFFFF, v2  }
0x13: {  	vm7 =	vmmov $0x3fff;
	[tilespmem:$0x1FFB0] =	vst v2;
	v2 =	vimm.s32 $0x0  }
0x14: {  	v2 =	vsel vm7, $0xFFFFFFFF, v2  }
0x15: {  	vm8 =	vmmov $0x7fff;
	[tilespmem:$0x1FFC0] =	vst v2;
	v2 =	vimm.s32 $0x0  }
0x16: {  	v2 =	vsel vm8, $0xFFFFFFFF, v2  }
0x17: {  	vm1 =	vmmov $0x3f;
	s5 =	ssub.s32 $0x2, s5;
	s7 =	smul.u32 $0x272, s6;
	[tilespmem:$0x1FFD0] =	vst v2;
	v2 =	vimm.s32 $0x0  }
0x18: {  	s8 =	sshrl.u32 s5, $0x1;
	s6 =	smul.u32 $0x500, s6;
	v2 =	vsel vm1, $0xFFFFFFFF, v2  }
0x19: {  	vm15 =	vmmov $0x7f;
	s5 =	ssub.s32 s5, s8;
	[tilespmem:$0x1FFE0] =	vst v2;
	v2 =	vimm.s32 $0x0  }
0x1a: {  	v0 =	vimm.s32 $0x0;
	v1 =	vlaneseq.u32;
	s8 =	simm.s32 $0x0;
	s3 =	sadd.s32 s3, s7;
	s4 =	sadd.s32 s4, s6;
	v2 =	vsel vm15, $0xFFFFFFFF, v2  }
0x1b: {  	vm9 =	vmmov $0x3;
	vm11 =	vmmov $0x7;
	vm12 =	vmmov $0x1f;
	s5 =	smax.u32 s5, $0x1;
	s6 =	simm.s32 $0x1;
	s7 =	simm.s32 $0x1400;
	[tilespmem:$0x1FFF0] =	vst v2  }
.LBB2_1:
0x1c: {  	s9 =	simm.s32 $0x0;
	s10 =	simm.s32 $0x200  }
.LBB2_2:
0x1d: {  	p0 =	sne.s32 s10, $0x9E00;
	[tilespmem:s9+$0x1470] =	vst v0  }
0x1e: {  	[tilespmem:s9+$0x1400] =	vst v0  }
0x1f: {  	[tilespmem:s9+$0x1410] =	vst v0  }
.Ltmp0:
0x20: {  	[tilespmem:s9+$0x1420] =	vst v0;
	(pc) =	sbr.rel @p0 .LBB2_2-.Ltmp0, $4  }
0x21: {  	[tilespmem:s9+$0x1430] =	vst v0  }
0x22: {  	[tilespmem:s9+$0x1440] =	vst v0  }
0x23: {  	[tilespmem:s9+$0x1450] =	vst v0  }
0x24: {  	[tilespmem:s9+$0x1460] =	vst v0;
	s9 =	sshra.s32 s10, $0x2;
	s10 =	sadd.s32 $0x200, s10  }
0x25: {  	[tilespmem:s9+$0x1470] =	vst v0  }
0x26: {  	[tilespmem:s9+$0x1400] =	vst v0  }
0x27: {  	[tilespmem:s9+$0x1410] =	vst v0  }
0x28: {  	[tilespmem:s9+$0x1420] =	vst v0  }
0x29: {  	[tilespmem:s9+$0x1430] =	vst v0  }
0x2a: {  	[tilespmem:s9+$0x1440] =	vst v0  }
0x2b: {  	[tilespmem:s9+$0x1450] =	vst v0  }
0x2c: {  	[tilespmem:s9+$0x1460] =	vst v0;
	s30 =	simm.s32 $0x0  }
0x2d: {  	[tilespmem:s30], [sflag:$0x1] =	stream.linear.gather [hbm4b:s3+s30], $0x1390, $0x38;
	[tilespmem:$0x3C00] =	vst v63  }
0x2e: {  	_ =	swait.ge [sflag:s6], $0x1390  }
0x2f: {  	[sflag:s6] =	ssyncset.done $0x0  }
0x30: {  	s31 =	simm.s32 $0x0;
	[sflag:s6] =	ssyncadd.s32 $0xFFFFEC70  }
0x31: {  	v2 =	vld [tilespmem:s31+$0x0];
	_ =	sdelay $0x4  }
0x32: {  	v10 =	vbroadcast v2, $0xE;
	v11 =	vbroadcast v2, $0xF  }
0x33: {  	v12 =	vbroadcast v2, $0xC;
	v13 =	vbroadcast v2, $0xD  }
0x34: {  	v14 =	vbroadcast v2, $0xA;
	v15 =	vbroadcast v2, $0xB  }
0x35: {  	v16 =	vbroadcast v2, $0x8;
	v17 =	vbroadcast v2, $0x9  }
0x36: {  	v8 =	vbroadcast v2, $0x0;
	v18 =	vbroadcast v2, $0x7  }
0x37: {  	v3 =	vbroadcast v2, $0x5;
	v9 =	vbroadcast v2, $0x6  }
0x38: {  	v7 =	vbroadcast v2, $0x3;
	v5 =	vbroadcast v2, $0x4  }
0x39: {  	v6 =	vbroadcast v2, $0x1;
	v4 =	vbroadcast v2, $0x2  }
0x3a: {  	vm2 =	veq.s32 v2, v13;
	vm3 =	veq.s32 v2, v10;
	vm4 =	veq.s32 v2, v11  }
0x3b: {  	vm0 =	veq.s32 v2, v14;
	vm6 =	veq.s32 v2, v15;
	vm7 =	veq.s32 v2, v12  }
0x3c: {  	s9 =	simm.s32 $0x40;
	vm14 =	veq.s32 v2, v18;
	vm8 =	veq.s32 v2, v16;
	vm5 =	veq.s32 v2, v17  }
.LBB2_4:
0x3d: {  	vm1 =	veq.s32 v2, v8;
	v8 =	vimm.s32 $0x0  }
0x3e: {  	v8 =	vsel vm1, $0xFFFFFFFF, v8;
	vm1 =	veq.s32 v2, v3;
	v3 =	vimm.s32 $0x0  }
0x3f: {  	vm13 =	vmmov vm12;
	v10 =	vsel vm0, $0x1, v0;
	v20 =	vld [tilespmem:$0x1FF60];
	v3 =	vsel vm1, $0xFFFFFFFF, v3  }
0x40: {  	v13 =	vsel vm14, $0x1, v0;
	v21 =	vld [tilespmem:$0x1FF70];
	vm10 =	veq.s32 v2, v6;
	[tilespmem:$0x1FF10] =	vst v3;
	v3 =	vimm.s32 $0x0  }
0x41: {  	v22 =	vld [tilespmem:$0x1FF80];
	vm12 =	veq.s32 v2, v5;
	vm15 =	veq.s32 v2, v4;
	[tilespmem:$0x1FF00] =	vst v8;
	v3 =	vsel vm10, $0xFFFFFFFF, v3  }
0x42: {  	v4 =	vsel vm4, $0x1, v0;
	v5 =	vsel vm6, $0x1, v0;
	v11 =	vld [tilespmem:$0x1FF00];
	[tilespmem:$0x1FF20] =	vst v3;
	v3 =	vimm.s32 $0x0  }
0x43: {  	v6 =	vsel vm7, $0x1, v0;
	v54 =	vsel vm12, $0x1, v0;
	v16 =	vld [tilespmem:$0x1FF10];
	v3 =	vsel vm15, $0xFFFFFFFF, v3  }
0x44: {  	vm12 =	vmmov vm13;
	vm1 =	vmmov vm9;
	vm9 =	veq.s32 v2, v9;
	v17 =	vld [tilespmem:$0x1FF20];
	[tilespmem:$0x1FF30] =	vst v3  }
0x45: {  	v8 =	vsel vm8, $0x1, v0;
	v9 =	vsel vm5, $0x1, v0;
	v53 =	vsel vm9, $0x1, v0;
	v18 =	vld [tilespmem:$0x1FF30]  }
0x46: {  	v12 =	vld [tilespmem:$0x1FF40];
	vm9 =	vmmov vm1;
	vm10 =	vmmov vm11;
	vm11 =	veq.s32 v2, v7  }
0x47: {  	v15 =	vld [tilespmem:$0x1FF50];
	v7 =	vsel vm2, $0x1, v0;
	vm4 =	vnez.u8 v20;
	vm5 =	vnez.u8 v21  }
0x48: {  	vm6 =	vnez.u8 v22;
	v14 =	vsel vm11, $0x1, v0;
	vm1 =	vnez.u8 v16  }
0x49: {  	v25 =	vld [tilespmem:$0x1FFE0];
	vm11 =	vmmov vm10;
	v16 =	vsel vm1, $0x1, v0;
	vm1 =	vnez.u8 v17  }
0x4a: {  	vm0 =	vnez.u8 v11;
	v17 =	vsel vm1, $0x1, v0;
	vm1 =	vnez.u8 v18  }
0x4b: {  	v26 =	vld [tilespmem:$0x1FFF0];
	v11 =	vsel vm0, $0x1, v0;
	vm0 =	vnez.u8 v12;
	v18 =	vsel vm1, $0x1, v0  }
0x4c: {  	vm10 =	vnez.u8 v15;
	v27 =	vnsel vm0, $0x0, v17;
	v28 =	vnsel vm9, $0x0, v18  }
0x4d: {  	v29 =	vsel vm10, $0x0, v14;
	v14 =	vnsel vm11, $0x0, v14;
	v27 =	vadd.s32 v28, v27  }
0x4e: {  	vm2 =	vnez.u8 v25;
	v15 =	vnsel vm10, $0x0, v54;
	v14 =	vadd.s32 v14, v27  }
0x4f: {  	v19 =	vld [tilespmem:$0x1FF90];
	v3 =	vsel vm3, $0x1, v0;
	v55 =	vnsel vm12, $0x0, v16;
	v14 =	vadd.s32 v15, v14  }
0x50: {  	vm3 =	vnez.u8 v26;
	v12 =	vnsel vm2, $0x0, v53;
	v14 =	vadd.s32 v55, v14  }
0x51: {  	v20 =	vsel vm4, $0x0, v13;
	v13 =	vnsel vm3, $0x0, v13;
	v12 =	vadd.s32 v12, v14  }
0x52: {  	v21 =	vsel vm5, $0x0, v8;
	v8 =	vnsel vm4, $0x0, v8;
	v12 =	vadd.s32 v13, v12  }
0x53: {  	v22 =	vsel vm6, $0x0, v9;
	v9 =	vnsel vm5, $0x0, v9;
	v8 =	vadd.s32 v8, v12  }
0x54: {  	vm7 =	vnez.u8 v19;
	v8 =	vadd.s32 v9, v8;
	v9 =	vnsel vm6, $0x0, v10  }
0x55: {  	v8 =	vadd.s32 v9, v8;
	v9 =	vnsel vm7, $0x0, v5  }
0x56: {  	v8 =	vadd.s32 v9, v8;
	v9 =	vld [tilespmem:$0x1FFA0];
	_ =	sdelay $0x4  }
0x57: {  	v24 =	vsel vm13, $0x0, v54;
	vm13 =	vmmov vm0;
	vm0 =	vnez.u8 v9  }
0x58: {  	v23 =	vld.idx.msk [tilespmem:v2+s7+$0x0], $0xffff;
	v9 =	vnsel vm0, $0x0, v6  }
0x59: {  	v8 =	vadd.s32 v9, v8;
	v9 =	vld [tilespmem:$0x1FFB0];
	_ =	sdelay $0x3  }
0x5a: {  	v25 =	vsel vm2, $0x0, v16;
	v17 =	vsel vm9, $0x0, v17;
	vm1 =	veq.s32 v1, $0x0  }
0x5b: {  	v56 =	vadd.s32 v17, v23;
	v11 =	vsel vm1, $0x0, v11;
	vm2 =	vnez.u8 v9  }
0x5c: {  	v18 =	vsel vm11, $0x0, v18;
	v11 =	vadd.s32 v11, v56;
	v9 =	vnsel vm2, $0x0, v7  }
0x5d: {  	v11 =	vadd.s32 v18, v11;
	v8 =	vadd.s32 v9, v8;
	v9 =	vld [tilespmem:$0x1FFC0]  }
0x5e: {  	v11 =	vadd.s32 v29, v11  }
0x5f: {  	v19 =	vsel vm7, $0x0, v10;
	v10 =	vadd.s32 v24, v11  }
0x60: {  	v26 =	vsel vm3, $0x0, v53;
	v10 =	vadd.s32 v25, v10  }
0x61: {  	v10 =	vadd.s32 v26, v10  }
0x62: {  	v10 =	vadd.s32 v20, v10;
	vm3 =	vnez.u8 v9  }
0x63: {  	vm15 =	veq.s32 v1, $0xF;
	v10 =	vadd.s32 v21, v10;
	v9 =	vnsel vm3, $0x0, v3  }
0x64: {  	v4 =	vsel vm15, $0x0, v4;
	v8 =	vadd.s32 v9, v8;
	v9 =	vadd.s32 v22, v10  }
0x65: {  	v5 =	vsel vm0, $0x0, v5;
	v4 =	vadd.s32 v4, v8;
	v8 =	vadd.s32 v19, v9  }
0x66: {  	v6 =	vsel vm2, $0x0, v6;
	v5 =	vadd.s32 v5, v8  }
0x67: {  	v5 =	vadd.s32 v6, v5;
	v6 =	vld [tilespmem:$0x1FFD0];
	_ =	sdelay $0x3  }
0x68: {  	vm0 =	veq.s32 v4, $0x0  }
0x69: {  	v7 =	vsel vm3, $0x0, v7;
	vm2 =	vnez.u8 v6  }
0x6a: {  	v5 =	vadd.s32 v7, v5;
	v3 =	vsel vm2, $0x0, v3  }
0x6b: {  	v3 =	vadd.s32 v3, v5  }
0x6c: {  	v3 =	vadd.s32 v4, v3  }
0x6d: {  	v3 =	vadd.s32 $0x1, v3  }
0x6e: {  	s10 =	sshra.s32 s9, $0x2;
	[tilespmem:v2+s7+$0x0] =	vst.idx.msk vm0, v3  }
0x6f: {  	v2 =	vld [tilespmem:s10+$0x0];
	_ =	sdelay $0x4  }
0x70: {  	v10 =	vbroadcast v2, $0xE;
	v11 =	vbroadcast v2, $0xF  }
0x71: {  	v57 =	vbroadcast v2, $0xC;
	v58 =	vbroadcast v2, $0xD  }
0x72: {  	v59 =	vbroadcast v2, $0xA;
	v60 =	vbroadcast v2, $0xB  }
0x73: {  	v61 =	vbroadcast v2, $0x8;
	v62 =	vbroadcast v2, $0x9  }
0x74: {  	v8 =	vbroadcast v2, $0x0;
	v63 =	vbroadcast v2, $0x7  }
0x75: {  	p0 =	sne.s32 s9, $0x4E00;
	v3 =	vbroadcast v2, $0x5;
	v9 =	vbroadcast v2, $0x6  }
.Ltmp1:
0x76: {  	v7 =	vbroadcast v2, $0x3;
	v5 =	vbroadcast v2, $0x4;
	(pc) =	sbr.rel @p0 .LBB2_4-.Ltmp1, $4  }
0x77: {  	v6 =	vbroadcast v2, $0x1;
	v4 =	vbroadcast v2, $0x2  }
0x78: {  	vm2 =	veq.s32 v2, v58;
	vm3 =	veq.s32 v2, v10;
	vm4 =	veq.s32 v2, v11  }
0x79: {  	vm0 =	veq.s32 v2, v59;
	vm6 =	veq.s32 v2, v60;
	vm7 =	veq.s32 v2, v57  }
0x7a: {  	s9 =	sadd.s32 $0x40, s9;
	vm14 =	veq.s32 v2, v63;
	vm8 =	veq.s32 v2, v61;
	vm5 =	veq.s32 v2, v62  }
0x7b: {  	v10 =	vsel vm3, $0x1, v0;
	v11 =	vsel vm4, $0x1, v0;
	v12 =	vsel vm6, $0x1, v0  }
0x7c: {  	v13 =	vsel vm7, $0x1, v0;
	v14 =	vsel vm2, $0x1, v0;
	v15 =	vsel vm8, $0x1, v0;
	v19 =	vld [tilespmem:$0x1FF90]  }
0x7d: {  	vm6 =	veq.s32 v2, v8;
	v43 =	vsel vm5, $0x1, v0;
	vm7 =	veq.s32 v2, v9;
	v20 =	vld [tilespmem:$0x1FF60]  }
0x7e: {  	v44 =	vsel vm0, $0x1, v0;
	vm5 =	veq.s32 v2, v7;
	v45 =	vsel vm14, $0x1, v0;
	v21 =	vld [tilespmem:$0x1FF70]  }
0x7f: {  	vm4 =	veq.s32 v2, v6;
	v22 =	vld [tilespmem:$0x1FF80];
	v16 =	vsel vm6, $0x1, v0;
	v17 =	vsel vm7, $0x1, v0  }
0x80: {  	v23 =	vld.idx.msk [tilespmem:v2+s7+$0x0], $0xffff;
	vm6 =	veq.s32 v2, v5;
	v46 =	vsel vm5, $0x1, v0;
	vm7 =	veq.s32 v2, v3  }
0x81: {  	v25 =	vld [tilespmem:$0x1FFE0];
	vm5 =	veq.s32 v2, v4;
	v48 =	vsel vm4, $0x1, v0;
	v59 =	vsel vm15, $0x0, v11  }
0x82: {  	v26 =	vld [tilespmem:$0x1FFF0];
	v3 =	vsel vm6, $0x1, v0;
	v47 =	vsel vm7, $0x1, v0;
	v18 =	vsel vm5, $0x1, v0  }
0x83: {  	v56 =	vld [tilespmem:$0x1FFA0];
	v16 =	vsel vm1, $0x0, v16;
	v27 =	vnsel vm13, $0x0, v48;
	v29 =	vsel vm10, $0x0, v46  }
0x84: {  	v58 =	vld [tilespmem:$0x1FFC0];
	v5 =	vnsel vm11, $0x0, v46;
	v4 =	vsel vm9, $0x0, v48;
	v24 =	vsel vm12, $0x0, v3  }
0x85: {  	v28 =	vnsel vm9, $0x0, v18;
	v18 =	vsel vm11, $0x0, v18;
	v3 =	vnsel vm10, $0x0, v3  }
0x86: {  	v49 =	vnsel vm12, $0x0, v47;
	v27 =	vadd.s32 v28, v27;
	vm0 =	vnez.u8 v19  }
0x87: {  	vm3 =	vnez.u8 v20;
	vm4 =	vnez.u8 v21;
	vm5 =	vnez.u8 v22  }
0x88: {  	vm6 =	vnez.u8 v25;
	vm7 =	vnez.u8 v26;
	v5 =	vadd.s32 v5, v27  }
0x89: {  	v4 =	vadd.s32 v4, v23;
	vm2 =	vnez.u8 v56;
	vm14 =	vnez.u8 v58  }
0x8a: {  	v20 =	vsel vm3, $0x0, v45;
	v21 =	vsel vm4, $0x0, v15;
	v22 =	vsel vm5, $0x0, v43  }
0x8b: {  	v25 =	vsel vm6, $0x0, v47;
	v26 =	vsel vm7, $0x0, v17;
	v3 =	vadd.s32 v3, v5  }
0x8c: {  	v50 =	vnsel vm6, $0x0, v17;
	v51 =	vnsel vm7, $0x0, v45;
	v3 =	vadd.s32 v49, v3  }
0x8d: {  	v57 =	vld [tilespmem:$0x1FFB0];
	v4 =	vadd.s32 v16, v4;
	v52 =	vnsel vm3, $0x0, v15;
	v3 =	vadd.s32 v50, v3  }
0x8e: {  	v53 =	vnsel vm4, $0x0, v43;
	v4 =	vadd.s32 v18, v4;
	v3 =	vadd.s32 v51, v3  }
0x8f: {  	v54 =	vnsel vm5, $0x0, v44;
	v4 =	vadd.s32 v29, v4;
	v3 =	vadd.s32 v52, v3  }
0x90: {  	v55 =	vnsel vm0, $0x0, v12;
	v4 =	vadd.s32 v24, v4;
	v3 =	vadd.s32 v53, v3  }
0x91: {  	v5 =	vnsel vm2, $0x0, v13;
	v4 =	vadd.s32 v25, v4;
	v3 =	vadd.s32 v54, v3  }
0x92: {  	vm3 =	vnez.u8 v57;
	v4 =	vadd.s32 v26, v4;
	v3 =	vadd.s32 v55, v3  }
0x93: {  	v63 =	vld [tilespmem:$0x1FFD0];
	v4 =	vadd.s32 v20, v4;
	v3 =	vadd.s32 v5, v3;
	v5 =	vnsel vm3, $0x0, v14  }
0x94: {  	v4 =	vadd.s32 v21, v4;
	v3 =	vadd.s32 v5, v3;
	v5 =	vnsel vm14, $0x0, v10  }
0x95: {  	v19 =	vsel vm0, $0x0, v44;
	v4 =	vadd.s32 v22, v4;
	v3 =	vadd.s32 v5, v3  }
0x96: {  	v60 =	vsel vm2, $0x0, v12;
	v4 =	vadd.s32 v19, v4;
	v3 =	vadd.s32 v59, v3  }
0x97: {  	v61 =	vsel vm3, $0x0, v13;
	v4 =	vadd.s32 v60, v4;
	vm5 =	veq.s32 v3, $0x0  }
0x98: {  	vm8 =	vnez.u8 v63;
	v62 =	vsel vm14, $0x0, v14;
	v4 =	vadd.s32 v61, v4  }
0x99: {  	v5 =	vsel vm8, $0x0, v10;
	v4 =	vadd.s32 v62, v4  }
0x9a: {  	v4 =	vadd.s32 v5, v4  }
0x9b: {  	s8 =	sadd.s32 $0x1, s8;
	v3 =	vadd.s32 v3, v4  }
0x9c: {  	p0 =	sne.s32 s8, s5;
	v3 =	vadd.s32 $0x1, v3  }
.Ltmp2:
0x9d: {  	[tilespmem:v2+s7+$0x0] =	vst.idx.msk vm5, v3;
	(pc) =	sbr.rel @p0 .LBB2_1-.Ltmp2, $4  }
0x9e: {  	[hbm4b:s4+s2] =	stream.linear.scatter [tilespmem:s7], [sflag:$0x1], $0x2800, $0x38;
	[tilespmem:$0x3C00] =	vst v63  }
0x9f: {  	_ =	swait.ge [sflag:s6], $0x2800  }
0xa0: {  	[sflag:s6] =	ssyncset.done $0x0  }
0xa1: {  	[sflag:s6] =	ssyncadd.s32 $0xFFFFD800  }
0xa2: {  	_ =	sfence.sel $0x180000  }
0xa3: {  	[bflag:$0x0] =	sbarrier.arrive $0xFFFF  }
0xa4: {  	p0 =	sne.s32 s0, $0x0;
	_ =	strace $0x90000047  }
0xa5: {  	s0 =	sadd.s32 @!p0 $0x100000, s1;
	[bflag:$0x2] =	sbarrier.arrive $0xFFFF  }
0xa6: {  	[sflag:s0] =	ssyncadd.tile.s32 @!p0 $0x1;
	_ =	shalt  }
.Lfunc_end2:
_tile_overlayer_lowered:
.L_overlay_start_2:
0xa7: {  	(tag) =	ssettag $0x2  }
0xa8: {  	s0 =	rddreg [dreg:$0x0];
	s2 =	stileid.u32  }
0xa9: {  	s1 =	rddreg [dreg:$0x1];
	p0 =	sne.s32 s2, $0x0  }
0xaa: {  	s3 =	rddreg [dreg:$0x2];
	[bflag:$0x3] =	sbarrier.arrive $0xFFFF;
	s2 =	simm.s32 @!p0 $0x1C01  }
0xab: {  	[timem:s3], [sflag:s2] =	dma.local @!p0 [hbm:s0], s1  }
0xac: {  	s0 =	simm.s32 @!p0 $0x1  }
0xad: {  	_ =	swait.ge @!p0 [sflag:s0], s1  }
0xae: {  	s1 =	ssub.s32 @!p0 $0x0, s1;
	[sflag:s0] =	ssyncset.done @!p0 $0x0  }
0xaf: {  	[sflag:s0] =	ssyncadd.s32 @!p0 s1  }
0xb0: {  	[bflag:$0x3] =	sbarrier.arrive $0xFFFF  }
0xb1: {  	_ =	shalt  }

// kernel: kernel.9.cloned.1.call-start
scs
__scs_entry_jumppad:
0x0: {  	(pc) =	sbr.rel $0x88, $3  }
0x1: {  	(tag) =	ssettag $0x0;
	lr =	simm.s32 $0x1  }
0x2: {  	[smem:$0x3F9D] =	sst lr;
	_ =	strace $0xD0000000  }
0x3: {  	_ = 	snop  }
0x4: {  	_ = 	snop  }
0x5: {  	_ = 	snop  }
0x6: {  	_ = 	snop  }
0x7: {  	_ = 	snop  }
__scs_overlays_trampoline_lowered:
0x8: {  	[smem:$0x3FAC] =	sst s0  }
0x9: {  	[smem:$0x3FAD] =	sst s1  }
0xa: {  	[smem:$0x3FAE] =	sst s2  }
0xb: {  	[smem:$0x3FAF] =	sst s3  }
0xc: {  	[smem:$0x3FB0] =	sst s4  }
0xd: {  	[smem:$0x3FB1] =	sst s5  }
0xe: {  	[smem:$0x3FB2] =	sst s6  }
0xf: {  	[smem:$0x3FB3] =	sst s7  }
0x10: {  	[smem:$0x3FB4] =	sst s8  }
0x11: {  	[smem:$0x3FB5] =	sst s9;
	s0 =	simm.s32 @!p0 $0x0  }
0x12: {  	s1 =	sld [smem:$0x3F9B];
	s0 =	simm.s32 @p0 $0x1  }
0x13: {  	[smem:$0x3FB6] =	sst s0;
	s0 =	simm.s32 @!p1 $0x0  }
0x14: {  	s2 =	sld [smem:$0x3F9A];
	s0 =	simm.s32 @p1 $0x1  }
0x15: {  	[smem:$0x3FB7] =	sst s0;
	s0 =	simm.s32 @!p2 $0x0  }
0x16: {  	s3 =	sld [smem:$0x3FDB];
	s0 =	simm.s32 @p2 $0x1  }
0x17: {  	s4 =	simm.s32 $0x1BF5;
	[smem:$0x3FB9] =	sst s0  }
0x18: {  	s0 =	sld [smem:$0x3F9C];
	_ =	swait.ge [sflag:s4], $0x0  }
0x19: {  	s7 =	sld [smem:$0x3F9D]  }
0x1a: {  	s8 =	sadd.s32 $0xFFFFE003, lr  }
0x1b: {  	s9 =	sadd.s32 $0xFFFFFEF7, lr;
	s5 =	simm.s32 $0xFFFFFFFF;
	p2 =	slt.u32 s8, $0xFFFFF086  }
0x1c: {  	p1 =	slt.u32 s9, $0xF7A;
	s5 =	simm.s32 @!p2 $0x0  }
0x1d: {  	s5 =	simm.s32 @p1 $0x1;
	p0 =	seq.s32 s7, s2  }
0x1e: {  	s7 =	smul.u32 @!p0 $0xF7A, s2;
	p2 =	seq.s32 @!p0 s5, $0x0  }
0x1f: {  	s9 =	smul.u32 $0xF7A, s1;
	s8 =	simm.s32 @!p0 $0x1BF5;
	p2 =	por !p2, p0  }
0x20: {  	[sflag:s8] =	ssyncset.s32 @!p0 $0xFFFFF086;
	s6 =	sadd.s32 @!p0 s3, s7;
	s7 =	simm.s32 @!p0 $0x108  }
0x21: {  	s3 =	sadd.s32 s3, s9;
	s6 =	sadd.s32 @!p0 $0x88, s6;
	s7 =	simm.s32 @p2 $0x1082  }
0x22: {  	[simem:s7], [sflag:s8] =	dma.local @!p0 [hbm:s6], $0xF7A  }
0x23: {  	s9 =	sor.u32 $0xD0000000, s2;
	s6 =	simm.s32 $0x108;
	_ =	swait.ge @!p0 [sflag:s8], $0x0  }
0x24: {  	s3 =	sadd.s32 $0x88, s3;
	s6 =	simm.s32 @!p1 $0x1082;
	[sflag:s4] =	ssyncset.s32 $0xFFFFF086  }
0x25: {  	[simem:s6], [sflag:s4] =	dma.local [hbm:s3], $0xF7A  }
0x26: {  	[smem:$0x3F9D] =	sst s1;
	(tag) =	ssettag s2;
	_ =	strace s9  }
0x27: {  	s1 =	sld [smem:$0x3FAD]  }
0x28: {  	s2 =	sld [smem:$0x3FAE]  }
0x29: {  	s4 =	sld [smem:$0x3FB0]  }
0x2a: {  	p0 =	seq.s32 s5, $0x0;
	s5 =	sld [smem:$0x3FB1]  }
0x2b: {  	s6 =	sld [smem:$0x3FB2]  }
0x2c: {  	s7 =	sld [smem:$0x3FB3]  }
0x2d: {  	s3 =	simm.s32 $0x108;
	s8 =	sld [smem:$0x3FB4]  }
0x2e: {  	s3 =	simm.s32 @!p0 $0x1082;
	s9 =	sld [smem:$0x3FB5]  }
0x2f: {  	lr =	sadd.s32 s0, s3;
	s0 =	sld [smem:$0x3FAC]  }
0x30: {  	s3 =	sld [smem:$0x3FAF]  }
0x31: {  	[smem:$0x3FB8] =	sst s10  }
0x32: {  	s10 =	sld [smem:$0x3FB6];
	_ =	sdelay $0x3  }
0x33: {  	p0 =	seq.s32 s10, $0x1;
	s10 =	sld [smem:$0x3FB8];
	_ =	sdelay $0x3  }
0x34: {  	[smem:$0x3FB8] =	sst s10  }
0x35: {  	s10 =	sld [smem:$0x3FB7];
	_ =	sdelay $0x3  }
0x36: {  	p1 =	seq.s32 s10, $0x1;
	s10 =	sld [smem:$0x3FB8];
	_ =	sdelay $0x3  }
0x37: {  	[smem:$0x3FB8] =	sst s10  }
0x38: {  	s10 =	sld [smem:$0x3FB9]  }
0x39: {  	_ = 	snop;
	(pc) =	sbr.ind lr, $3  }
0x3a: {  	_ = 	snop  }
0x3b: {  	_ = 	snop  }
0x3c: {  	p2 =	seq.s32 s10, $0x1;
	s10 =	sld [smem:$0x3FB8]  }
0x3d: {  	_ =	shalt  }
0x3e: {  	_ =	shalt  }
0x3f: {  	_ =	shalt  }
0x40: {  	_ =	shalt  }
0x41: {  	_ =	shalt  }
0x42: {  	_ =	shalt  }
0x43: {  	_ =	shalt  }
0x44: {  	_ =	shalt  }
0x45: {  	_ =	shalt  }
0x46: {  	_ =	shalt  }
0x47: {  	_ =	shalt  }
0x48: {  	_ =	shalt  }
0x49: {  	_ =	shalt  }
0x4a: {  	_ =	shalt  }
0x4b: {  	_ =	shalt  }
0x4c: {  	_ =	shalt  }
0x4d: {  	_ =	shalt  }
0x4e: {  	_ =	shalt  }
0x4f: {  	_ =	shalt  }
0x50: {  	_ =	shalt  }
0x51: {  	_ =	shalt  }
0x52: {  	_ =	shalt  }
0x53: {  	_ =	shalt  }
0x54: {  	_ =	shalt  }
0x55: {  	_ =	shalt  }
0x56: {  	_ =	shalt  }
0x57: {  	_ =	shalt  }
0x58: {  	_ =	shalt  }
0x59: {  	_ =	shalt  }
0x5a: {  	_ =	shalt  }
0x5b: {  	_ =	shalt  }
0x5c: {  	_ =	shalt  }
0x5d: {  	_ =	shalt  }
0x5e: {  	_ =	shalt  }
0x5f: {  	_ =	shalt  }
0x60: {  	_ =	shalt  }
0x61: {  	_ =	shalt  }
0x62: {  	_ =	shalt  }
0x63: {  	_ =	shalt  }
0x64: {  	_ =	shalt  }
0x65: {  	_ =	shalt  }
0x66: {  	_ =	shalt  }
0x67: {  	_ =	shalt  }
0x68: {  	_ =	shalt  }
0x69: {  	_ =	shalt  }
0x6a: {  	_ =	shalt  }
0x6b: {  	_ =	shalt  }
0x6c: {  	_ =	shalt  }
0x6d: {  	_ =	shalt  }
0x6e: {  	_ =	shalt  }
0x6f: {  	_ =	shalt  }
0x70: {  	_ =	shalt  }
0x71: {  	_ =	shalt  }
0x72: {  	_ =	shalt  }
0x73: {  	_ =	shalt  }
0x74: {  	_ =	shalt  }
0x75: {  	_ =	shalt  }
0x76: {  	_ =	shalt  }
0x77: {  	_ =	shalt  }
0x78: {  	_ =	shalt  }
0x79: {  	_ =	shalt  }
0x7a: {  	_ =	shalt  }
0x7b: {  	_ =	shalt  }
0x7c: {  	_ =	shalt  }
0x7d: {  	_ =	shalt  }
0x7e: {  	_ =	shalt  }
0x7f: {  	_ =	shalt  }
0x80: {  	_ =	shalt  }
0x81: {  	_ =	shalt  }
0x82: {  	_ =	shalt  }
0x83: {  	_ =	shalt  }
0x84: {  	_ =	shalt  }
0x85: {  	_ =	shalt  }
0x86: {  	_ =	shalt  }
0x87: {  	_ =	shalt  }
.Lfunc_end0:
.L_simem_size_0:
called_computation.1_lowered:
.L_overlay_start_0:
0x88: {  	s2 =	sld [smem:$0x3FD9]  }
0x89: {  	s3 =	sld [smem:$0x3FFE];
	_ =	sdelay $0x1  }
0x8a: {  	s1 =	srdreg.scid  }
0x8b: {  	s0 =	sand.u32 $0x1, s1  }
0x8c: {  	s17 =	sshll.u32 s0, $0xA;
	s2 =	sadd.s32 s3, s2  }
0x8d: {  	s2 =	sadd.s32 s2, s17  }
0x8e: {  	[smem:$0x3FC4] =	sst s2  }
0x8f: {  	_ = 	snop  }
0x90: {  	s2 =	sld [smem:$0x3FD0];
	(tm) =	ssettm $0x1  }
0x91: {  	s18 =	sld [smem:$0x3FFB];
	_ =	sdelay $0x3  }
0x92: {  	_ =	strace s18  }
0x93: {  	s3 =	sld [smem:$0x3FFC];
	_ =	sdelay $0x3  }
0x94: {  	_ =	strace s3  }
0x95: {  	s3 =	sld [smem:$0x3FFD];
	_ =	sdelay $0x3  }
0x96: {  	_ =	strace s3  }
0x97: {  	_ =	strace $0x8FFFFFFF  }
0x98: {  	s19 =	sld [smem:$0x3FDB];
	_ =	sdelay $0x1  }
0x99: {  	s4 =	simm.s32 $_scs_section_size  }
0x9a: {  	s5 =	simm.s32 $_size__tile_overlayer_lowered;
	s6 =	simm.s32 $_tile_overlayer_lowered  }
0x9b: {  	s22 =	simm.s32 $0x1BFF;
	s21 =	sshll.u32 s6, $0x1;
	s3 =	sadd.s32 s4, s19  }
0x9c: {  	s7 =	simm.s32 $0x0;
	s20 =	sshll.u32 s5, $0x1;
	s5 =	sadd.s32 s21, s3  }
0x9d: {  	[timem:s7], [sflag:s22] =	dma.local [hbm:s5], s20  }
0x9e: {  	_ =	swait.ge [sflag:s22], s20  }
0x9f: {  	s4 =	ssub.s32 $0x0, s20;
	[sflag:s22] =	ssyncset.done $0x0  }
0xa0: {  	[sflag:s22] =	ssyncadd.s32 s4;
	_ =	sdelay $0x1  }
0xa1: {  	s23 =	simm.s32 $0x1B8B  }
0xa2: {  	_ =	swait.ge [sflag:s23], $0x1  }
0xa3: {  	[sflag:s23] =	ssyncset.done $0x0  }
0xa4: {  	s25 =	simm.s32 $0x1B8E;
	s24 =	sld [smem:$0x3FFE];
	[sflag:s23] =	ssyncadd.s32 $0xFFFFFFFF  }
0xa5: {  	s26 =	simm.s32 $execute0_lowered;
	[smem:$0x3FD2] =	sst s25  }
0xa6: {  	s5 =	sshll.u32 s26, $0x1;
	_ =	strace $0x80000049;
	[dreg:$0x1] =	wrdreg $0xFFFFFFFF  }
0xa7: {  	s28 =	simm.s32 $_size_execute0_lowered;
	s3 =	sadd.s32 s3, s5;
	[dreg:$0x0] =	wrdreg $0x0  }
0xa8: {  	s5 =	sshll.u32 s28, $0x1;
	[dreg:$0x2] =	wrdreg s3  }
0xa9: {  	[dreg:$0x3] =	wrdreg s5  }
0xaa: {  	[dreg:$0x4] =	wrdreg $0xC0  }
0xab: {  	_ =	task [dreg:s7], $0x5FFFF  }
0xac: {  	[dreg:$0x1] =	wrdreg $0xFFFFFFFF  }
0xad: {  	[dreg:$0x0] =	wrdreg $0x60  }
0xae: {  	[dreg:$0x2] =	wrdreg s2  }
0xaf: {  	[dreg:$0x3] =	wrdreg s24  }
0xb0: {  	[dreg:$0x4] =	wrdreg $0x9  }
0xb1: {  	_ =	task.clear_ibuf [dreg:s7], $0x5FFFF;
	_ =	strace $0x90000049  }
0xb2: {  	s29 =	simm.s32 $0x9;
	_ =	strace $0x8000004B  }
0xb3: {  	_ =	swait.ge [sflag:s29], $0x1  }
0xb4: {  	[sflag:s29] =	ssyncadd.s32 $0xFFFFFFFF  }
0xb5: {  	_ =	strace $0x9000004B  }
0xb6: {  	_ =	sfence  }
0xb7: {  	s30 =	sld [smem:$0x0];
	_ =	sdelay $0x2  }
0xb8: {  	s31 =	sshll.u32 s1, $0xD;
	s1 =	sshrl.u32 s1, $0x2  }
0xb9: {  	s3 =	sand.u32 $0x4000, s31;
	s1 =	sadd.s32 s1, s30  }
0xba: {  	s0 =	sor.u32 s3, s0;
	s1 =	sshll.u32 s1, $0x11  }
0xbb: {  	s0 =	sor.u32 s1, s0  }
0xbc: {  	s0 =	sadd.s32 $0x8F2B, s0  }
0xbd: {  	[sflag:s0] =	ssyncadd.remote.s32 $0x1  }
0xbe: {  	_ =	sfence.sel $0xFFFF  }
0xbf: {  	[dreg:$0x0] =	wrdreg $0xFFFFFFFF;
	(pc) =	sbr.abs _section_cstart, $3  }
0xc0: {  	[dreg:$0x1] =	wrdreg $0xFFFFFFFF  }
0xc1: {  	_ =	task.clear_ibuf [dreg:s7], $0x2FFFF;
	_ =	strace $0x9FFFFFFF  }
0xc2: {  	(tm) =	ssettm $0x7FFFFFFF  }
0xc3: {  	_ =	shalt  }
tec
execute0_lowered:
.L_overlay_start_1:
0x0: {  	(tag) =	ssettag $0x1  }
0x1: {  	s3 =	rddreg [dreg:$0x0]  }
0x2: {  	s5 =	rddreg [dreg:$0x1];
	s2 =	simm.s32 $0x0;
	vm15 =	vmmov $0x3fff;
	v2 =	vimm.s32 $0x0  }
0x3: {  	s1 =	srdreg.scid;
	[smem:$0x7FF] =	sst s2;
	v2 =	vsel vm15, $0xFFFFFFFF, v2  }
0x4: {  	vm3 =	vmmov $0x3;
	s4 =	sand.u32 $0x1, s1;
	s1 =	rddreg [dreg:$0x2];
	_ =	strace $0x8000004A;
	[tilespmem:$0x1FF90] =	vst v2;
	v2 =	vimm.s32 $0x0  }
0x5: {  	v2 =	vsel vm3, $0xFFFFFFFF, v2  }
0x6: {  	vm5 =	vmmov $0x7;
	[tilespmem:$0x1FFA0] =	vst v2;
	v2 =	vimm.s32 $0x0  }
0x7: {  	s0 =	stileid.u32;
	v2 =	vsel vm5, $0xFFFFFFFF, v2  }
0x8: {  	vm7 =	vmmov $0x1f;
	s6 =	sshll.u32 s0, $0x1;
	[tilespmem:$0x1FFB0] =	vst v2;
	v2 =	vimm.s32 $0x0  }
0x9: {  	s6 =	sor.u32 s4, s6;
	v2 =	vsel vm7, $0xFFFFFFFF, v2  }
0xa: {  	vm9 =	vmmov $0x7f;
	s7 =	smul.u32 $0x272, s6;
	[tilespmem:$0x1FFC0] =	vst v2;
	v2 =	vimm.s32 $0x0  }
0xb: {  	v0 =	vimm.s32 $0x0;
	s4 =	ssub.s32 $0x2, s4;
	s8 =	smul.u32 $0x2D00, s6;
	v2 =	vsel vm9, $0xFFFFFFFF, v2  }
0xc: {  	v1 =	vlaneseq.u32;
	vm10 =	vmmov $0xff;
	s11 =	simm.s32 $0x5000;
	s10 =	sshrl.u32 s4, $0x1;
	s6 =	smul.u32 $0x500, s6;
	[tilespmem:$0x1FFD0] =	vst v2;
	v2 =	vimm.s32 $0x0  }
0xd: {  	vm2 =	vmmov $0x1;
	vm14 =	vmmov $0xf;
	s12 =	simm.s32 $0x0;
	s10 =	ssub.s32 s4, s10;
	s9 =	sadd.s32 s7, s5;
	v2 =	vsel vm10, $0xFFFFFFFF, v2  }
0xe: {  	vm4 =	vmmov $0x3f;
	vm0 =	vmmov $0x7fff;
	s8 =	sadd.s32 s8, s5;
	s3 =	sadd.s32 s3, s7;
	s5 =	sadd.s32 s5, s6;
	[tilespmem:$0x1FFE0] =	vst v2;
	v2 =	vimm.s32 $0x0  }
0xf: {  	vm6 =	vmmov $0x1ff;
	vm11 =	vmmov $0x3ff;
	s7 =	smax.u32 s10, $0x1;
	s10 =	simm.s32 $0x2800;
	s4 =	sadd.s32 $0xA000, s9;
	v2 =	vsel vm0, $0xFFFFFFFF, v2  }
0x10: {  	vm8 =	vmmov $0x7ff;
	vm12 =	vmmov $0xfff;
	vm13 =	vmmov $0x1fff;
	s6 =	sadd.s32 $0xF000, s8;
	s8 =	simm.s32 $0x1;
	s9 =	simm.s32 $0x1400;
	[tilespmem:$0x1FFF0] =	vst v2  }
.LBB2_1:
0x11: {  	s13 =	simm.s32 $0x0;
	s14 =	simm.s32 $0x200  }
.LBB2_2:
0x12: {  	p0 =	sne.s32 s14, $0x59E00;
	[tilespmem:s13+$0x5070] =	vst v0  }
0x13: {  	[tilespmem:s13+$0x5000] =	vst v0  }
0x14: {  	[tilespmem:s13+$0x5010] =	vst v0  }
.Ltmp0:
0x15: {  	[tilespmem:s13+$0x5020] =	vst v0;
	(pc) =	sbr.rel @p0 .LBB2_2-.Ltmp0, $4  }
0x16: {  	[tilespmem:s13+$0x5030] =	vst v0  }
0x17: {  	[tilespmem:s13+$0x5040] =	vst v0  }
0x18: {  	[tilespmem:s13+$0x5050] =	vst v0  }
0x19: {  	[tilespmem:s13+$0x5060] =	vst v0;
	s13 =	sshra.s32 s14, $0x2;
	s14 =	sadd.s32 $0x200, s14  }
0x1a: {  	[tilespmem:s13+$0x5070] =	vst v0  }
0x1b: {  	[tilespmem:s13+$0x5000] =	vst v0  }
0x1c: {  	[tilespmem:s13+$0x5010] =	vst v0  }
0x1d: {  	[tilespmem:s13+$0x5020] =	vst v0  }
0x1e: {  	[tilespmem:s13+$0x5030] =	vst v0  }
0x1f: {  	[tilespmem:s13+$0x5040] =	vst v0  }
0x20: {  	[tilespmem:s13+$0x5050] =	vst v0  }
0x21: {  	[tilespmem:s13+$0x5060] =	vst v0;
	s31 =	simm.s32 $0x0  }
0x22: {  	[tilespmem:s31], [sflag:$0x1] =	stream.linear.gather [hbm4b:s3+s31], $0x1390, $0x38;
	[tilespmem:$0x1B800] =	vst v63  }
0x23: {  	_ =	swait.ge [sflag:s8], $0x1390  }
0x24: {  	[sflag:s8] =	ssyncset.done $0x0  }
0x25: {  	[sflag:s8] =	ssyncadd.s32 $0xFFFFEC70  }
0x26: {  	[tilespmem:s9], [sflag:$0x1] =	stream.linear.gather [hbm4b:s4+s31], $0x1390, $0x38;
	[tilespmem:$0x1B800] =	vst v63  }
0x27: {  	_ =	swait.ge [sflag:s8], $0x1390  }
0x28: {  	[sflag:s8] =	ssyncset.done $0x0  }
0x29: {  	[sflag:s8] =	ssyncadd.s32 $0xFFFFEC70  }
0x2a: {  	[tilespmem:s10], [sflag:$0x1] =	stream.linear.gather [hbm4b:s5+s31], $0x2800, $0x38;
	[tilespmem:$0x1B800] =	vst v63  }
0x2b: {  	_ =	swait.ge [sflag:s8], $0x2800  }
0x2c: {  	[sflag:s8] =	ssyncset.done $0x0  }
0x2d: {  	s13 =	simm.s32 $0x0;
	[sflag:s8] =	ssyncadd.s32 $0xFFFFD800  }
0x2e: {  	v2 =	vld [tilespmem:s13+$0x0];
	_ =	sdelay $0x4  }
0x2f: {  	v3 =	vbroadcast v2, $0x1  }
0x30: {  	v4 =	vbroadcast v2, $0xC;
	v5 =	vbroadcast v2, $0x6  }
0x31: {  	v6 =	vbroadcast v2, $0xB;
	v7 =	vbroadcast v2, $0x7  }
0x32: {  	v8 =	vbroadcast v2, $0xA;
	v9 =	vbroadcast v2, $0x0  }
0x33: {  	v10 =	vbroadcast v2, $0x4;
	v11 =	vbroadcast v2, $0x5  }
0x34: {  	vm1 =	veq.s32 v2, v3;
	v3 =	vbroadcast v2, $0x8;
	vm15 =	veq.s32 v2, v5  }
0x35: {  	v5 =	vbroadcast v2, $0x9;
	v12 =	vsel vm1, $0x1, v0;
	vm1 =	veq.s32 v2, v7  }
0x36: {  	v7 =	vbroadcast v2, $0x3;
	v13 =	vsel vm15, $0x1, v0;
	vm15 =	veq.s32 v2, v9  }
0x37: {  	v9 =	vbroadcast v2, $0x2;
	v14 =	vsel vm1, $0x1, v0;
	v15 =	vsel vm15, $0x1, v0  }
0x38: {  	vm15 =	veq.s32 v2, v11;
	v20 =	vsel vm9, $0x0, v13;
	vm1 =	veq.s32 v2, v7  }
0x39: {  	v21 =	vsel vm3, $0x0, v12;
	v12 =	vnsel vm2, $0x0, v12;
	v7 =	vsel vm1, $0x1, v0  }
0x3a: {  	vm1 =	veq.s32 v2, v9;
	v9 =	vsel vm15, $0x1, v0;
	vm15 =	veq.s32 v2, v3  }
0x3b: {  	v11 =	vsel vm1, $0x1, v0;
	vm1 =	veq.s32 v2, v5;
	v17 =	vsel vm15, $0x1, v0  }
0x3c: {  	vm15 =	veq.s32 v2, v6;
	v6 =	vld.idx.msk [tilespmem:v2+s10+$0x0], $0xffff;
	v5 =	vsel vm1, $0x1, v0;
	vm1 =	veq.s32 v2, v10  }
0x3d: {  	v3 =	vbroadcast v2, $0xD;
	v16 =	vsel vm1, $0x1, v0;
	vm1 =	veq.s32 v2, v8  }
0x3e: {  	v22 =	vnsel vm7, $0x0, v9;
	v8 =	vsel vm1, $0x1, v0;
	vm1 =	veq.s32 v2, v4  }
0x3f: {  	v23 =	vnsel vm5, $0x0, v7;
	v18 =	vsel vm1, $0x1, v0;
	vm1 =	veq.s32 v2, v3  }
0x40: {  	v26 =	vsel vm14, $0x0, v7;
	v19 =	vsel vm1, $0x1, v0;
	vm1 =	veq.s32 v1, $0x0  }
0x41: {  	v24 =	vsel vm5, $0x0, v11;
	v6 =	vadd.s32 v6, v21;
	v15 =	vsel vm1, $0x0, v15  }
0x42: {  	v25 =	vsel vm11, $0x0, v5;
	v4 =	vnsel vm6, $0x0, v5;
	v6 =	vadd.s32 v15, v6  }
0x43: {  	v5 =	vnsel vm11, $0x0, v8;
	v7 =	vsel vm8, $0x0, v8;
	v8 =	vadd.s32 v24, v6  }
0x44: {  	v11 =	vnsel vm3, $0x0, v11;
	v62 =	vsel vm7, $0x0, v16;
	v24 =	vadd.s32 v26, v8  }
0x45: {  	v9 =	vsel vm4, $0x0, v9;
	v11 =	vadd.s32 v11, v12;
	v63 =	vadd.s32 v62, v24  }
0x46: {  	v16 =	vnsel vm14, $0x0, v16;
	v11 =	vadd.s32 v23, v11;
	v9 =	vadd.s32 v9, v63  }
0x47: {  	v3 =	vnsel vm9, $0x0, v14;
	v14 =	vsel vm10, $0x0, v14;
	v9 =	vadd.s32 v20, v9  }
0x48: {  	v9 =	vadd.s32 v14, v9;
	v14 =	vadd.s32 v16, v11;
	v11 =	vld [tilespmem:$0x1FF90];
	_ =	sdelay $0x1  }
0x49: {  	v13 =	vnsel vm4, $0x0, v13  }
0x4a: {  	v10 =	vsel vm15, $0x1, v0;
	v12 =	vnsel vm10, $0x0, v17;
	v15 =	vsel vm6, $0x0, v17  }
0x4b: {  	v6 =	vnsel vm12, $0x0, v18;
	v8 =	vsel vm13, $0x0, v18;
	v14 =	vadd.s32 v22, v14  }
0x4c: {  	v15 =	vadd.s32 v15, v9;
	v9 =	vnsel vm13, $0x0, v19;
	vm15 =	vnez.u8 v11  }
0x4d: {  	s14 =	simm.s32 $0x40;
	v14 =	vadd.s32 v13, v14;
	v13 =	vadd.s32 v25, v15;
	v11 =	vsel vm15, $0x0, v19  }
.LBB2_4:
0x4e: {  	v3 =	vadd.s32 v3, v14  }
0x4f: {  	v3 =	vadd.s32 v12, v3  }
0x50: {  	v3 =	vadd.s32 v4, v3  }
0x51: {  	v3 =	vadd.s32 v5, v3;
	v5 =	vld [tilespmem:$0x1FFF0];
	_ =	sdelay $0x1  }
0x52: {  	v16 =	vbroadcast v2, $0xE  }
0x53: {  	v15 =	vnsel vm8, $0x0, v10;
	v10 =	vsel vm12, $0x0, v10;
	v7 =	vadd.s32 v7, v13  }
0x54: {  	v17 =	vbroadcast v2, $0xF;
	v7 =	vadd.s32 v10, v7;
	vm1 =	veq.s32 v2, v16  }
0x55: {  	v7 =	vadd.s32 v8, v7;
	v4 =	vsel vm1, $0x1, v0;
	vm0 =	vnez.u8 v5  }
0x56: {  	v7 =	vadd.s32 v11, v7;
	v3 =	vadd.s32 v15, v3;
	v5 =	vsel vm0, $0x0, v4  }
0x57: {  	vm1 =	veq.s32 v2, v17;
	v3 =	vadd.s32 v6, v3;
	v5 =	vadd.s32 v5, v7  }
0x58: {  	v6 =	vsel vm1, $0x1, v0;
	v3 =	vadd.s32 v9, v3;
	vm1 =	vlt.s32 v5, $0x8  }
0x59: {  	v4 =	vnsel vm15, $0x0, v4;
	vm0 =	veq.s32 v1, $0xF;
	v7 =	vnsel vm1, $0x8, v5  }
0x5a: {  	v3 =	vadd.s32 v4, v3;
	v4 =	vsel vm0, $0x0, v6;
	v6 =	vmul.u32 $0x2800, v7  }
0x5b: {  	v3 =	vadd.s32 v4, v3;
	v7 =	vld [tilespmem:s13+$0x1400]  }
0x5c: {  	vm1 =	veq.s32 v3, $0x0;
	v4 =	vadd.s32 v2, v6;
	_ =	sdelay $0x3  }
0x5d: {  	v14 =	vld [tilespmem:$0x1FFD0];
	v5 =	vadd.s32 v5, v3;
	v3 =	vadd.s32 $0x1, v7  }
0x5e: {  	s15 =	smov.u32 s14;
	v18 =	vld [tilespmem:$0x1FFE0];
	[tilespmem:v4+s11+$0x0] =	vst.idx.msk $0xffff, v3;
	v3 =	vadd.s32 $0x1, v5  }
0x5f: {  	v19 =	vld [tilespmem:$0x1FFC0];
	s13 =	sshra.s32 s15, $0x2;
	[tilespmem:v2+s10+$0x0] =	vst.idx.msk vm1, v3  }
0x60: {  	v2 =	vld [tilespmem:s13+$0x0];
	_ =	sdelay $0x1  }
0x61: {  	vm3 =	vmmov vm13  }
0x62: {  	vm13 =	vmmov vm8;
	vm8 =	vmmov vm2;
	vm7 =	vnez.u8 v14  }
0x63: {  	vm10 =	vnez.u8 v18;
	vm9 =	vnez.u8 v19;
	vm15 =	vmmov vm12  }
0x64: {  	vm12 =	vmmov vm11;
	v3 =	vbroadcast v2, $0x1;
	v6 =	vbroadcast v2, $0xC  }
0x65: {  	vm11 =	vmmov vm6;
	v4 =	vbroadcast v2, $0x6;
	v5 =	vbroadcast v2, $0xB  }
0x66: {  	vm6 =	vmmov vm14;
	v7 =	vbroadcast v2, $0xA;
	v8 =	vbroadcast v2, $0x0  }
0x67: {  	v9 =	vbroadcast v2, $0x8;
	v10 =	vbroadcast v2, $0x5;
	vm14 =	veq.s32 v2, v3  }
0x68: {  	v3 =	vbroadcast v2, $0x7;
	vm1 =	veq.s32 v2, v5;
	v5 =	vbroadcast v2, $0x4  }
0x69: {  	vm0 =	veq.s32 v2, v4;
	v4 =	vbroadcast v2, $0x9;
	vm2 =	veq.s32 v2, v8  }
0x6a: {  	v8 =	vbroadcast v2, $0x2;
	v12 =	vsel vm14, $0x1, v0;
	v13 =	vsel vm0, $0x1, v0  }
0x6b: {  	v60 =	vsel vm2, $0x1, v0;
	vm2 =	veq.s32 v2, v10;
	v10 =	vbroadcast v2, $0xD  }
0x6c: {  	vm14 =	veq.s32 v2, v3;
	v3 =	vbroadcast v2, $0x3;
	v14 =	vsel vm7, $0x0, v13  }
0x6d: {  	v61 =	vsel vm2, $0x1, v0;
	vm2 =	veq.s32 v2, v4;
	v13 =	vnsel vm4, $0x0, v13  }
0x6e: {  	v15 =	vsel vm14, $0x1, v0;
	vm14 =	veq.s32 v2, v8;
	v19 =	vnsel vm9, $0x0, v61  }
0x6f: {  	v17 =	vsel vm4, $0x0, v61;
	vm0 =	veq.s32 v2, v3;
	v3 =	vld [tilespmem:$0x1FFA0];
	v62 =	vsel vm14, $0x1, v0  }
0x70: {  	vm14 =	veq.s32 v2, v5;
	v5 =	vld [tilespmem:$0x1FF90];
	v8 =	vsel vm0, $0x1, v0;
	vm0 =	veq.s32 v2, v9  }
0x71: {  	v4 =	vld [tilespmem:$0x1FFB0];
	v22 =	vsel vm14, $0x1, v0;
	vm14 =	vmmov vm6;
	vm6 =	vmmov vm11  }
0x72: {  	vm11 =	vmmov vm12;
	vm12 =	vmmov vm15;
	v25 =	vsel vm0, $0x1, v0  }
0x73: {  	v24 =	vsel vm9, $0x0, v22;
	vm0 =	veq.s32 v2, v6;
	v63 =	vsel vm6, $0x0, v25  }
0x74: {  	vm5 =	vnez.u8 v3;
	v3 =	vnsel vm7, $0x0, v15;
	vm7 =	veq.s32 v1, $0x0  }
0x75: {  	v11 =	vld.idx.msk [tilespmem:v2+s10+$0x0], $0xffff;
	v15 =	vsel vm10, $0x0, v15;
	vm15 =	vnez.u8 v5;
	v9 =	vsel vm5, $0x0, v12  }
0x76: {  	v16 =	vsel vm7, $0x0, v60;
	vm7 =	vnez.u8 v4;
	v4 =	vsel vm2, $0x1, v0  }
0x77: {  	vm2 =	veq.s32 v2, v7;
	v18 =	vnsel vm5, $0x0, v62;
	v20 =	vnsel vm7, $0x0, v8  }
0x78: {  	v21 =	vsel vm7, $0x0, v62;
	v23 =	vsel vm11, $0x0, v4;
	v4 =	vnsel vm6, $0x0, v4  }
0x79: {  	v8 =	vsel vm14, $0x0, v8;
	v7 =	vsel vm2, $0x1, v0;
	vm2 =	vmmov vm8  }
0x7a: {  	vm8 =	vmmov vm13;
	vm13 =	vmmov vm3;
	v9 =	vadd.s32 v11, v9  }
0x7b: {  	v5 =	vnsel vm11, $0x0, v7;
	v7 =	vsel vm8, $0x0, v7;
	v6 =	vadd.s32 v16, v9  }
0x7c: {  	v9 =	vsel vm0, $0x1, v0;
	v12 =	vnsel vm2, $0x0, v12;
	v11 =	vadd.s32 v21, v6  }
0x7d: {  	vm0 =	veq.s32 v2, v10;
	v6 =	vnsel vm12, $0x0, v9;
	v11 =	vadd.s32 v8, v11  }
0x7e: {  	p0 =	sne.s32 s14, $0x4E00;
	v10 =	vadd.s32 v18, v12;
	v8 =	vsel vm3, $0x0, v9;
	v9 =	vadd.s32 v24, v11  }
.Ltmp1:
0x7f: {  	v10 =	vadd.s32 v20, v10;
	v11 =	vnsel vm14, $0x0, v22;
	v9 =	vadd.s32 v17, v9;
	(pc) =	sbr.rel @p0 .LBB2_4-.Ltmp1, $4  }
0x80: {  	v12 =	vnsel vm10, $0x0, v25;
	v10 =	vadd.s32 v11, v10;
	v9 =	vadd.s32 v14, v9  }
0x81: {  	v14 =	vsel vm0, $0x1, v0;
	v10 =	vadd.s32 v19, v10;
	v15 =	vadd.s32 v15, v9  }
0x82: {  	v11 =	vsel vm15, $0x0, v14;
	v9 =	vnsel vm3, $0x0, v14;
	v15 =	vadd.s32 v63, v15  }
0x83: {  	s14 =	sadd.s32 $0x40, s14;
	v14 =	vadd.s32 v13, v10;
	v10 =	vsel vm1, $0x1, v0;
	v13 =	vadd.s32 v23, v15  }
0x84: {  	v57 =	vld [tilespmem:$0x1FFF0]  }
0x85: {  	v15 =	vnsel vm8, $0x0, v10;
	v16 =	vbroadcast v2, $0xE  }
0x86: {  	v3 =	vadd.s32 v3, v14;
	v55 =	vsel vm12, $0x0, v10;
	v7 =	vadd.s32 v7, v13  }
0x87: {  	v17 =	vbroadcast v2, $0xF;
	v3 =	vadd.s32 v12, v3;
	v7 =	vadd.s32 v55, v7  }
0x88: {  	vm0 =	veq.s32 v2, v16;
	v3 =	vadd.s32 v4, v3;
	v7 =	vadd.s32 v8, v7  }
0x89: {  	v56 =	vsel vm0, $0x1, v0;
	v3 =	vadd.s32 v5, v3;
	vm1 =	vnez.u8 v57  }
0x8a: {  	v7 =	vadd.s32 v11, v7;
	vm0 =	veq.s32 v2, v17;
	v5 =	vsel vm1, $0x0, v56  }
0x8b: {  	v3 =	vadd.s32 v15, v3;
	v58 =	vsel vm0, $0x1, v0;
	v5 =	vadd.s32 v5, v7  }
0x8c: {  	v4 =	vnsel vm15, $0x0, v56;
	v3 =	vadd.s32 v6, v3;
	vm0 =	vlt.s32 v5, $0x8  }
0x8d: {  	v3 =	vadd.s32 v9, v3;
	v7 =	vnsel vm0, $0x8, v5;
	vm0 =	veq.s32 v1, $0xF  }
0x8e: {  	v3 =	vadd.s32 v4, v3;
	v59 =	vsel vm0, $0x0, v58;
	v60 =	vmul.u32 $0x2800, v7  }
0x8f: {  	v61 =	vld [tilespmem:s13+$0x1400];
	v3 =	vadd.s32 v59, v3  }
0x90: {  	v62 =	vadd.s32 v2, v60;
	vm0 =	veq.s32 v3, $0x0;
	_ =	sdelay $0x3  }
0x91: {  	v63 =	vadd.s32 $0x1, v61;
	v3 =	vadd.s32 v5, v3  }
0x92: {  	v3 =	vadd.s32 $0x1, v3;
	[tilespmem:v62+s11+$0x0] =	vst.idx.msk $0xffff, v63  }
0x93: {  	[tilespmem:v2+s10+$0x0] =	vst.idx.msk vm0, v3  }
0x94: {  	[hbm4b:s6+s2] =	stream.linear.scatter [tilespmem:s11], [sflag:$0x1], $0x16800, $0x38;
	[tilespmem:$0x1B800] =	vst v63  }
0x95: {  	_ =	swait.ge [sflag:s8], $0x16800  }
0x96: {  	v2 =	vld [tilespmem:$0x1FFA0];
	_ =	sdelay $0x4  }
0x97: {  	vm3 =	vnez.u8 v2;
	v2 =	vld [tilespmem:$0x1FFB0];
	_ =	sdelay $0x4  }
0x98: {  	vm5 =	vnez.u8 v2;
	v2 =	vld [tilespmem:$0x1FFC0];
	_ =	sdelay $0x4  }
0x99: {  	vm7 =	vnez.u8 v2;
	v2 =	vld [tilespmem:$0x1FFD0];
	_ =	sdelay $0x3  }
0x9a: {  	s12 =	sadd.s32 $0x1, s12  }
0x9b: {  	p0 =	sne.s32 s12, s7;
	vm9 =	vnez.u8 v2;
	v2 =	vld [tilespmem:$0x1FFE0]  }
.Ltmp2:
0x9c: {  	_ = 	snop;
	(pc) =	sbr.rel @p0 .LBB2_1-.Ltmp2, $3  }
0x9d: {  	_ =	sdelay $0x1  }
0x9e: {  	[sflag:s8] =	ssyncset.done $0x0  }
0x9f: {  	[sflag:s8] =	ssyncadd.s32 $0xFFFE9800;
	vm10 =	vnez.u8 v2  }
0xa0: {  	_ =	sfence.sel $0x180000  }
0xa1: {  	[bflag:$0x0] =	sbarrier.arrive $0xFFFF  }
0xa2: {  	p0 =	sne.s32 s0, $0x0;
	_ =	strace $0x9000004A  }
0xa3: {  	s0 =	sadd.s32 @!p0 $0x100000, s1;
	[bflag:$0x2] =	sbarrier.arrive $0xFFFF  }
0xa4: {  	[sflag:s0] =	ssyncadd.tile.s32 @!p0 $0x1;
	_ =	shalt  }
.Lfunc_end2:
_tile_overlayer_lowered:
.L_overlay_start_2:
0xa5: {  	(tag) =	ssettag $0x2  }
0xa6: {  	s0 =	rddreg [dreg:$0x0];
	s2 =	stileid.u32  }
0xa7: {  	s1 =	rddreg [dreg:$0x1];
	p0 =	sne.s32 s2, $0x0  }
0xa8: {  	s3 =	rddreg [dreg:$0x2];
	[bflag:$0x3] =	sbarrier.arrive $0xFFFF;
	s2 =	simm.s32 @!p0 $0x1C01  }
0xa9: {  	[timem:s3], [sflag:s2] =	dma.local @!p0 [hbm:s0], s1  }
0xaa: {  	s0 =	simm.s32 @!p0 $0x1  }
0xab: {  	_ =	swait.ge @!p0 [sflag:s0], s1  }
0xac: {  	s1 =	ssub.s32 @!p0 $0x0, s1;
	[sflag:s0] =	ssyncset.done @!p0 $0x0  }
0xad: {  	[sflag:s0] =	ssyncadd.s32 @!p0 s1  }
0xae: {  	[bflag:$0x3] =	sbarrier.arrive $0xFFFF  }
0xaf: {  	_ =	shalt  }

</sc_bundles>
